<compile_context>
chip_gen: v7x
topology: tpu7x:2x2x1
jax: 0.10.2.dev20260603
libtpu: 0.0.44.dev20260713+nightly
codegen_flags: <defaults>
</compile_context>

<pallas_src>
import functools

import jax
import jax.numpy as jnp
from jax import lax
from jax.experimental import pallas as pl
from jax.experimental.pallas import tpu as pltpu
from jax.experimental.pallas import tpu_sc as plsc

N = 10000
D_IN = 256
D_HID = 128
E = 160000

NC = 2
NS = 16
NW = NC * NS
CB = 128
CHUNKS = 40
E_PAD = NW * CHUNKS * CB
NCHUNKS = E_PAD // CB
N0 = 72
N1 = 80 - N0
NMAX = max(N0, N1)
NPAD = 10240
STRIPE = NPAD // NS
RB = 2000

_mesh = plsc.VectorSubcoreMesh(core_axis_name="c", subcore_axis_name="s")


@functools.partial(
    pl.kernel,
    out_type=jax.ShapeDtypeStruct((NC, NPAD), jnp.float32),
    mesh=_mesh,
    scratch_types=[
        pltpu.VMEM((CHUNKS, CB), jnp.int32),
        pltpu.VMEM((CB,), jnp.float32),
        pltpu.VMEM((STRIPE,), jnp.float32),
        pltpu.VMEM_SHARED((NPAD,), jnp.float32),
    ],
)
def _deg_kernel(dst3, deg_out, dstv, ones_v, zer_v, acc):
    cid = lax.axis_index("c")
    sid = lax.axis_index("s")
    wid = cid * NS + sid

    def _zero(i, _):
        zer_v[pl.ds(i * 16, 16)] = jnp.zeros((16,), jnp.float32)
        return 0
    lax.fori_loop(0, STRIPE // 16, _zero, 0)

    def _one(i, _):
        ones_v[pl.ds(i * 16, 16)] = jnp.ones((16,), jnp.float32)
        return 0
    lax.fori_loop(0, CB // 16, _one, 0)

    pltpu.sync_copy(zer_v, acc.at[pl.ds(sid * STRIPE, STRIPE)])
    plsc.subcore_barrier()

    pltpu.sync_copy(dst3.at[wid], dstv)

    def _chunk(c, _):
        pltpu.sync_copy(ones_v, acc.at[dstv.at[c]], add=True)
        return 0
    lax.fori_loop(0, CHUNKS, _chunk, 0)
    plsc.subcore_barrier()

    pltpu.sync_copy(acc.at[pl.ds(sid * STRIPE, STRIPE)],
                    deg_out.at[cid, pl.ds(sid * STRIPE, STRIPE)])


def _make_agg_kernel(D):

    def body(g_hbm, srcf, dstf, agg_out, srcv, dstv, b0, zer_v, acc):
        cid = lax.axis_index("c")
        sid = lax.axis_index("s")
        nv = D // 16

        def _zero(k, _):
            i = k // nv
            j = k % nv
            zer_v[i, pl.ds(j * 16, 16)] = jnp.zeros((16,), jnp.float32)
            return 0
        lax.fori_loop(0, 64 * nv, _zero, 0)

        def _zstripe(i, _):
            pltpu.sync_copy(zer_v, acc.at[pl.ds(sid * STRIPE + i * 64, 64)])
            return 0
        lax.fori_loop(0, STRIPE // 64, _zstripe, 0)
        plsc.subcore_barrier()

        def _run(start, n):
            pltpu.sync_copy(srcf.at[pl.ds(start, n)], srcv.at[pl.ds(0, n)])
            pltpu.sync_copy(dstf.at[pl.ds(start, n)], dstv.at[pl.ds(0, n)])

            def _chunk(c, _):
                pltpu.sync_copy(g_hbm.at[srcv.at[c]], b0)
                pltpu.sync_copy(b0, acc.at[dstv.at[c]], add=True)
                return 0
            lax.fori_loop(0, n, _chunk, 0)

        @pl.when(cid == 0)
        def _():
            _run(sid * N0, N0)

        @pl.when(cid == 1)
        def _():
            _run(NS * N0 + sid * N1, N1)
        plsc.subcore_barrier()

        pltpu.sync_copy(acc.at[pl.ds(sid * STRIPE, STRIPE)],
                        agg_out.at[cid, pl.ds(sid * STRIPE, STRIPE)])

    return pl.kernel(
        body,
        out_type=jax.ShapeDtypeStruct((NC, NPAD, D), jnp.float32),
        mesh=_mesh,
        scratch_types=[
            pltpu.VMEM((NMAX, CB), jnp.int32),
            pltpu.VMEM((NMAX, CB), jnp.int32),
            pltpu.VMEM((CB, D), jnp.float32),
            pltpu.VMEM((64, D), jnp.float32),
            pltpu.VMEM_SHARED((NPAD, D), jnp.float32),
        ],
    )


_agg_kernel = _make_agg_kernel(D_HID)


def _t1_body(x_ref, w_ref, deg_ref, g_ref):
    dinv = lax.rsqrt(deg_ref[0] + deg_ref[1] + 1.0)
    g_ref[...] = dinv * jnp.dot(x_ref[...], w_ref[...],
                                preferred_element_type=jnp.float32)


def _t2_body(a_ref, g_ref, b_ref, w_ref, deg_ref, o_ref):
    dinv = lax.rsqrt(deg_ref[0] + deg_ref[1] + 1.0)
    h = dinv * (a_ref[0] + a_ref[1] + g_ref[...]) + b_ref[...]
    h = jnp.maximum(h, 0.0)
    o_ref[...] = dinv * jnp.dot(h, w_ref[...],
                                preferred_element_type=jnp.float32)


def _t3_body(a_ref, g_ref, b_ref, deg_ref, o_ref):
    dinv = lax.rsqrt(deg_ref[0] + deg_ref[1] + 1.0)
    h = dinv * (a_ref[0] + a_ref[1] + g_ref[...]) + b_ref[...]
    o_ref[...] = dinv * jnp.maximum(h, 0.0)


def _t4_body(a_ref, u_ref, w_ref, b_ref, deg_ref, o_ref):
    dinv = lax.rsqrt(deg_ref[0] + deg_ref[1] + 1.0)
    t = dinv * (a_ref[0] + a_ref[1] + u_ref[...])
    o_ref[...] = jnp.dot(t, w_ref[...],
                         preferred_element_type=jnp.float32) + b_ref[...]


def _row_spec(width):
    return pl.BlockSpec((RB, width), lambda i: (i, 0))


def _full(shape):
    return pl.BlockSpec(shape, lambda i: tuple(0 for _ in shape))


_deg_spec = pl.BlockSpec((NC, RB, 1), lambda i: (0, i, 0))
_agg_spec = pl.BlockSpec((NC, RB, D_HID), lambda i: (0, i, 0))
_grid = (N // RB,)


def kernel(x, edge_index, W1, b1, W2, b2, W3, b3):
    pad = E_PAD - E
    srcf = jnp.concatenate(
        [edge_index[0].astype(jnp.int32), jnp.zeros((pad,), jnp.int32)]
    ).reshape(NCHUNKS, CB)
    dstf = jnp.concatenate(
        [edge_index[1].astype(jnp.int32), jnp.full((pad,), N, jnp.int32)]
    ).reshape(NCHUNKS, CB)

    degp = _deg_kernel(dstf.reshape(NW, CHUNKS, CB)).reshape(NC, NPAD, 1)

    g1 = pl.pallas_call(
        _t1_body,
        grid=_grid,
        in_specs=[_row_spec(D_IN), _full((D_IN, D_HID)), _deg_spec],
        out_specs=_row_spec(D_HID),
        out_shape=jax.ShapeDtypeStruct((N, D_HID), jnp.float32),
    )(x, W1, degp)

    a1 = _agg_kernel(g1, srcf, dstf)

    g2 = pl.pallas_call(
        _t2_body,
        grid=_grid,
        in_specs=[_agg_spec, _row_spec(D_HID), _full((1, D_HID)),
                  _full((D_HID, D_HID)), _deg_spec],
        out_specs=_row_spec(D_HID),
        out_shape=jax.ShapeDtypeStruct((N, D_HID), jnp.float32),
    )(a1, g1, b1.reshape(1, D_HID), W2, degp)

    a2 = _agg_kernel(g2, srcf, dstf)

    u3 = pl.pallas_call(
        _t3_body,
        grid=_grid,
        in_specs=[_agg_spec, _row_spec(D_HID), _full((1, D_HID)), _deg_spec],
        out_specs=_row_spec(D_HID),
        out_shape=jax.ShapeDtypeStruct((N, D_HID), jnp.float32),
    )(a2, g2, b2.reshape(1, D_HID), degp)

    a3 = _agg_kernel(u3, srcf, dstf)

    W3p = jnp.pad(W3, ((0, 0), (0, 8 - W3.shape[1])))
    b3p = jnp.pad(b3, (0, 8 - b3.shape[0])).reshape(1, 8)
    outp = pl.pallas_call(
        _t4_body,
        grid=_grid,
        in_specs=[_agg_spec, _row_spec(D_HID), _full((D_HID, 8)),
                  _full((1, 8)), _deg_spec],
        out_specs=_row_spec(8),
        out_shape=jax.ShapeDtypeStruct((N, 8), jnp.float32),
    )(a3, u3, W3p, b3p, degp)

    return outp[:, : W3.shape[1]]

# --- scband reference (transcript-rebuilt; emitter-appended) ---
"""Pipeline reference for scband-gcnmodel-6279242187128 (READ-ONLY COPY).

The authoritative reference and input builder live on the scoring server;
editing this copy changes nothing except your own understanding.
"""

import jax, jax.numpy as jnp
import numpy as np

N_NODES = 10000
N_EDGES = 160000
D_IN = 256
D_HID = 128
D_OUT = 5


def setup_inputs(seed: int = 0) -> dict:
    key = jax.random.key(seed)
    ks = jax.random.split(key, 8)
    x = jax.random.normal(ks[0], (N_NODES, D_IN), dtype=jnp.float32)
    edge_index = jax.random.randint(ks[1], (2, N_EDGES), 0, N_NODES, dtype=jnp.int64)
    W1 = jax.random.normal(ks[2], (D_IN, D_HID), dtype=jnp.float32) * (1.0 / np.sqrt(D_IN))
    b1 = jnp.zeros((D_HID,), dtype=jnp.float32)
    W2 = jax.random.normal(ks[3], (D_HID, D_HID), dtype=jnp.float32) * (1.0 / np.sqrt(D_HID))
    b2 = jnp.zeros((D_HID,), dtype=jnp.float32)
    W3 = jax.random.normal(ks[4], (D_HID, D_OUT), dtype=jnp.float32) * (1.0 / np.sqrt(D_HID))
    b3 = jnp.zeros((D_OUT,), dtype=jnp.float32)
    return {"x": x, "edge_index": edge_index, "W1": W1, "b1": b1, "W2": W2, "b2": b2, "W3": W3, "b3": b3}


def _gcn_conv(x, src, dst, W, b):
    # GCNConv with symmetric normalization and self-loops (self-loops already
    # appended to src/dst by caller): out = D^-1/2 (A+I) D^-1/2 (x W) + b
    n = x.shape[0]
    h = x @ W
    deg = jnp.zeros((n,), dtype=x.dtype).at[dst].add(1.0)
    dinv = jnp.where(deg > 0, 1.0 / jnp.sqrt(deg), 0.0)
    norm = dinv[src] * dinv[dst]
    msg = h[src] * norm[:, None]
    out = jnp.zeros((n, W.shape[1]), dtype=x.dtype).at[dst].add(msg)
    return out + b


def reference(x, edge_index, W1, b1, W2, b2, W3, b3):
    n = x.shape[0]
    loops = jnp.arange(n, dtype=edge_index.dtype)
    src = jnp.concatenate([edge_index[0], loops])
    dst = jnp.concatenate([edge_index[1], loops])
    # eval mode: dropout is identity
    h = jax.nn.relu(_gcn_conv(x, src, dst, W1, b1))
    h = jax.nn.relu(_gcn_conv(h, src, dst, W2, b2))
    out = _gcn_conv(h, src, dst, W3, b3)
    return out

if __name__ == "__main__":
    import jax
    _d = setup_inputs()
    print(jax.jit(kernel)(*tuple(_d.values())))

</pallas_src>

<mosaic_0001>
#map = affine_map<(d0, d1) -> (0, 0, 0)>
#map1 = affine_map<(d0, d1) -> (0, 0)>
module attributes {stable_mosaic.version = 14 : i64} {
  func.func @_deg_kernel(%arg0: i32, %arg1: i32, %arg2: memref<32x40x128xi32, #tpu.memory_space<hbm>>, %arg3: memref<2x10240xf32, #tpu.memory_space<hbm>>, %arg4: memref<40x128xi32, #tpu.memory_space<vmem>>, %arg5: memref<128xf32, #tpu.memory_space<vmem>>, %arg6: memref<640xf32, #tpu.memory_space<vmem>>, %arg7: memref<10240xf32, #tpu.memory_space<vmem_shared>>) attributes {dimension_semantics = [#tpu.dimension_semantics<core_parallel>, #tpu.dimension_semantics<subcore_parallel>], iteration_bounds = array<i64: 2, 16>, scalar_prefetch = 0 : i64, scratch_operands = 4 : i64, tpu.core_type = #tpu.core_type<sc_vector_subcore>, window_params = [{transform_indices = #map}, {transform_indices = #map1}]} {
    %mul3A = arith.constant 16 : i32
    %mul3A_0 = arith.muli %arg0, %mul3A : i32
    %add3A = arith.addi %mul3A_0, %arg1 : i32
    %scan3A = arith.constant 0 : i32
    %scan3A_1 = arith.constant 0 : i32
    %scan3A_2 = arith.constant 40 : i32
    %scan3A_3 = arith.addi %scan3A_1, %scan3A_2 : i32
    %scan3A_4 = arith.constant 1 : i32
    %scan3A_5 = scf.for %scan3A_28 = %scan3A_1 to %scan3A_3 step %scan3A_4 iter_args(%scan3A_29 = %scan3A) -> (i32)  : i32 {
      %broadcast_in_dim3A = arith.constant 0.000000e+00 : f32
      %broadcast_in_dim3A_30 = vector.broadcast %broadcast_in_dim3A : f32 to vector<16xf32>
      %mul3A_31 = arith.constant 16 : i32
      %mul3A_32 = arith.muli %scan3A_28, %mul3A_31 : i32
      %swap3A = arith.index_cast %mul3A_32 : i32 to index
      %swap3A_33 = tpu.vector_load %arg6[%swap3A] {strides = array<i32>} : memref<640xf32, #tpu.memory_space<vmem>>, vector<16xf32>,
      %swap3A_34 = vector.shape_cast %swap3A_33 : vector<16xf32> to vector<16xf32>
      %swap3A_35 = vector.shape_cast %broadcast_in_dim3A_30 : vector<16xf32> to vector<16xf32>
      tpu.vector_store %arg6[%swap3A], %swap3A_35 {strides = array<i32>} : memref<640xf32, #tpu.memory_space<vmem>>, vector<16xf32>,
      %scan3A_36 = arith.constant 0 : i32
      scf.yield %scan3A_36 : i32
    }
    %scan3A_6 = arith.constant 40 : i32
    %scan3A_7 = arith.constant 0 : i32
    %scan3A_8 = arith.constant 0 : i32
    %scan3A_9 = arith.constant 8 : i32
    %scan3A_10 = arith.addi %scan3A_8, %scan3A_9 : i32
    %scan3A_11 = arith.constant 1 : i32
    %scan3A_12 = scf.for %scan3A_28 = %scan3A_8 to %scan3A_10 step %scan3A_11 iter_args(%scan3A_29 = %scan3A_7) -> (i32)  : i32 {
      %broadcast_in_dim3A = arith.constant 1.000000e+00 : f32
      %broadcast_in_dim3A_30 = vector.broadcast %broadcast_in_dim3A : f32 to vector<16xf32>
      %mul3A_31 = arith.constant 16 : i32
      %mul3A_32 = arith.muli %scan3A_28, %mul3A_31 : i32
      %swap3A = arith.index_cast %mul3A_32 : i32 to index
      %swap3A_33 = tpu.vector_load %arg5[%swap3A] {strides = array<i32>} : memref<128xf32, #tpu.memory_space<vmem>>, vector<16xf32>,
      %swap3A_34 = vector.shape_cast %swap3A_33 : vector<16xf32> to vector<16xf32>
      %swap3A_35 = vector.shape_cast %broadcast_in_dim3A_30 : vector<16xf32> to vector<16xf32>
      tpu.vector_store %arg5[%swap3A], %swap3A_35 {strides = array<i32>} : memref<128xf32, #tpu.memory_space<vmem>>, vector<16xf32>,
      %scan3A_36 = arith.constant 0 : i32
      scf.yield %scan3A_36 : i32
    }
    %scan3A_13 = arith.constant 8 : i32
    %mul3A_14 = arith.constant 640 : i32
    %mul3A_15 = arith.muli %arg1, %mul3A_14 : i32
    "tpu.region"() ({
      %run_scoped3A = tpu.sem_alloc : memref<!tpu.dma_semaphore, #tpu.memory_space<semaphore_mem>>
      %dma_start3A = tpu.memref_slice %arg7[%mul3A_15] : memref<10240xf32, #tpu.memory_space<vmem_shared>> -> memref<640xf32, #tpu.memory_space<vmem_shared>>
      %dma_start3A_28 = tpu.memref_slice %arg7[%mul3A_15] : memref<10240xf32, #tpu.memory_space<vmem_shared>> -> memref<640xf32, #tpu.memory_space<vmem_shared>>
      tpu.enqueue_dma source(%arg6 : memref<640xf32, #tpu.memory_space<vmem>>) target(%dma_start3A_28 : memref<640xf32, #tpu.memory_space<vmem_shared>>) target_semaphore(%run_scoped3A : memref<!tpu.dma_semaphore, #tpu.memory_space<semaphore_mem>>)
      %dma_wait3A = tpu.memref_slice %arg7[%mul3A_15] : memref<10240xf32, #tpu.memory_space<vmem_shared>> -> memref<640xf32, #tpu.memory_space<vmem_shared>>
      %dma_wait3A_29 = tpu.memref_slice %arg7[%mul3A_15] : memref<10240xf32, #tpu.memory_space<vmem_shared>> -> memref<640xf32, #tpu.memory_space<vmem_shared>>
      tpu.wait_dma2 semaphore(%run_scoped3A : memref<!tpu.dma_semaphore, #tpu.memory_space<semaphore_mem>>) src(%arg6 : memref<640xf32, #tpu.memory_space<vmem>>) dst(%dma_wait3A_29 : memref<640xf32, #tpu.memory_space<vmem_shared>>)
      tpu.yield
    }) : () -> ()
    %barrier3A = arith.constant 0 : index
    tpu.barrier barrier_id(%barrier3A)
    "tpu.region"() ({
      %run_scoped3A = tpu.sem_alloc : memref<!tpu.dma_semaphore, #tpu.memory_space<semaphore_mem>>
      %dma_start3A = arith.constant 0 : i32
      %dma_start3A_28 = arith.constant 0 : i32
      %dma_start3A_29 = tpu.memref_slice %arg2[%add3A, %dma_start3A, %dma_start3A_28] : memref<32x40x128xi32, #tpu.memory_space<hbm>> -> memref<1x40x128xi32, #tpu.memory_space<hbm>>
      %dma_start3A_30 = tpu.memref_squeeze %dma_start3A_29 : memref<1x40x128xi32, #tpu.memory_space<hbm>> -> memref<40x128xi32, #tpu.memory_space<hbm>>
      %dma_start3A_31 = arith.constant 0 : i32
      %dma_start3A_32 = arith.constant 0 : i32
      %dma_start3A_33 = tpu.memref_slice %arg2[%add3A, %dma_start3A_31, %dma_start3A_32] : memref<32x40x128xi32, #tpu.memory_space<hbm>> -> memref<1x40x128xi32, #tpu.memory_space<hbm>>
      %dma_start3A_34 = tpu.memref_squeeze %dma_start3A_33 : memref<1x40x128xi32, #tpu.memory_space<hbm>> -> memref<40x128xi32, #tpu.memory_space<hbm>>
      tpu.enqueue_dma source(%dma_start3A_34 : memref<40x128xi32, #tpu.memory_space<hbm>>) target(%arg4 : memref<40x128xi32, #tpu.memory_space<vmem>>) target_semaphore(%run_scoped3A : memref<!tpu.dma_semaphore, #tpu.memory_space<semaphore_mem>>)
      %dma_wait3A = arith.constant 0 : i32
      %dma_wait3A_35 = arith.constant 0 : i32
      %dma_wait3A_36 = tpu.memref_slice %arg2[%add3A, %dma_wait3A, %dma_wait3A_35] : memref<32x40x128xi32, #tpu.memory_space<hbm>> -> memref<1x40x128xi32, #tpu.memory_space<hbm>>
      %dma_wait3A_37 = tpu.memref_squeeze %dma_wait3A_36 : memref<1x40x128xi32, #tpu.memory_space<hbm>> -> memref<40x128xi32, #tpu.memory_space<hbm>>
      %dma_wait3A_38 = arith.constant 0 : i32
      %dma_wait3A_39 = arith.constant 0 : i32
      %dma_wait3A_40 = tpu.memref_slice %arg2[%add3A, %dma_wait3A_38, %dma_wait3A_39] : memref<32x40x128xi32, #tpu.memory_space<hbm>> -> memref<1x40x128xi32, #tpu.memory_space<hbm>>
      %dma_wait3A_41 = tpu.memref_squeeze %dma_wait3A_40 : memref<1x40x128xi32, #tpu.memory_space<hbm>> -> memref<40x128xi32, #tpu.memory_space<hbm>>
      tpu.wait_dma2 semaphore(%run_scoped3A : memref<!tpu.dma_semaphore, #tpu.memory_space<semaphore_mem>>) src(%dma_wait3A_41 : memref<40x128xi32, #tpu.memory_space<hbm>>) dst(%arg4 : memref<40x128xi32, #tpu.memory_space<vmem>>)
      tpu.yield
    }) : () -> ()
    %scan3A_16 = arith.constant 0 : i32
    %scan3A_17 = arith.constant 0 : i32
    %scan3A_18 = arith.constant 40 : i32
    %scan3A_19 = arith.addi %scan3A_17, %scan3A_18 : i32
    %scan3A_20 = arith.constant 1 : i32
    %scan3A_21 = scf.for %scan3A_28 = %scan3A_17 to %scan3A_19 step %scan3A_20 iter_args(%scan3A_29 = %scan3A_16) -> (i32)  : i32 {
      "tpu.region"() ({
        %run_scoped3A = tpu.sem_alloc : memref<!tpu.dma_semaphore, #tpu.memory_space<semaphore_mem>>
        %dma_start3A = arith.constant 0 : i32
        %dma_start3A_31 = tpu.memref_slice %arg4[%scan3A_28, %dma_start3A] : memref<40x128xi32, #tpu.memory_space<vmem>> -> memref<1x128xi32, #tpu.memory_space<vmem>>
        %dma_start3A_32 = tpu.memref_squeeze %dma_start3A_31 : memref<1x128xi32, #tpu.memory_space<vmem>> -> memref<128xi32, #tpu.memory_space<vmem>>
        %dma_start3A_33 = arith.constant 0 : i32
        %dma_start3A_34 = tpu.memref_slice %arg7[%dma_start3A_33] : memref<10240xf32, #tpu.memory_space<vmem_shared>> -> memref<10240xf32, #tpu.memory_space<vmem_shared>>
        tpu.enqueue_indirect_dma source(%arg5 : memref<128xf32, #tpu.memory_space<vmem>>) target(%dma_start3A_34 : memref<10240xf32, #tpu.memory_space<vmem_shared>>) offsets(%dma_start3A_32 : memref<128xi32, #tpu.memory_space<vmem>>) semaphore(%run_scoped3A : memref<!tpu.dma_semaphore, #tpu.memory_space<semaphore_mem>>) {add = true}
        %dma_wait3A = arith.constant 0 : i32
        %dma_wait3A_35 = tpu.memref_slice %arg4[%scan3A_28, %dma_wait3A] : memref<40x128xi32, #tpu.memory_space<vmem>> -> memref<1x128xi32, #tpu.memory_space<vmem>>
        %dma_wait3A_36 = tpu.memref_squeeze %dma_wait3A_35 : memref<1x128xi32, #tpu.memory_space<vmem>> -> memref<128xi32, #tpu.memory_space<vmem>>
        %dma_wait3A_37 = arith.constant 0 : i32
        %dma_wait3A_38 = tpu.memref_slice %arg7[%dma_wait3A_37] : memref<10240xf32, #tpu.memory_space<vmem_shared>> -> memref<10240xf32, #tpu.memory_space<vmem_shared>>
        tpu.wait_indirect_dma semaphore(%run_scoped3A : memref<!tpu.dma_semaphore, #tpu.memory_space<semaphore_mem>>) src(%arg5 : memref<128xf32, #tpu.memory_space<vmem>>) dst(%dma_wait3A_38 : memref<10240xf32, #tpu.memory_space<vmem_shared>>)
        tpu.yield
      }) : () -> ()
      %scan3A_30 = arith.constant 0 : i32
      scf.yield %scan3A_30 : i32
    }
    %scan3A_22 = arith.constant 40 : i32
    %barrier3A_23 = arith.constant 0 : index
    tpu.barrier barrier_id(%barrier3A_23)
    %mul3A_24 = arith.constant 640 : i32
    %mul3A_25 = arith.muli %arg1, %mul3A_24 : i32
    %mul3A_26 = arith.constant 640 : i32
    %mul3A_27 = arith.muli %arg1, %mul3A_26 : i32
    "tpu.region"() ({
      %run_scoped3A = tpu.sem_alloc : memref<!tpu.dma_semaphore, #tpu.memory_space<semaphore_mem>>
      %dma_start3A = tpu.memref_slice %arg3[%arg0, %mul3A_27] : memref<2x10240xf32, #tpu.memory_space<hbm>> -> memref<1x640xf32, #tpu.memory_space<hbm>>
      %dma_start3A_28 = tpu.memref_squeeze %dma_start3A : memref<1x640xf32, #tpu.memory_space<hbm>> -> memref<640xf32, #tpu.memory_space<hbm>>
      %dma_start3A_29 = tpu.memref_slice %arg7[%mul3A_25] : memref<10240xf32, #tpu.memory_space<vmem_shared>> -> memref<640xf32, #tpu.memory_space<vmem_shared>>
      tpu.enqueue_dma source(%dma_start3A_29 : memref<640xf32, #tpu.memory_space<vmem_shared>>) target(%dma_start3A_28 : memref<640xf32, #tpu.memory_space<hbm>>) target_semaphore(%run_scoped3A : memref<!tpu.dma_semaphore, #tpu.memory_space<semaphore_mem>>)
      %dma_wait3A = tpu.memref_slice %arg3[%arg0, %mul3A_27] : memref<2x10240xf32, #tpu.memory_space<hbm>> -> memref<1x640xf32, #tpu.memory_space<hbm>>
      %dma_wait3A_30 = tpu.memref_squeeze %dma_wait3A : memref<1x640xf32, #tpu.memory_space<hbm>> -> memref<640xf32, #tpu.memory_space<hbm>>
      %dma_wait3A_31 = tpu.memref_slice %arg7[%mul3A_25] : memref<10240xf32, #tpu.memory_space<vmem_shared>> -> memref<640xf32, #tpu.memory_space<vmem_shared>>
      tpu.wait_dma2 semaphore(%run_scoped3A : memref<!tpu.dma_semaphore, #tpu.memory_space<semaphore_mem>>) src(%dma_wait3A_31 : memref<640xf32, #tpu.memory_space<vmem_shared>>) dst(%dma_wait3A_30 : memref<640xf32, #tpu.memory_space<hbm>>)
      tpu.yield
    }) : () -> ()
    return
  }
}

#map = affine_map<(d0, d1) -> (0, 0)>
#map1 = affine_map<(d0, d1) -> (0, 0, 0)>
module attributes {stable_mosaic.version = 14 : i64} {
  func.func @body(%arg0: i32, %arg1: i32, %arg2: memref<10000x128xf32, #tpu.memory_space<hbm>>, %arg3: memref<1280x128xi32, #tpu.memory_space<hbm>>, %arg4: memref<1280x128xi32, #tpu.memory_space<hbm>>, %arg5: memref<2x10240x128xf32, #tpu.memory_space<hbm>>, %arg6: memref<72x128xi32, #tpu.memory_space<vmem>>, %arg7: memref<72x128xi32, #tpu.memory_space<vmem>>, %arg8: memref<128x128xf32, #tpu.memory_space<vmem>>, %arg9: memref<64x128xf32, #tpu.memory_space<vmem>>, %arg10: memref<10240x128xf32, #tpu.memory_space<vmem_shared>>) attributes {dimension_semantics = [#tpu.dimension_semantics<core_parallel>, #tpu.dimension_semantics<subcore_parallel>], iteration_bounds = array<i64: 2, 16>, scalar_prefetch = 0 : i64, scratch_operands = 5 : i64, tpu.core_type = #tpu.core_type<sc_vector_subcore>, window_params = [{transform_indices = #map}, {transform_indices = #map}, {transform_indices = #map}, {transform_indices = #map1}]} {
    %scan3A = arith.constant 0 : i32
    %scan3A_0 = arith.constant 0 : i32
    %scan3A_1 = arith.constant 512 : i32
    %scan3A_2 = arith.addi %scan3A_0, %scan3A_1 : i32
    %scan3A_3 = arith.constant 1 : i32
    %scan3A_4 = scf.for %scan3A_24 = %scan3A_0 to %scan3A_2 step %scan3A_3 iter_args(%scan3A_25 = %scan3A) -> (i32)  : i32 {
      %jit3A = arith.constant 8 : i32
      %div3A = arith.divsi %scan3A_24, %jit3A : i32
      %sign3A = arith.constant 0 : i32
      %sign3A_26 = arith.cmpi sgt, %scan3A_24, %sign3A : i32
      %sign3A_27 = arith.extui %sign3A_26 : i1 to i32
      %sign3A_28 = arith.constant 0 : i32
      %sign3A_29 = arith.cmpi slt, %scan3A_24, %sign3A_28 : i32
      %sign3A_30 = arith.extui %sign3A_29 : i1 to i32
      %sign3A_31 = arith.subi %sign3A_27, %sign3A_30 : i32
      %sign3A_32 = arith.constant 0 : i32
      %sign3A_33 = arith.cmpi sgt, %jit3A, %sign3A_32 : i32
      %sign3A_34 = arith.extui %sign3A_33 : i1 to i32
      %sign3A_35 = arith.constant 0 : i32
      %sign3A_36 = arith.cmpi slt, %jit3A, %sign3A_35 : i32
      %sign3A_37 = arith.extui %sign3A_36 : i1 to i32
      %sign3A_38 = arith.subi %sign3A_34, %sign3A_37 : i32
      %ne3A = arith.cmpi ne, %sign3A_31, %sign3A_38 : i32
      %rem3A = arith.remsi %scan3A_24, %jit3A : i32
      %ne3A_39 = arith.constant 0 : i32
      %ne3A_40 = arith.cmpi ne, %rem3A, %ne3A_39 : i32
      %and3A = arith.andi %ne3A, %ne3A_40 : i1
      %sub3A = arith.constant 1 : i32
      %sub3A_41 = arith.subi %div3A, %sub3A : i32
      %select_n3A = arith.select %and3A, %sub3A_41, %div3A : i32
      %jit3A_42 = arith.constant 8 : i32
      %eq3A_43 = arith.constant 0 : i32
      %eq3A_44 = arith.cmpi eq, %jit3A_42, %eq3A_43 : i32
      %jit3A_45 = arith.constant 1 : i32
      %select_n3A_46 = arith.select %eq3A_44, %jit3A_45, %jit3A_42 : i32
      %rem3A_47 = arith.remsi %scan3A_24, %select_n3A_46 : i32
      %ne3A_48 = arith.constant 0 : i32
      %ne3A_49 = arith.cmpi ne, %rem3A_47, %ne3A_48 : i32
      %lt3A = arith.constant 0 : i32
      %lt3A_50 = arith.cmpi slt, %rem3A_47, %lt3A : i32
      %lt3A_51 = arith.constant 0 : i32
      %lt3A_52 = arith.cmpi slt, %select_n3A_46, %lt3A_51 : i32
      %ne3A_53 = arith.xori %lt3A_50, %lt3A_52 : i1
      %and3A_54 = arith.andi %ne3A_53, %ne3A_49 : i1
      %add3A = arith.addi %rem3A_47, %select_n3A_46 : i32
      %select_n3A_55 = arith.select %and3A_54, %add3A, %rem3A_47 : i32
      %broadcast_in_dim3A = arith.constant 0.000000e+00 : f32
      %broadcast_in_dim3A_56 = vector.broadcast %broadcast_in_dim3A : f32 to vector<16xf32>
      %mul3A_57 = arith.constant 16 : i32
      %mul3A_58 = arith.muli %select_n3A_55, %mul3A_57 : i32
      %swap3A = arith.index_cast %select_n3A : i32 to index
      %swap3A_59 = arith.index_cast %mul3A_58 : i32 to index
      %swap3A_60 = tpu.vector_load %arg9[%swap3A, %swap3A_59] {strides = array<i32>} : memref<64x128xf32, #tpu.memory_space<vmem>>, vector<1x16xf32>,
      %swap3A_61 = vector.shape_cast %swap3A_60 : vector<1x16xf32> to vector<16xf32>
      %swap3A_62 = vector.shape_cast %broadcast_in_dim3A_56 : vector<16xf32> to vector<1x16xf32>
      tpu.vector_store %arg9[%swap3A, %swap3A_59], %swap3A_62 {strides = array<i32>} : memref<64x128xf32, #tpu.memory_space<vmem>>, vector<1x16xf32>,
      %scan3A_63 = arith.constant 0 : i32
      scf.yield %scan3A_63 : i32
    }
    %scan3A_5 = arith.constant 512 : i32
    %scan3A_6 = arith.constant 0 : i32
    %scan3A_7 = arith.constant 0 : i32
    %scan3A_8 = arith.constant 10 : i32
    %scan3A_9 = arith.addi %scan3A_7, %scan3A_8 : i32
    %scan3A_10 = arith.constant 1 : i32
    %scan3A_11 = scf.for %scan3A_24 = %scan3A_7 to %scan3A_9 step %scan3A_10 iter_args(%scan3A_25 = %scan3A_6) -> (i32)  : i32 {
      %mul3A_26 = arith.constant 640 : i32
      %mul3A_27 = arith.muli %arg1, %mul3A_26 : i32
      %mul3A_28 = arith.constant 64 : i32
      %mul3A_29 = arith.muli %scan3A_24, %mul3A_28 : i32
      %add3A = arith.addi %mul3A_27, %mul3A_29 : i32
      "tpu.region"() ({
        %run_scoped3A = tpu.sem_alloc : memref<!tpu.dma_semaphore, #tpu.memory_space<semaphore_mem>>
        %dma_start3A = arith.constant 0 : i32
        %dma_start3A_31 = tpu.memref_slice %arg10[%add3A, %dma_start3A] : memref<10240x128xf32, #tpu.memory_space<vmem_shared>> -> memref<64x128xf32, #tpu.memory_space<vmem_shared>>
        %dma_start3A_32 = arith.constant 0 : i32
        %dma_start3A_33 = tpu.memref_slice %arg10[%add3A, %dma_start3A_32] : memref<10240x128xf32, #tpu.memory_space<vmem_shared>> -> memref<64x128xf32, #tpu.memory_space<vmem_shared>>
        tpu.enqueue_dma source(%arg9 : memref<64x128xf32, #tpu.memory_space<vmem>>) target(%dma_start3A_33 : memref<64x128xf32, #tpu.memory_space<vmem_shared>>) target_semaphore(%run_scoped3A : memref<!tpu.dma_semaphore, #tpu.memory_space<semaphore_mem>>)
        %dma_wait3A = arith.constant 0 : i32
        %dma_wait3A_34 = tpu.memref_slice %arg10[%add3A, %dma_wait3A] : memref<10240x128xf32, #tpu.memory_space<vmem_shared>> -> memref<64x128xf32, #tpu.memory_space<vmem_shared>>
        %dma_wait3A_35 = arith.constant 0 : i32
        %dma_wait3A_36 = tpu.memref_slice %arg10[%add3A, %dma_wait3A_35] : memref<10240x128xf32, #tpu.memory_space<vmem_shared>> -> memref<64x128xf32, #tpu.memory_space<vmem_shared>>
        tpu.wait_dma2 semaphore(%run_scoped3A : memref<!tpu.dma_semaphore, #tpu.memory_space<semaphore_mem>>) src(%arg9 : memref<64x128xf32, #tpu.memory_space<vmem>>) dst(%dma_wait3A_36 : memref<64x128xf32, #tpu.memory_space<vmem_shared>>)
        tpu.yield
      }) : () -> ()
      %scan3A_30 = arith.constant 0 : i32
      scf.yield %scan3A_30 : i32
    }
    %scan3A_12 = arith.constant 10 : i32
    %barrier3A = arith.constant 0 : index
    tpu.barrier barrier_id(%barrier3A)
    %eq3A = arith.constant 0 : i32
    %eq3A_13 = arith.cmpi eq, %arg0, %eq3A : i32
    %convert_element_type3A = arith.extui %eq3A_13 : i1 to i32
    %cond3A = arith.constant 0 : i32
    %cond3A_14 = arith.cmpi ne, %convert_element_type3A, %cond3A : i32
    scf.if %cond3A_14 {
      %mul3A_24 = arith.constant 72 : i32
      %mul3A_25 = arith.muli %arg1, %mul3A_24 : i32
      "tpu.region"() ({
        %run_scoped3A = tpu.sem_alloc : memref<!tpu.dma_semaphore, #tpu.memory_space<semaphore_mem>>
        %dma_start3A = arith.constant 0 : i32
        %dma_start3A_33 = arith.constant 0 : i32
        %dma_start3A_34 = tpu.memref_slice %arg6[%dma_start3A, %dma_start3A_33] : memref<72x128xi32, #tpu.memory_space<vmem>> -> memref<72x128xi32, #tpu.memory_space<vmem>>
        %dma_start3A_35 = arith.constant 0 : i32
        %dma_start3A_36 = tpu.memref_slice %arg3[%mul3A_25, %dma_start3A_35] : memref<1280x128xi32, #tpu.memory_space<hbm>> -> memref<72x128xi32, #tpu.memory_space<hbm>>
        %dma_start3A_37 = arith.constant 0 : i32
        %dma_start3A_38 = arith.constant 0 : i32
        %dma_start3A_39 = tpu.memref_slice %arg6[%dma_start3A_37, %dma_start3A_38] : memref<72x128xi32, #tpu.memory_space<vmem>> -> memref<72x128xi32, #tpu.memory_space<vmem>>
        %dma_start3A_40 = arith.constant 0 : i32
        %dma_start3A_41 = tpu.memref_slice %arg3[%mul3A_25, %dma_start3A_40] : memref<1280x128xi32, #tpu.memory_space<hbm>> -> memref<72x128xi32, #tpu.memory_space<hbm>>
        tpu.enqueue_dma source(%dma_start3A_41 : memref<72x128xi32, #tpu.memory_space<hbm>>) target(%dma_start3A_39 : memref<72x128xi32, #tpu.memory_space<vmem>>) target_semaphore(%run_scoped3A : memref<!tpu.dma_semaphore, #tpu.memory_space<semaphore_mem>>)
        %dma_wait3A = arith.constant 0 : i32
        %dma_wait3A_42 = arith.constant 0 : i32
        %dma_wait3A_43 = tpu.memref_slice %arg6[%dma_wait3A, %dma_wait3A_42] : memref<72x128xi32, #tpu.memory_space<vmem>> -> memref<72x128xi32, #tpu.memory_space<vmem>>
        %dma_wait3A_44 = arith.constant 0 : i32
        %dma_wait3A_45 = tpu.memref_slice %arg3[%mul3A_25, %dma_wait3A_44] : memref<1280x128xi32, #tpu.memory_space<hbm>> -> memref<72x128xi32, #tpu.memory_space<hbm>>
        %dma_wait3A_46 = arith.constant 0 : i32
        %dma_wait3A_47 = arith.constant 0 : i32
        %dma_wait3A_48 = tpu.memref_slice %arg6[%dma_wait3A_46, %dma_wait3A_47] : memref<72x128xi32, #tpu.memory_space<vmem>> -> memref<72x128xi32, #tpu.memory_space<vmem>>
        %dma_wait3A_49 = arith.constant 0 : i32
        %dma_wait3A_50 = tpu.memref_slice %arg3[%mul3A_25, %dma_wait3A_49] : memref<1280x128xi32, #tpu.memory_space<hbm>> -> memref<72x128xi32, #tpu.memory_space<hbm>>
        tpu.wait_dma2 semaphore(%run_scoped3A : memref<!tpu.dma_semaphore, #tpu.memory_space<semaphore_mem>>) src(%dma_wait3A_50 : memref<72x128xi32, #tpu.memory_space<hbm>>) dst(%dma_wait3A_48 : memref<72x128xi32, #tpu.memory_space<vmem>>)
        tpu.yield
      }) : () -> ()
      "tpu.region"() ({
        %run_scoped3A = tpu.sem_alloc : memref<!tpu.dma_semaphore, #tpu.memory_space<semaphore_mem>>
        %dma_start3A = arith.constant 0 : i32
        %dma_start3A_33 = arith.constant 0 : i32
        %dma_start3A_34 = tpu.memref_slice %arg7[%dma_start3A, %dma_start3A_33] : memref<72x128xi32, #tpu.memory_space<vmem>> -> memref<72x128xi32, #tpu.memory_space<vmem>>
        %dma_start3A_35 = arith.constant 0 : i32
        %dma_start3A_36 = tpu.memref_slice %arg4[%mul3A_25, %dma_start3A_35] : memref<1280x128xi32, #tpu.memory_space<hbm>> -> memref<72x128xi32, #tpu.memory_space<hbm>>
        %dma_start3A_37 = arith.constant 0 : i32
        %dma_start3A_38 = arith.constant 0 : i32
        %dma_start3A_39 = tpu.memref_slice %arg7[%dma_start3A_37, %dma_start3A_38] : memref<72x128xi32, #tpu.memory_space<vmem>> -> memref<72x128xi32, #tpu.memory_space<vmem>>
        %dma_start3A_40 = arith.constant 0 : i32
        %dma_start3A_41 = tpu.memref_slice %arg4[%mul3A_25, %dma_start3A_40] : memref<1280x128xi32, #tpu.memory_space<hbm>> -> memref<72x128xi32, #tpu.memory_space<hbm>>
        tpu.enqueue_dma source(%dma_start3A_41 : memref<72x128xi32, #tpu.memory_space<hbm>>) target(%dma_start3A_39 : memref<72x128xi32, #tpu.memory_space<vmem>>) target_semaphore(%run_scoped3A : memref<!tpu.dma_semaphore, #tpu.memory_space<semaphore_mem>>)
        %dma_wait3A = arith.constant 0 : i32
        %dma_wait3A_42 = arith.constant 0 : i32
        %dma_wait3A_43 = tpu.memref_slice %arg7[%dma_wait3A, %dma_wait3A_42] : memref<72x128xi32, #tpu.memory_space<vmem>> -> memref<72x128xi32, #tpu.memory_space<vmem>>
        %dma_wait3A_44 = arith.constant 0 : i32
        %dma_wait3A_45 = tpu.memref_slice %arg4[%mul3A_25, %dma_wait3A_44] : memref<1280x128xi32, #tpu.memory_space<hbm>> -> memref<72x128xi32, #tpu.memory_space<hbm>>
        %dma_wait3A_46 = arith.constant 0 : i32
        %dma_wait3A_47 = arith.constant 0 : i32
        %dma_wait3A_48 = tpu.memref_slice %arg7[%dma_wait3A_46, %dma_wait3A_47] : memref<72x128xi32, #tpu.memory_space<vmem>> -> memref<72x128xi32, #tpu.memory_space<vmem>>
        %dma_wait3A_49 = arith.constant 0 : i32
        %dma_wait3A_50 = tpu.memref_slice %arg4[%mul3A_25, %dma_wait3A_49] : memref<1280x128xi32, #tpu.memory_space<hbm>> -> memref<72x128xi32, #tpu.memory_space<hbm>>
        tpu.wait_dma2 semaphore(%run_scoped3A : memref<!tpu.dma_semaphore, #tpu.memory_space<semaphore_mem>>) src(%dma_wait3A_50 : memref<72x128xi32, #tpu.memory_space<hbm>>) dst(%dma_wait3A_48 : memref<72x128xi32, #tpu.memory_space<vmem>>)
        tpu.yield
      }) : () -> ()
      %scan3A_26 = arith.constant 0 : i32
      %scan3A_27 = arith.constant 0 : i32
      %scan3A_28 = arith.constant 72 : i32
      %scan3A_29 = arith.addi %scan3A_27, %scan3A_28 : i32
      %scan3A_30 = arith.constant 1 : i32
      %scan3A_31 = scf.for %scan3A_33 = %scan3A_27 to %scan3A_29 step %scan3A_30 iter_args(%scan3A_34 = %scan3A_26) -> (i32)  : i32 {
        "tpu.region"() ({
          %run_scoped3A = tpu.sem_alloc : memref<!tpu.dma_semaphore, #tpu.memory_space<semaphore_mem>>
          %dma_start3A = arith.constant 0 : i32
          %dma_start3A_36 = tpu.memref_slice %arg6[%scan3A_33, %dma_start3A] : memref<72x128xi32, #tpu.memory_space<vmem>> -> memref<1x128xi32, #tpu.memory_space<vmem>>
          %dma_start3A_37 = tpu.memref_squeeze %dma_start3A_36 : memref<1x128xi32, #tpu.memory_space<vmem>> -> memref<128xi32, #tpu.memory_space<vmem>>
          %dma_start3A_38 = arith.constant 0 : i32
          %dma_start3A_39 = arith.constant 0 : i32
          %dma_start3A_40 = tpu.memref_slice %arg2[%dma_start3A_38, %dma_start3A_39] : memref<10000x128xf32, #tpu.memory_space<hbm>> -> memref<10000x128xf32, #tpu.memory_space<hbm>>
          tpu.enqueue_indirect_dma source(%dma_start3A_40 : memref<10000x128xf32, #tpu.memory_space<hbm>>) target(%arg8 : memref<128x128xf32, #tpu.memory_space<vmem>>) offsets(%dma_start3A_37 : memref<128xi32, #tpu.memory_space<vmem>>) semaphore(%run_scoped3A : memref<!tpu.dma_semaphore, #tpu.memory_space<semaphore_mem>>)
          %dma_wait3A = arith.constant 0 : i32
          %dma_wait3A_41 = tpu.memref_slice %arg6[%scan3A_33, %dma_wait3A] : memref<72x128xi32, #tpu.memory_space<vmem>> -> memref<1x128xi32, #tpu.memory_space<vmem>>
          %dma_wait3A_42 = tpu.memref_squeeze %dma_wait3A_41 : memref<1x128xi32, #tpu.memory_space<vmem>> -> memref<128xi32, #tpu.memory_space<vmem>>
          %dma_wait3A_43 = arith.constant 0 : i32
          %dma_wait3A_44 = arith.constant 0 : i32
          %dma_wait3A_45 = tpu.memref_slice %arg2[%dma_wait3A_43, %dma_wait3A_44] : memref<10000x128xf32, #tpu.memory_space<hbm>> -> memref<10000x128xf32, #tpu.memory_space<hbm>>
          tpu.wait_indirect_dma semaphore(%run_scoped3A : memref<!tpu.dma_semaphore, #tpu.memory_space<semaphore_mem>>) src(%dma_wait3A_45 : memref<10000x128xf32, #tpu.memory_space<hbm>>) dst(%arg8 : memref<128x128xf32, #tpu.memory_space<vmem>>)
          tpu.yield
        }) : () -> ()
        "tpu.region"() ({
          %run_scoped3A = tpu.sem_alloc : memref<!tpu.dma_semaphore, #tpu.memory_space<semaphore_mem>>
          %dma_start3A = arith.constant 0 : i32
          %dma_start3A_36 = tpu.memref_slice %arg7[%scan3A_33, %dma_start3A] : memref<72x128xi32, #tpu.memory_space<vmem>> -> memref<1x128xi32, #tpu.memory_space<vmem>>
          %dma_start3A_37 = tpu.memref_squeeze %dma_start3A_36 : memref<1x128xi32, #tpu.memory_space<vmem>> -> memref<128xi32, #tpu.memory_space<vmem>>
          %dma_start3A_38 = arith.constant 0 : i32
          %dma_start3A_39 = arith.constant 0 : i32
          %dma_start3A_40 = tpu.memref_slice %arg10[%dma_start3A_38, %dma_start3A_39] : memref<10240x128xf32, #tpu.memory_space<vmem_shared>> -> memref<10240x128xf32, #tpu.memory_space<vmem_shared>>
          tpu.enqueue_indirect_dma source(%arg8 : memref<128x128xf32, #tpu.memory_space<vmem>>) target(%dma_start3A_40 : memref<10240x128xf32, #tpu.memory_space<vmem_shared>>) offsets(%dma_start3A_37 : memref<128xi32, #tpu.memory_space<vmem>>) semaphore(%run_scoped3A : memref<!tpu.dma_semaphore, #tpu.memory_space<semaphore_mem>>) {add = true}
          %dma_wait3A = arith.constant 0 : i32
          %dma_wait3A_41 = tpu.memref_slice %arg7[%scan3A_33, %dma_wait3A] : memref<72x128xi32, #tpu.memory_space<vmem>> -> memref<1x128xi32, #tpu.memory_space<vmem>>
          %dma_wait3A_42 = tpu.memref_squeeze %dma_wait3A_41 : memref<1x128xi32, #tpu.memory_space<vmem>> -> memref<128xi32, #tpu.memory_space<vmem>>
          %dma_wait3A_43 = arith.constant 0 : i32
          %dma_wait3A_44 = arith.constant 0 : i32
          %dma_wait3A_45 = tpu.memref_slice %arg10[%dma_wait3A_43, %dma_wait3A_44] : memref<10240x128xf32, #tpu.memory_space<vmem_shared>> -> memref<10240x128xf32, #tpu.memory_space<vmem_shared>>
          tpu.wait_indirect_dma semaphore(%run_scoped3A : memref<!tpu.dma_semaphore, #tpu.memory_space<semaphore_mem>>) src(%arg8 : memref<128x128xf32, #tpu.memory_space<vmem>>) dst(%dma_wait3A_45 : memref<10240x128xf32, #tpu.memory_space<vmem_shared>>)
          tpu.yield
        }) : () -> ()
        %scan3A_35 = arith.constant 0 : i32
        scf.yield %scan3A_35 : i32
      }
      %scan3A_32 = arith.constant 72 : i32
    } else {
    }
    %eq3A_15 = arith.constant 1 : i32
    %eq3A_16 = arith.cmpi eq, %arg0, %eq3A_15 : i32
    %convert_element_type3A_17 = arith.extui %eq3A_16 : i1 to i32
    %cond3A_18 = arith.constant 0 : i32
    %cond3A_19 = arith.cmpi ne, %convert_element_type3A_17, %cond3A_18 : i32
    scf.if %cond3A_19 {
      %mul3A_24 = arith.constant 8 : i32
      %mul3A_25 = arith.muli %arg1, %mul3A_24 : i32
      %add3A = arith.constant 1152 : i32
      %add3A_26 = arith.addi %add3A, %mul3A_25 : i32
      "tpu.region"() ({
        %run_scoped3A = tpu.sem_alloc : memref<!tpu.dma_semaphore, #tpu.memory_space<semaphore_mem>>
        %dma_start3A = arith.constant 0 : i32
        %dma_start3A_34 = arith.constant 0 : i32
        %dma_start3A_35 = tpu.memref_slice %arg6[%dma_start3A, %dma_start3A_34] : memref<72x128xi32, #tpu.memory_space<vmem>> -> memref<8x128xi32, #tpu.memory_space<vmem>>
        %dma_start3A_36 = arith.constant 0 : i32
        %dma_start3A_37 = tpu.memref_slice %arg3[%add3A_26, %dma_start3A_36] : memref<1280x128xi32, #tpu.memory_space<hbm>> -> memref<8x128xi32, #tpu.memory_space<hbm>>
        %dma_start3A_38 = arith.constant 0 : i32
        %dma_start3A_39 = arith.constant 0 : i32
        %dma_start3A_40 = tpu.memref_slice %arg6[%dma_start3A_38, %dma_start3A_39] : memref<72x128xi32, #tpu.memory_space<vmem>> -> memref<8x128xi32, #tpu.memory_space<vmem>>
        %dma_start3A_41 = arith.constant 0 : i32
        %dma_start3A_42 = tpu.memref_slice %arg3[%add3A_26, %dma_start3A_41] : memref<1280x128xi32, #tpu.memory_space<hbm>> -> memref<8x128xi32, #tpu.memory_space<hbm>>
        tpu.enqueue_dma source(%dma_start3A_42 : memref<8x128xi32, #tpu.memory_space<hbm>>) target(%dma_start3A_40 : memref<8x128xi32, #tpu.memory_space<vmem>>) target_semaphore(%run_scoped3A : memref<!tpu.dma_semaphore, #tpu.memory_space<semaphore_mem>>)
        %dma_wait3A = arith.constant 0 : i32
        %dma_wait3A_43 = arith.constant 0 : i32
        %dma_wait3A_44 = tpu.memref_slice %arg6[%dma_wait3A, %dma_wait3A_43] : memref<72x128xi32, #tpu.memory_space<vmem>> -> memref<8x128xi32, #tpu.memory_space<vmem>>
        %dma_wait3A_45 = arith.constant 0 : i32
        %dma_wait3A_46 = tpu.memref_slice %arg3[%add3A_26, %dma_wait3A_45] : memref<1280x128xi32, #tpu.memory_space<hbm>> -> memref<8x128xi32, #tpu.memory_space<hbm>>
        %dma_wait3A_47 = arith.constant 0 : i32
        %dma_wait3A_48 = arith.constant 0 : i32
        %dma_wait3A_49 = tpu.memref_slice %arg6[%dma_wait3A_47, %dma_wait3A_48] : memref<72x128xi32, #tpu.memory_space<vmem>> -> memref<8x128xi32, #tpu.memory_space<vmem>>
        %dma_wait3A_50 = arith.constant 0 : i32
        %dma_wait3A_51 = tpu.memref_slice %arg3[%add3A_26, %dma_wait3A_50] : memref<1280x128xi32, #tpu.memory_space<hbm>> -> memref<8x128xi32, #tpu.memory_space<hbm>>
        tpu.wait_dma2 semaphore(%run_scoped3A : memref<!tpu.dma_semaphore, #tpu.memory_space<semaphore_mem>>) src(%dma_wait3A_51 : memref<8x128xi32, #tpu.memory_space<hbm>>) dst(%dma_wait3A_49 : memref<8x128xi32, #tpu.memory_space<vmem>>)
        tpu.yield
      }) : () -> ()
      "tpu.region"() ({
        %run_scoped3A = tpu.sem_alloc : memref<!tpu.dma_semaphore, #tpu.memory_space<semaphore_mem>>
        %dma_start3A = arith.constant 0 : i32
        %dma_start3A_34 = arith.constant 0 : i32
        %dma_start3A_35 = tpu.memref_slice %arg7[%dma_start3A, %dma_start3A_34] : memref<72x128xi32, #tpu.memory_space<vmem>> -> memref<8x128xi32, #tpu.memory_space<vmem>>
        %dma_start3A_36 = arith.constant 0 : i32
        %dma_start3A_37 = tpu.memref_slice %arg4[%add3A_26, %dma_start3A_36] : memref<1280x128xi32, #tpu.memory_space<hbm>> -> memref<8x128xi32, #tpu.memory_space<hbm>>
        %dma_start3A_38 = arith.constant 0 : i32
        %dma_start3A_39 = arith.constant 0 : i32
        %dma_start3A_40 = tpu.memref_slice %arg7[%dma_start3A_38, %dma_start3A_39] : memref<72x128xi32, #tpu.memory_space<vmem>> -> memref<8x128xi32, #tpu.memory_space<vmem>>
        %dma_start3A_41 = arith.constant 0 : i32
        %dma_start3A_42 = tpu.memref_slice %arg4[%add3A_26, %dma_start3A_41] : memref<1280x128xi32, #tpu.memory_space<hbm>> -> memref<8x128xi32, #tpu.memory_space<hbm>>
        tpu.enqueue_dma source(%dma_start3A_42 : memref<8x128xi32, #tpu.memory_space<hbm>>) target(%dma_start3A_40 : memref<8x128xi32, #tpu.memory_space<vmem>>) target_semaphore(%run_scoped3A : memref<!tpu.dma_semaphore, #tpu.memory_space<semaphore_mem>>)
        %dma_wait3A = arith.constant 0 : i32
        %dma_wait3A_43 = arith.constant 0 : i32
        %dma_wait3A_44 = tpu.memref_slice %arg7[%dma_wait3A, %dma_wait3A_43] : memref<72x128xi32, #tpu.memory_space<vmem>> -> memref<8x128xi32, #tpu.memory_space<vmem>>
        %dma_wait3A_45 = arith.constant 0 : i32
        %dma_wait3A_46 = tpu.memref_slice %arg4[%add3A_26, %dma_wait3A_45] : memref<1280x128xi32, #tpu.memory_space<hbm>> -> memref<8x128xi32, #tpu.memory_space<hbm>>
        %dma_wait3A_47 = arith.constant 0 : i32
        %dma_wait3A_48 = arith.constant 0 : i32
        %dma_wait3A_49 = tpu.memref_slice %arg7[%dma_wait3A_47, %dma_wait3A_48] : memref<72x128xi32, #tpu.memory_space<vmem>> -> memref<8x128xi32, #tpu.memory_space<vmem>>
        %dma_wait3A_50 = arith.constant 0 : i32
        %dma_wait3A_51 = tpu.memref_slice %arg4[%add3A_26, %dma_wait3A_50] : memref<1280x128xi32, #tpu.memory_space<hbm>> -> memref<8x128xi32, #tpu.memory_space<hbm>>
        tpu.wait_dma2 semaphore(%run_scoped3A : memref<!tpu.dma_semaphore, #tpu.memory_space<semaphore_mem>>) src(%dma_wait3A_51 : memref<8x128xi32, #tpu.memory_space<hbm>>) dst(%dma_wait3A_49 : memref<8x128xi32, #tpu.memory_space<vmem>>)
        tpu.yield
      }) : () -> ()
      %scan3A_27 = arith.constant 0 : i32
      %scan3A_28 = arith.constant 0 : i32
      %scan3A_29 = arith.constant 8 : i32
      %scan3A_30 = arith.addi %scan3A_28, %scan3A_29 : i32
      %scan3A_31 = arith.constant 1 : i32
      %scan3A_32 = scf.for %scan3A_34 = %scan3A_28 to %scan3A_30 step %scan3A_31 iter_args(%scan3A_35 = %scan3A_27) -> (i32)  : i32 {
        "tpu.region"() ({
          %run_scoped3A = tpu.sem_alloc : memref<!tpu.dma_semaphore, #tpu.memory_space<semaphore_mem>>
          %dma_start3A = arith.constant 0 : i32
          %dma_start3A_37 = tpu.memref_slice %arg6[%scan3A_34, %dma_start3A] : memref<72x128xi32, #tpu.memory_space<vmem>> -> memref<1x128xi32, #tpu.memory_space<vmem>>
          %dma_start3A_38 = tpu.memref_squeeze %dma_start3A_37 : memref<1x128xi32, #tpu.memory_space<vmem>> -> memref<128xi32, #tpu.memory_space<vmem>>
          %dma_start3A_39 = arith.constant 0 : i32
          %dma_start3A_40 = arith.constant 0 : i32
          %dma_start3A_41 = tpu.memref_slice %arg2[%dma_start3A_39, %dma_start3A_40] : memref<10000x128xf32, #tpu.memory_space<hbm>> -> memref<10000x128xf32, #tpu.memory_space<hbm>>
          tpu.enqueue_indirect_dma source(%dma_start3A_41 : memref<10000x128xf32, #tpu.memory_space<hbm>>) target(%arg8 : memref<128x128xf32, #tpu.memory_space<vmem>>) offsets(%dma_start3A_38 : memref<128xi32, #tpu.memory_space<vmem>>) semaphore(%run_scoped3A : memref<!tpu.dma_semaphore, #tpu.memory_space<semaphore_mem>>)
          %dma_wait3A = arith.constant 0 : i32
          %dma_wait3A_42 = tpu.memref_slice %arg6[%scan3A_34, %dma_wait3A] : memref<72x128xi32, #tpu.memory_space<vmem>> -> memref<1x128xi32, #tpu.memory_space<vmem>>
          %dma_wait3A_43 = tpu.memref_squeeze %dma_wait3A_42 : memref<1x128xi32, #tpu.memory_space<vmem>> -> memref<128xi32, #tpu.memory_space<vmem>>
          %dma_wait3A_44 = arith.constant 0 : i32
          %dma_wait3A_45 = arith.constant 0 : i32
          %dma_wait3A_46 = tpu.memref_slice %arg2[%dma_wait3A_44, %dma_wait3A_45] : memref<10000x128xf32, #tpu.memory_space<hbm>> -> memref<10000x128xf32, #tpu.memory_space<hbm>>
          tpu.wait_indirect_dma semaphore(%run_scoped3A : memref<!tpu.dma_semaphore, #tpu.memory_space<semaphore_mem>>) src(%dma_wait3A_46 : memref<10000x128xf32, #tpu.memory_space<hbm>>) dst(%arg8 : memref<128x128xf32, #tpu.memory_space<vmem>>)
          tpu.yield
        }) : () -> ()
        "tpu.region"() ({
          %run_scoped3A = tpu.sem_alloc : memref<!tpu.dma_semaphore, #tpu.memory_space<semaphore_mem>>
          %dma_start3A = arith.constant 0 : i32
          %dma_start3A_37 = tpu.memref_slice %arg7[%scan3A_34, %dma_start3A] : memref<72x128xi32, #tpu.memory_space<vmem>> -> memref<1x128xi32, #tpu.memory_space<vmem>>
          %dma_start3A_38 = tpu.memref_squeeze %dma_start3A_37 : memref<1x128xi32, #tpu.memory_space<vmem>> -> memref<128xi32, #tpu.memory_space<vmem>>
          %dma_start3A_39 = arith.constant 0 : i32
          %dma_start3A_40 = arith.constant 0 : i32
          %dma_start3A_41 = tpu.memref_slice %arg10[%dma_start3A_39, %dma_start3A_40] : memref<10240x128xf32, #tpu.memory_space<vmem_shared>> -> memref<10240x128xf32, #tpu.memory_space<vmem_shared>>
          tpu.enqueue_indirect_dma source(%arg8 : memref<128x128xf32, #tpu.memory_space<vmem>>) target(%dma_start3A_41 : memref<10240x128xf32, #tpu.memory_space<vmem_shared>>) offsets(%dma_start3A_38 : memref<128xi32, #tpu.memory_space<vmem>>) semaphore(%run_scoped3A : memref<!tpu.dma_semaphore, #tpu.memory_space<semaphore_mem>>) {add = true}
          %dma_wait3A = arith.constant 0 : i32
          %dma_wait3A_42 = tpu.memref_slice %arg7[%scan3A_34, %dma_wait3A] : memref<72x128xi32, #tpu.memory_space<vmem>> -> memref<1x128xi32, #tpu.memory_space<vmem>>
          %dma_wait3A_43 = tpu.memref_squeeze %dma_wait3A_42 : memref<1x128xi32, #tpu.memory_space<vmem>> -> memref<128xi32, #tpu.memory_space<vmem>>
          %dma_wait3A_44 = arith.constant 0 : i32
          %dma_wait3A_45 = arith.constant 0 : i32
          %dma_wait3A_46 = tpu.memref_slice %arg10[%dma_wait3A_44, %dma_wait3A_45] : memref<10240x128xf32, #tpu.memory_space<vmem_shared>> -> memref<10240x128xf32, #tpu.memory_space<vmem_shared>>
          tpu.wait_indirect_dma semaphore(%run_scoped3A : memref<!tpu.dma_semaphore, #tpu.memory_space<semaphore_mem>>) src(%arg8 : memref<128x128xf32, #tpu.memory_space<vmem>>) dst(%dma_wait3A_46 : memref<10240x128xf32, #tpu.memory_space<vmem_shared>>)
          tpu.yield
        }) : () -> ()
        %scan3A_36 = arith.constant 0 : i32
        scf.yield %scan3A_36 : i32
      }
      %scan3A_33 = arith.constant 8 : i32
    } else {
    }
    %barrier3A_20 = arith.constant 0 : index
    tpu.barrier barrier_id(%barrier3A_20)
    %mul3A = arith.constant 640 : i32
    %mul3A_21 = arith.muli %arg1, %mul3A : i32
    %mul3A_22 = arith.constant 640 : i32
    %mul3A_23 = arith.muli %arg1, %mul3A_22 : i32
    "tpu.region"() ({
      %run_scoped3A = tpu.sem_alloc : memref<!tpu.dma_semaphore, #tpu.memory_space<semaphore_mem>>
      %dma_start3A = arith.constant 0 : i32
      %dma_start3A_24 = tpu.memref_slice %arg5[%arg0, %mul3A_23, %dma_start3A] : memref<2x10240x128xf32, #tpu.memory_space<hbm>> -> memref<1x640x128xf32, #tpu.memory_space<hbm>>
      %dma_start3A_25 = tpu.memref_squeeze %dma_start3A_24 : memref<1x640x128xf32, #tpu.memory_space<hbm>> -> memref<640x128xf32, #tpu.memory_space<hbm>>
      %dma_start3A_26 = arith.constant 0 : i32
      %dma_start3A_27 = tpu.memref_slice %arg10[%mul3A_21, %dma_start3A_26] : memref<10240x128xf32, #tpu.memory_space<vmem_shared>> -> memref<640x128xf32, #tpu.memory_space<vmem_shared>>
      tpu.enqueue_dma source(%dma_start3A_27 : memref<640x128xf32, #tpu.memory_space<vmem_shared>>) target(%dma_start3A_25 : memref<640x128xf32, #tpu.memory_space<hbm>>) target_semaphore(%run_scoped3A : memref<!tpu.dma_semaphore, #tpu.memory_space<semaphore_mem>>)
      %dma_wait3A = arith.constant 0 : i32
      %dma_wait3A_28 = tpu.memref_slice %arg5[%arg0, %mul3A_23, %dma_wait3A] : memref<2x10240x128xf32, #tpu.memory_space<hbm>> -> memref<1x640x128xf32, #tpu.memory_space<hbm>>
      %dma_wait3A_29 = tpu.memref_squeeze %dma_wait3A_28 : memref<1x640x128xf32, #tpu.memory_space<hbm>> -> memref<640x128xf32, #tpu.memory_space<hbm>>
      %dma_wait3A_30 = arith.constant 0 : i32
      %dma_wait3A_31 = tpu.memref_slice %arg10[%mul3A_21, %dma_wait3A_30] : memref<10240x128xf32, #tpu.memory_space<vmem_shared>> -> memref<640x128xf32, #tpu.memory_space<vmem_shared>>
      tpu.wait_dma2 semaphore(%run_scoped3A : memref<!tpu.dma_semaphore, #tpu.memory_space<semaphore_mem>>) src(%dma_wait3A_31 : memref<640x128xf32, #tpu.memory_space<vmem_shared>>) dst(%dma_wait3A_29 : memref<640x128xf32, #tpu.memory_space<hbm>>)
      tpu.yield
    }) : () -> ()
    return
  }
}

#map = affine_map<(d0, d1) -> (0, 0)>
#map1 = affine_map<(d0, d1) -> (0, 0, 0)>
module attributes {stable_mosaic.version = 14 : i64} {
  func.func @body(%arg0: i32, %arg1: i32, %arg2: memref<10000x128xf32, #tpu.memory_space<hbm>>, %arg3: memref<1280x128xi32, #tpu.memory_space<hbm>>, %arg4: memref<1280x128xi32, #tpu.memory_space<hbm>>, %arg5: memref<2x10240x128xf32, #tpu.memory_space<hbm>>, %arg6: memref<72x128xi32, #tpu.memory_space<vmem>>, %arg7: memref<72x128xi32, #tpu.memory_space<vmem>>, %arg8: memref<128x128xf32, #tpu.memory_space<vmem>>, %arg9: memref<64x128xf32, #tpu.memory_space<vmem>>, %arg10: memref<10240x128xf32, #tpu.memory_space<vmem_shared>>) attributes {dimension_semantics = [#tpu.dimension_semantics<core_parallel>, #tpu.dimension_semantics<subcore_parallel>], iteration_bounds = array<i64: 2, 16>, scalar_prefetch = 0 : i64, scratch_operands = 5 : i64, tpu.core_type = #tpu.core_type<sc_vector_subcore>, window_params = [{transform_indices = #map}, {transform_indices = #map}, {transform_indices = #map}, {transform_indices = #map1}]} {
    %scan3A = arith.constant 0 : i32
    %scan3A_0 = arith.constant 0 : i32
    %scan3A_1 = arith.constant 512 : i32
    %scan3A_2 = arith.addi %scan3A_0, %scan3A_1 : i32
    %scan3A_3 = arith.constant 1 : i32
    %scan3A_4 = scf.for %scan3A_24 = %scan3A_0 to %scan3A_2 step %scan3A_3 iter_args(%scan3A_25 = %scan3A) -> (i32)  : i32 {
      %jit3A = arith.constant 8 : i32
      %div3A = arith.divsi %scan3A_24, %jit3A : i32
      %sign3A = arith.constant 0 : i32
      %sign3A_26 = arith.cmpi sgt, %scan3A_24, %sign3A : i32
      %sign3A_27 = arith.extui %sign3A_26 : i1 to i32
      %sign3A_28 = arith.constant 0 : i32
      %sign3A_29 = arith.cmpi slt, %scan3A_24, %sign3A_28 : i32
      %sign3A_30 = arith.extui %sign3A_29 : i1 to i32
      %sign3A_31 = arith.subi %sign3A_27, %sign3A_30 : i32
      %sign3A_32 = arith.constant 0 : i32
      %sign3A_33 = arith.cmpi sgt, %jit3A, %sign3A_32 : i32
      %sign3A_34 = arith.extui %sign3A_33 : i1 to i32
      %sign3A_35 = arith.constant 0 : i32
      %sign3A_36 = arith.cmpi slt, %jit3A, %sign3A_35 : i32
      %sign3A_37 = arith.extui %sign3A_36 : i1 to i32
      %sign3A_38 = arith.subi %sign3A_34, %sign3A_37 : i32
      %ne3A = arith.cmpi ne, %sign3A_31, %sign3A_38 : i32
      %rem3A = arith.remsi %scan3A_24, %jit3A : i32
      %ne3A_39 = arith.constant 0 : i32
      %ne3A_40 = arith.cmpi ne, %rem3A, %ne3A_39 : i32
      %and3A = arith.andi %ne3A, %ne3A_40 : i1
      %sub3A = arith.constant 1 : i32
      %sub3A_41 = arith.subi %div3A, %sub3A : i32
      %select_n3A = arith.select %and3A, %sub3A_41, %div3A : i32
      %jit3A_42 = arith.constant 8 : i32
      %eq3A_43 = arith.constant 0 : i32
      %eq3A_44 = arith.cmpi eq, %jit3A_42, %eq3A_43 : i32
      %jit3A_45 = arith.constant 1 : i32
      %select_n3A_46 = arith.select %eq3A_44, %jit3A_45, %jit3A_42 : i32
      %rem3A_47 = arith.remsi %scan3A_24, %select_n3A_46 : i32
      %ne3A_48 = arith.constant 0 : i32
      %ne3A_49 = arith.cmpi ne, %rem3A_47, %ne3A_48 : i32
      %lt3A = arith.constant 0 : i32
      %lt3A_50 = arith.cmpi slt, %rem3A_47, %lt3A : i32
      %lt3A_51 = arith.constant 0 : i32
      %lt3A_52 = arith.cmpi slt, %select_n3A_46, %lt3A_51 : i32
      %ne3A_53 = arith.xori %lt3A_50, %lt3A_52 : i1
      %and3A_54 = arith.andi %ne3A_53, %ne3A_49 : i1
      %add3A = arith.addi %rem3A_47, %select_n3A_46 : i32
      %select_n3A_55 = arith.select %and3A_54, %add3A, %rem3A_47 : i32
      %broadcast_in_dim3A = arith.constant 0.000000e+00 : f32
      %broadcast_in_dim3A_56 = vector.broadcast %broadcast_in_dim3A : f32 to vector<16xf32>
      %mul3A_57 = arith.constant 16 : i32
      %mul3A_58 = arith.muli %select_n3A_55, %mul3A_57 : i32
      %swap3A = arith.index_cast %select_n3A : i32 to index
      %swap3A_59 = arith.index_cast %mul3A_58 : i32 to index
      %swap3A_60 = tpu.vector_load %arg9[%swap3A, %swap3A_59] {strides = array<i32>} : memref<64x128xf32, #tpu.memory_space<vmem>>, vector<1x16xf32>,
      %swap3A_61 = vector.shape_cast %swap3A_60 : vector<1x16xf32> to vector<16xf32>
      %swap3A_62 = vector.shape_cast %broadcast_in_dim3A_56 : vector<16xf32> to vector<1x16xf32>
      tpu.vector_store %arg9[%swap3A, %swap3A_59], %swap3A_62 {strides = array<i32>} : memref<64x128xf32, #tpu.memory_space<vmem>>, vector<1x16xf32>,
      %scan3A_63 = arith.constant 0 : i32
      scf.yield %scan3A_63 : i32
    }
    %scan3A_5 = arith.constant 512 : i32
    %scan3A_6 = arith.constant 0 : i32
    %scan3A_7 = arith.constant 0 : i32
    %scan3A_8 = arith.constant 10 : i32
    %scan3A_9 = arith.addi %scan3A_7, %scan3A_8 : i32
    %scan3A_10 = arith.constant 1 : i32
    %scan3A_11 = scf.for %scan3A_24 = %scan3A_7 to %scan3A_9 step %scan3A_10 iter_args(%scan3A_25 = %scan3A_6) -> (i32)  : i32 {
      %mul3A_26 = arith.constant 640 : i32
      %mul3A_27 = arith.muli %arg1, %mul3A_26 : i32
      %mul3A_28 = arith.constant 64 : i32
      %mul3A_29 = arith.muli %scan3A_24, %mul3A_28 : i32
      %add3A = arith.addi %mul3A_27, %mul3A_29 : i32
      "tpu.region"() ({
        %run_scoped3A = tpu.sem_alloc : memref<!tpu.dma_semaphore, #tpu.memory_space<semaphore_mem>>
        %dma_start3A = arith.constant 0 : i32
        %dma_start3A_31 = tpu.memref_slice %arg10[%add3A, %dma_start3A] : memref<10240x128xf32, #tpu.memory_space<vmem_shared>> -> memref<64x128xf32, #tpu.memory_space<vmem_shared>>
        %dma_start3A_32 = arith.constant 0 : i32
        %dma_start3A_33 = tpu.memref_slice %arg10[%add3A, %dma_start3A_32] : memref<10240x128xf32, #tpu.memory_space<vmem_shared>> -> memref<64x128xf32, #tpu.memory_space<vmem_shared>>
        tpu.enqueue_dma source(%arg9 : memref<64x128xf32, #tpu.memory_space<vmem>>) target(%dma_start3A_33 : memref<64x128xf32, #tpu.memory_space<vmem_shared>>) target_semaphore(%run_scoped3A : memref<!tpu.dma_semaphore, #tpu.memory_space<semaphore_mem>>)
        %dma_wait3A = arith.constant 0 : i32
        %dma_wait3A_34 = tpu.memref_slice %arg10[%add3A, %dma_wait3A] : memref<10240x128xf32, #tpu.memory_space<vmem_shared>> -> memref<64x128xf32, #tpu.memory_space<vmem_shared>>
        %dma_wait3A_35 = arith.constant 0 : i32
        %dma_wait3A_36 = tpu.memref_slice %arg10[%add3A, %dma_wait3A_35] : memref<10240x128xf32, #tpu.memory_space<vmem_shared>> -> memref<64x128xf32, #tpu.memory_space<vmem_shared>>
        tpu.wait_dma2 semaphore(%run_scoped3A : memref<!tpu.dma_semaphore, #tpu.memory_space<semaphore_mem>>) src(%arg9 : memref<64x128xf32, #tpu.memory_space<vmem>>) dst(%dma_wait3A_36 : memref<64x128xf32, #tpu.memory_space<vmem_shared>>)
        tpu.yield
      }) : () -> ()
      %scan3A_30 = arith.constant 0 : i32
      scf.yield %scan3A_30 : i32
    }
    %scan3A_12 = arith.constant 10 : i32
    %barrier3A = arith.constant 0 : index
    tpu.barrier barrier_id(%barrier3A)
    %eq3A = arith.constant 0 : i32
    %eq3A_13 = arith.cmpi eq, %arg0, %eq3A : i32
    %convert_element_type3A = arith.extui %eq3A_13 : i1 to i32
    %cond3A = arith.constant 0 : i32
    %cond3A_14 = arith.cmpi ne, %convert_element_type3A, %cond3A : i32
    scf.if %cond3A_14 {
      %mul3A_24 = arith.constant 72 : i32
      %mul3A_25 = arith.muli %arg1, %mul3A_24 : i32
      "tpu.region"() ({
        %run_scoped3A = tpu.sem_alloc : memref<!tpu.dma_semaphore, #tpu.memory_space<semaphore_mem>>
        %dma_start3A = arith.constant 0 : i32
        %dma_start3A_33 = arith.constant 0 : i32
        %dma_start3A_34 = tpu.memref_slice %arg6[%dma_start3A, %dma_start3A_33] : memref<72x128xi32, #tpu.memory_space<vmem>> -> memref<72x128xi32, #tpu.memory_space<vmem>>
        %dma_start3A_35 = arith.constant 0 : i32
        %dma_start3A_36 = tpu.memref_slice %arg3[%mul3A_25, %dma_start3A_35] : memref<1280x128xi32, #tpu.memory_space<hbm>> -> memref<72x128xi32, #tpu.memory_space<hbm>>
        %dma_start3A_37 = arith.constant 0 : i32
        %dma_start3A_38 = arith.constant 0 : i32
        %dma_start3A_39 = tpu.memref_slice %arg6[%dma_start3A_37, %dma_start3A_38] : memref<72x128xi32, #tpu.memory_space<vmem>> -> memref<72x128xi32, #tpu.memory_space<vmem>>
        %dma_start3A_40 = arith.constant 0 : i32
        %dma_start3A_41 = tpu.memref_slice %arg3[%mul3A_25, %dma_start3A_40] : memref<1280x128xi32, #tpu.memory_space<hbm>> -> memref<72x128xi32, #tpu.memory_space<hbm>>
        tpu.enqueue_dma source(%dma_start3A_41 : memref<72x128xi32, #tpu.memory_space<hbm>>) target(%dma_start3A_39 : memref<72x128xi32, #tpu.memory_space<vmem>>) target_semaphore(%run_scoped3A : memref<!tpu.dma_semaphore, #tpu.memory_space<semaphore_mem>>)
        %dma_wait3A = arith.constant 0 : i32
        %dma_wait3A_42 = arith.constant 0 : i32
        %dma_wait3A_43 = tpu.memref_slice %arg6[%dma_wait3A, %dma_wait3A_42] : memref<72x128xi32, #tpu.memory_space<vmem>> -> memref<72x128xi32, #tpu.memory_space<vmem>>
        %dma_wait3A_44 = arith.constant 0 : i32
        %dma_wait3A_45 = tpu.memref_slice %arg3[%mul3A_25, %dma_wait3A_44] : memref<1280x128xi32, #tpu.memory_space<hbm>> -> memref<72x128xi32, #tpu.memory_space<hbm>>
        %dma_wait3A_46 = arith.constant 0 : i32
        %dma_wait3A_47 = arith.constant 0 : i32
        %dma_wait3A_48 = tpu.memref_slice %arg6[%dma_wait3A_46, %dma_wait3A_47] : memref<72x128xi32, #tpu.memory_space<vmem>> -> memref<72x128xi32, #tpu.memory_space<vmem>>
        %dma_wait3A_49 = arith.constant 0 : i32
        %dma_wait3A_50 = tpu.memref_slice %arg3[%mul3A_25, %dma_wait3A_49] : memref<1280x128xi32, #tpu.memory_space<hbm>> -> memref<72x128xi32, #tpu.memory_space<hbm>>
        tpu.wait_dma2 semaphore(%run_scoped3A : memref<!tpu.dma_semaphore, #tpu.memory_space<semaphore_mem>>) src(%dma_wait3A_50 : memref<72x128xi32, #tpu.memory_space<hbm>>) dst(%dma_wait3A_48 : memref<72x128xi32, #tpu.memory_space<vmem>>)
        tpu.yield
      }) : () -> ()
      "tpu.region"() ({
        %run_scoped3A = tpu.sem_alloc : memref<!tpu.dma_semaphore, #tpu.memory_space<semaphore_mem>>
        %dma_start3A = arith.constant 0 : i32
        %dma_start3A_33 = arith.constant 0 : i32
        %dma_start3A_34 = tpu.memref_slice %arg7[%dma_start3A, %dma_start3A_33] : memref<72x128xi32, #tpu.memory_space<vmem>> -> memref<72x128xi32, #tpu.memory_space<vmem>>
        %dma_start3A_35 = arith.constant 0 : i32
        %dma_start3A_36 = tpu.memref_slice %arg4[%mul3A_25, %dma_start3A_35] : memref<1280x128xi32, #tpu.memory_space<hbm>> -> memref<72x128xi32, #tpu.memory_space<hbm>>
        %dma_start3A_37 = arith.constant 0 : i32
        %dma_start3A_38 = arith.constant 0 : i32
        %dma_start3A_39 = tpu.memref_slice %arg7[%dma_start3A_37, %dma_start3A_38] : memref<72x128xi32, #tpu.memory_space<vmem>> -> memref<72x128xi32, #tpu.memory_space<vmem>>
        %dma_start3A_40 = arith.constant 0 : i32
        %dma_start3A_41 = tpu.memref_slice %arg4[%mul3A_25, %dma_start3A_40] : memref<1280x128xi32, #tpu.memory_space<hbm>> -> memref<72x128xi32, #tpu.memory_space<hbm>>
        tpu.enqueue_dma source(%dma_start3A_41 : memref<72x128xi32, #tpu.memory_space<hbm>>) target(%dma_start3A_39 : memref<72x128xi32, #tpu.memory_space<vmem>>) target_semaphore(%run_scoped3A : memref<!tpu.dma_semaphore, #tpu.memory_space<semaphore_mem>>)
        %dma_wait3A = arith.constant 0 : i32
        %dma_wait3A_42 = arith.constant 0 : i32
        %dma_wait3A_43 = tpu.memref_slice %arg7[%dma_wait3A, %dma_wait3A_42] : memref<72x128xi32, #tpu.memory_space<vmem>> -> memref<72x128xi32, #tpu.memory_space<vmem>>
        %dma_wait3A_44 = arith.constant 0 : i32
        %dma_wait3A_45 = tpu.memref_slice %arg4[%mul3A_25, %dma_wait3A_44] : memref<1280x128xi32, #tpu.memory_space<hbm>> -> memref<72x128xi32, #tpu.memory_space<hbm>>
        %dma_wait3A_46 = arith.constant 0 : i32
        %dma_wait3A_47 = arith.constant 0 : i32
        %dma_wait3A_48 = tpu.memref_slice %arg7[%dma_wait3A_46, %dma_wait3A_47] : memref<72x128xi32, #tpu.memory_space<vmem>> -> memref<72x128xi32, #tpu.memory_space<vmem>>
        %dma_wait3A_49 = arith.constant 0 : i32
        %dma_wait3A_50 = tpu.memref_slice %arg4[%mul3A_25, %dma_wait3A_49] : memref<1280x128xi32, #tpu.memory_space<hbm>> -> memref<72x128xi32, #tpu.memory_space<hbm>>
        tpu.wait_dma2 semaphore(%run_scoped3A : memref<!tpu.dma_semaphore, #tpu.memory_space<semaphore_mem>>) src(%dma_wait3A_50 : memref<72x128xi32, #tpu.memory_space<hbm>>) dst(%dma_wait3A_48 : memref<72x128xi32, #tpu.memory_space<vmem>>)
        tpu.yield
      }) : () -> ()
      %scan3A_26 = arith.constant 0 : i32
      %scan3A_27 = arith.constant 0 : i32
      %scan3A_28 = arith.constant 72 : i32
      %scan3A_29 = arith.addi %scan3A_27, %scan3A_28 : i32
      %scan3A_30 = arith.constant 1 : i32
      %scan3A_31 = scf.for %scan3A_33 = %scan3A_27 to %scan3A_29 step %scan3A_30 iter_args(%scan3A_34 = %scan3A_26) -> (i32)  : i32 {
        "tpu.region"() ({
          %run_scoped3A = tpu.sem_alloc : memref<!tpu.dma_semaphore, #tpu.memory_space<semaphore_mem>>
          %dma_start3A = arith.constant 0 : i32
          %dma_start3A_36 = tpu.memref_slice %arg6[%scan3A_33, %dma_start3A] : memref<72x128xi32, #tpu.memory_space<vmem>> -> memref<1x128xi32, #tpu.memory_space<vmem>>
          %dma_start3A_37 = tpu.memref_squeeze %dma_start3A_36 : memref<1x128xi32, #tpu.memory_space<vmem>> -> memref<128xi32, #tpu.memory_space<vmem>>
          %dma_start3A_38 = arith.constant 0 : i32
          %dma_start3A_39 = arith.constant 0 : i32
          %dma_start3A_40 = tpu.memref_slice %arg2[%dma_start3A_38, %dma_start3A_39] : memref<10000x128xf32, #tpu.memory_space<hbm>> -> memref<10000x128xf32, #tpu.memory_space<hbm>>
          tpu.enqueue_indirect_dma source(%dma_start3A_40 : memref<10000x128xf32, #tpu.memory_space<hbm>>) target(%arg8 : memref<128x128xf32, #tpu.memory_space<vmem>>) offsets(%dma_start3A_37 : memref<128xi32, #tpu.memory_space<vmem>>) semaphore(%run_scoped3A : memref<!tpu.dma_semaphore, #tpu.memory_space<semaphore_mem>>)
          %dma_wait3A = arith.constant 0 : i32
          %dma_wait3A_41 = tpu.memref_slice %arg6[%scan3A_33, %dma_wait3A] : memref<72x128xi32, #tpu.memory_space<vmem>> -> memref<1x128xi32, #tpu.memory_space<vmem>>
          %dma_wait3A_42 = tpu.memref_squeeze %dma_wait3A_41 : memref<1x128xi32, #tpu.memory_space<vmem>> -> memref<128xi32, #tpu.memory_space<vmem>>
          %dma_wait3A_43 = arith.constant 0 : i32
          %dma_wait3A_44 = arith.constant 0 : i32
          %dma_wait3A_45 = tpu.memref_slice %arg2[%dma_wait3A_43, %dma_wait3A_44] : memref<10000x128xf32, #tpu.memory_space<hbm>> -> memref<10000x128xf32, #tpu.memory_space<hbm>>
          tpu.wait_indirect_dma semaphore(%run_scoped3A : memref<!tpu.dma_semaphore, #tpu.memory_space<semaphore_mem>>) src(%dma_wait3A_45 : memref<10000x128xf32, #tpu.memory_space<hbm>>) dst(%arg8 : memref<128x128xf32, #tpu.memory_space<vmem>>)
          tpu.yield
        }) : () -> ()
        "tpu.region"() ({
          %run_scoped3A = tpu.sem_alloc : memref<!tpu.dma_semaphore, #tpu.memory_space<semaphore_mem>>
          %dma_start3A = arith.constant 0 : i32
          %dma_start3A_36 = tpu.memref_slice %arg7[%scan3A_33, %dma_start3A] : memref<72x128xi32, #tpu.memory_space<vmem>> -> memref<1x128xi32, #tpu.memory_space<vmem>>
          %dma_start3A_37 = tpu.memref_squeeze %dma_start3A_36 : memref<1x128xi32, #tpu.memory_space<vmem>> -> memref<128xi32, #tpu.memory_space<vmem>>
          %dma_start3A_38 = arith.constant 0 : i32
          %dma_start3A_39 = arith.constant 0 : i32
          %dma_start3A_40 = tpu.memref_slice %arg10[%dma_start3A_38, %dma_start3A_39] : memref<10240x128xf32, #tpu.memory_space<vmem_shared>> -> memref<10240x128xf32, #tpu.memory_space<vmem_shared>>
          tpu.enqueue_indirect_dma source(%arg8 : memref<128x128xf32, #tpu.memory_space<vmem>>) target(%dma_start3A_40 : memref<10240x128xf32, #tpu.memory_space<vmem_shared>>) offsets(%dma_start3A_37 : memref<128xi32, #tpu.memory_space<vmem>>) semaphore(%run_scoped3A : memref<!tpu.dma_semaphore, #tpu.memory_space<semaphore_mem>>) {add = true}
          %dma_wait3A = arith.constant 0 : i32
          %dma_wait3A_41 = tpu.memref_slice %arg7[%scan3A_33, %dma_wait3A] : memref<72x128xi32, #tpu.memory_space<vmem>> -> memref<1x128xi32, #tpu.memory_space<vmem>>
          %dma_wait3A_42 = tpu.memref_squeeze %dma_wait3A_41 : memref<1x128xi32, #tpu.memory_space<vmem>> -> memref<128xi32, #tpu.memory_space<vmem>>
          %dma_wait3A_43 = arith.constant 0 : i32
          %dma_wait3A_44 = arith.constant 0 : i32
          %dma_wait3A_45 = tpu.memref_slice %arg10[%dma_wait3A_43, %dma_wait3A_44] : memref<10240x128xf32, #tpu.memory_space<vmem_shared>> -> memref<10240x128xf32, #tpu.memory_space<vmem_shared>>
          tpu.wait_indirect_dma semaphore(%run_scoped3A : memref<!tpu.dma_semaphore, #tpu.memory_space<semaphore_mem>>) src(%arg8 : memref<128x128xf32, #tpu.memory_space<vmem>>) dst(%dma_wait3A_45 : memref<10240x128xf32, #tpu.memory_space<vmem_shared>>)
          tpu.yield
        }) : () -> ()
        %scan3A_35 = arith.constant 0 : i32
        scf.yield %scan3A_35 : i32
      }
      %scan3A_32 = arith.constant 72 : i32
    } else {
    }
    %eq3A_15 = arith.constant 1 : i32
    %eq3A_16 = arith.cmpi eq, %arg0, %eq3A_15 : i32
    %convert_element_type3A_17 = arith.extui %eq3A_16 : i1 to i32
    %cond3A_18 = arith.constant 0 : i32
    %cond3A_19 = arith.cmpi ne, %convert_element_type3A_17, %cond3A_18 : i32
    scf.if %cond3A_19 {
      %mul3A_24 = arith.constant 8 : i32
      %mul3A_25 = arith.muli %arg1, %mul3A_24 : i32
      %add3A = arith.constant 1152 : i32
      %add3A_26 = arith.addi %add3A, %mul3A_25 : i32
      "tpu.region"() ({
        %run_scoped3A = tpu.sem_alloc : memref<!tpu.dma_semaphore, #tpu.memory_space<semaphore_mem>>
        %dma_start3A = arith.constant 0 : i32
        %dma_start3A_34 = arith.constant 0 : i32
        %dma_start3A_35 = tpu.memref_slice %arg6[%dma_start3A, %dma_start3A_34] : memref<72x128xi32, #tpu.memory_space<vmem>> -> memref<8x128xi32, #tpu.memory_space<vmem>>
        %dma_start3A_36 = arith.constant 0 : i32
        %dma_start3A_37 = tpu.memref_slice %arg3[%add3A_26, %dma_start3A_36] : memref<1280x128xi32, #tpu.memory_space<hbm>> -> memref<8x128xi32, #tpu.memory_space<hbm>>
        %dma_start3A_38 = arith.constant 0 : i32
        %dma_start3A_39 = arith.constant 0 : i32
        %dma_start3A_40 = tpu.memref_slice %arg6[%dma_start3A_38, %dma_start3A_39] : memref<72x128xi32, #tpu.memory_space<vmem>> -> memref<8x128xi32, #tpu.memory_space<vmem>>
        %dma_start3A_41 = arith.constant 0 : i32
        %dma_start3A_42 = tpu.memref_slice %arg3[%add3A_26, %dma_start3A_41] : memref<1280x128xi32, #tpu.memory_space<hbm>> -> memref<8x128xi32, #tpu.memory_space<hbm>>
        tpu.enqueue_dma source(%dma_start3A_42 : memref<8x128xi32, #tpu.memory_space<hbm>>) target(%dma_start3A_40 : memref<8x128xi32, #tpu.memory_space<vmem>>) target_semaphore(%run_scoped3A : memref<!tpu.dma_semaphore, #tpu.memory_space<semaphore_mem>>)
        %dma_wait3A = arith.constant 0 : i32
        %dma_wait3A_43 = arith.constant 0 : i32
        %dma_wait3A_44 = tpu.memref_slice %arg6[%dma_wait3A, %dma_wait3A_43] : memref<72x128xi32, #tpu.memory_space<vmem>> -> memref<8x128xi32, #tpu.memory_space<vmem>>
        %dma_wait3A_45 = arith.constant 0 : i32
        %dma_wait3A_46 = tpu.memref_slice %arg3[%add3A_26, %dma_wait3A_45] : memref<1280x128xi32, #tpu.memory_space<hbm>> -> memref<8x128xi32, #tpu.memory_space<hbm>>
        %dma_wait3A_47 = arith.constant 0 : i32
        %dma_wait3A_48 = arith.constant 0 : i32
        %dma_wait3A_49 = tpu.memref_slice %arg6[%dma_wait3A_47, %dma_wait3A_48] : memref<72x128xi32, #tpu.memory_space<vmem>> -> memref<8x128xi32, #tpu.memory_space<vmem>>
        %dma_wait3A_50 = arith.constant 0 : i32
        %dma_wait3A_51 = tpu.memref_slice %arg3[%add3A_26, %dma_wait3A_50] : memref<1280x128xi32, #tpu.memory_space<hbm>> -> memref<8x128xi32, #tpu.memory_space<hbm>>
        tpu.wait_dma2 semaphore(%run_scoped3A : memref<!tpu.dma_semaphore, #tpu.memory_space<semaphore_mem>>) src(%dma_wait3A_51 : memref<8x128xi32, #tpu.memory_space<hbm>>) dst(%dma_wait3A_49 : memref<8x128xi32, #tpu.memory_space<vmem>>)
        tpu.yield
      }) : () -> ()
      "tpu.region"() ({
        %run_scoped3A = tpu.sem_alloc : memref<!tpu.dma_semaphore, #tpu.memory_space<semaphore_mem>>
        %dma_start3A = arith.constant 0 : i32
        %dma_start3A_34 = arith.constant 0 : i32
        %dma_start3A_35 = tpu.memref_slice %arg7[%dma_start3A, %dma_start3A_34] : memref<72x128xi32, #tpu.memory_space<vmem>> -> memref<8x128xi32, #tpu.memory_space<vmem>>
        %dma_start3A_36 = arith.constant 0 : i32
        %dma_start3A_37 = tpu.memref_slice %arg4[%add3A_26, %dma_start3A_36] : memref<1280x128xi32, #tpu.memory_space<hbm>> -> memref<8x128xi32, #tpu.memory_space<hbm>>
        %dma_start3A_38 = arith.constant 0 : i32
        %dma_start3A_39 = arith.constant 0 : i32
        %dma_start3A_40 = tpu.memref_slice %arg7[%dma_start3A_38, %dma_start3A_39] : memref<72x128xi32, #tpu.memory_space<vmem>> -> memref<8x128xi32, #tpu.memory_space<vmem>>
        %dma_start3A_41 = arith.constant 0 : i32
        %dma_start3A_42 = tpu.memref_slice %arg4[%add3A_26, %dma_start3A_41] : memref<1280x128xi32, #tpu.memory_space<hbm>> -> memref<8x128xi32, #tpu.memory_space<hbm>>
        tpu.enqueue_dma source(%dma_start3A_42 : memref<8x128xi32, #tpu.memory_space<hbm>>) target(%dma_start3A_40 : memref<8x128xi32, #tpu.memory_space<vmem>>) target_semaphore(%run_scoped3A : memref<!tpu.dma_semaphore, #tpu.memory_space<semaphore_mem>>)
        %dma_wait3A = arith.constant 0 : i32
        %dma_wait3A_43 = arith.constant 0 : i32
        %dma_wait3A_44 = tpu.memref_slice %arg7[%dma_wait3A, %dma_wait3A_43] : memref<72x128xi32, #tpu.memory_space<vmem>> -> memref<8x128xi32, #tpu.memory_space<vmem>>
        %dma_wait3A_45 = arith.constant 0 : i32
        %dma_wait3A_46 = tpu.memref_slice %arg4[%add3A_26, %dma_wait3A_45] : memref<1280x128xi32, #tpu.memory_space<hbm>> -> memref<8x128xi32, #tpu.memory_space<hbm>>
        %dma_wait3A_47 = arith.constant 0 : i32
        %dma_wait3A_48 = arith.constant 0 : i32
        %dma_wait3A_49 = tpu.memref_slice %arg7[%dma_wait3A_47, %dma_wait3A_48] : memref<72x128xi32, #tpu.memory_space<vmem>> -> memref<8x128xi32, #tpu.memory_space<vmem>>
        %dma_wait3A_50 = arith.constant 0 : i32
        %dma_wait3A_51 = tpu.memref_slice %arg4[%add3A_26, %dma_wait3A_50] : memref<1280x128xi32, #tpu.memory_space<hbm>> -> memref<8x128xi32, #tpu.memory_space<hbm>>
        tpu.wait_dma2 semaphore(%run_scoped3A : memref<!tpu.dma_semaphore, #tpu.memory_space<semaphore_mem>>) src(%dma_wait3A_51 : memref<8x128xi32, #tpu.memory_space<hbm>>) dst(%dma_wait3A_49 : memref<8x128xi32, #tpu.memory_space<vmem>>)
        tpu.yield
      }) : () -> ()
      %scan3A_27 = arith.constant 0 : i32
      %scan3A_28 = arith.constant 0 : i32
      %scan3A_29 = arith.constant 8 : i32
      %scan3A_30 = arith.addi %scan3A_28, %scan3A_29 : i32
      %scan3A_31 = arith.constant 1 : i32
      %scan3A_32 = scf.for %scan3A_34 = %scan3A_28 to %scan3A_30 step %scan3A_31 iter_args(%scan3A_35 = %scan3A_27) -> (i32)  : i32 {
        "tpu.region"() ({
          %run_scoped3A = tpu.sem_alloc : memref<!tpu.dma_semaphore, #tpu.memory_space<semaphore_mem>>
          %dma_start3A = arith.constant 0 : i32
          %dma_start3A_37 = tpu.memref_slice %arg6[%scan3A_34, %dma_start3A] : memref<72x128xi32, #tpu.memory_space<vmem>> -> memref<1x128xi32, #tpu.memory_space<vmem>>
          %dma_start3A_38 = tpu.memref_squeeze %dma_start3A_37 : memref<1x128xi32, #tpu.memory_space<vmem>> -> memref<128xi32, #tpu.memory_space<vmem>>
          %dma_start3A_39 = arith.constant 0 : i32
          %dma_start3A_40 = arith.constant 0 : i32
          %dma_start3A_41 = tpu.memref_slice %arg2[%dma_start3A_39, %dma_start3A_40] : memref<10000x128xf32, #tpu.memory_space<hbm>> -> memref<10000x128xf32, #tpu.memory_space<hbm>>
          tpu.enqueue_indirect_dma source(%dma_start3A_41 : memref<10000x128xf32, #tpu.memory_space<hbm>>) target(%arg8 : memref<128x128xf32, #tpu.memory_space<vmem>>) offsets(%dma_start3A_38 : memref<128xi32, #tpu.memory_space<vmem>>) semaphore(%run_scoped3A : memref<!tpu.dma_semaphore, #tpu.memory_space<semaphore_mem>>)
          %dma_wait3A = arith.constant 0 : i32
          %dma_wait3A_42 = tpu.memref_slice %arg6[%scan3A_34, %dma_wait3A] : memref<72x128xi32, #tpu.memory_space<vmem>> -> memref<1x128xi32, #tpu.memory_space<vmem>>
          %dma_wait3A_43 = tpu.memref_squeeze %dma_wait3A_42 : memref<1x128xi32, #tpu.memory_space<vmem>> -> memref<128xi32, #tpu.memory_space<vmem>>
          %dma_wait3A_44 = arith.constant 0 : i32
          %dma_wait3A_45 = arith.constant 0 : i32
          %dma_wait3A_46 = tpu.memref_slice %arg2[%dma_wait3A_44, %dma_wait3A_45] : memref<10000x128xf32, #tpu.memory_space<hbm>> -> memref<10000x128xf32, #tpu.memory_space<hbm>>
          tpu.wait_indirect_dma semaphore(%run_scoped3A : memref<!tpu.dma_semaphore, #tpu.memory_space<semaphore_mem>>) src(%dma_wait3A_46 : memref<10000x128xf32, #tpu.memory_space<hbm>>) dst(%arg8 : memref<128x128xf32, #tpu.memory_space<vmem>>)
          tpu.yield
        }) : () -> ()
        "tpu.region"() ({
          %run_scoped3A = tpu.sem_alloc : memref<!tpu.dma_semaphore, #tpu.memory_space<semaphore_mem>>
          %dma_start3A = arith.constant 0 : i32
          %dma_start3A_37 = tpu.memref_slice %arg7[%scan3A_34, %dma_start3A] : memref<72x128xi32, #tpu.memory_space<vmem>> -> memref<1x128xi32, #tpu.memory_space<vmem>>
          %dma_start3A_38 = tpu.memref_squeeze %dma_start3A_37 : memref<1x128xi32, #tpu.memory_space<vmem>> -> memref<128xi32, #tpu.memory_space<vmem>>
          %dma_start3A_39 = arith.constant 0 : i32
          %dma_start3A_40 = arith.constant 0 : i32
          %dma_start3A_41 = tpu.memref_slice %arg10[%dma_start3A_39, %dma_start3A_40] : memref<10240x128xf32, #tpu.memory_space<vmem_shared>> -> memref<10240x128xf32, #tpu.memory_space<vmem_shared>>
          tpu.enqueue_indirect_dma source(%arg8 : memref<128x128xf32, #tpu.memory_space<vmem>>) target(%dma_start3A_41 : memref<10240x128xf32, #tpu.memory_space<vmem_shared>>) offsets(%dma_start3A_38 : memref<128xi32, #tpu.memory_space<vmem>>) semaphore(%run_scoped3A : memref<!tpu.dma_semaphore, #tpu.memory_space<semaphore_mem>>) {add = true}
          %dma_wait3A = arith.constant 0 : i32
          %dma_wait3A_42 = tpu.memref_slice %arg7[%scan3A_34, %dma_wait3A] : memref<72x128xi32, #tpu.memory_space<vmem>> -> memref<1x128xi32, #tpu.memory_space<vmem>>
          %dma_wait3A_43 = tpu.memref_squeeze %dma_wait3A_42 : memref<1x128xi32, #tpu.memory_space<vmem>> -> memref<128xi32, #tpu.memory_space<vmem>>
          %dma_wait3A_44 = arith.constant 0 : i32
          %dma_wait3A_45 = arith.constant 0 : i32
          %dma_wait3A_46 = tpu.memref_slice %arg10[%dma_wait3A_44, %dma_wait3A_45] : memref<10240x128xf32, #tpu.memory_space<vmem_shared>> -> memref<10240x128xf32, #tpu.memory_space<vmem_shared>>
          tpu.wait_indirect_dma semaphore(%run_scoped3A : memref<!tpu.dma_semaphore, #tpu.memory_space<semaphore_mem>>) src(%arg8 : memref<128x128xf32, #tpu.memory_space<vmem>>) dst(%dma_wait3A_46 : memref<10240x128xf32, #tpu.memory_space<vmem_shared>>)
          tpu.yield
        }) : () -> ()
        %scan3A_36 = arith.constant 0 : i32
        scf.yield %scan3A_36 : i32
      }
      %scan3A_33 = arith.constant 8 : i32
    } else {
    }
    %barrier3A_20 = arith.constant 0 : index
    tpu.barrier barrier_id(%barrier3A_20)
    %mul3A = arith.constant 640 : i32
    %mul3A_21 = arith.muli %arg1, %mul3A : i32
    %mul3A_22 = arith.constant 640 : i32
    %mul3A_23 = arith.muli %arg1, %mul3A_22 : i32
    "tpu.region"() ({
      %run_scoped3A = tpu.sem_alloc : memref<!tpu.dma_semaphore, #tpu.memory_space<semaphore_mem>>
      %dma_start3A = arith.constant 0 : i32
      %dma_start3A_24 = tpu.memref_slice %arg5[%arg0, %mul3A_23, %dma_start3A] : memref<2x10240x128xf32, #tpu.memory_space<hbm>> -> memref<1x640x128xf32, #tpu.memory_space<hbm>>
      %dma_start3A_25 = tpu.memref_squeeze %dma_start3A_24 : memref<1x640x128xf32, #tpu.memory_space<hbm>> -> memref<640x128xf32, #tpu.memory_space<hbm>>
      %dma_start3A_26 = arith.constant 0 : i32
      %dma_start3A_27 = tpu.memref_slice %arg10[%mul3A_21, %dma_start3A_26] : memref<10240x128xf32, #tpu.memory_space<vmem_shared>> -> memref<640x128xf32, #tpu.memory_space<vmem_shared>>
      tpu.enqueue_dma source(%dma_start3A_27 : memref<640x128xf32, #tpu.memory_space<vmem_shared>>) target(%dma_start3A_25 : memref<640x128xf32, #tpu.memory_space<hbm>>) target_semaphore(%run_scoped3A : memref<!tpu.dma_semaphore, #tpu.memory_space<semaphore_mem>>)
      %dma_wait3A = arith.constant 0 : i32
      %dma_wait3A_28 = tpu.memref_slice %arg5[%arg0, %mul3A_23, %dma_wait3A] : memref<2x10240x128xf32, #tpu.memory_space<hbm>> -> memref<1x640x128xf32, #tpu.memory_space<hbm>>
      %dma_wait3A_29 = tpu.memref_squeeze %dma_wait3A_28 : memref<1x640x128xf32, #tpu.memory_space<hbm>> -> memref<640x128xf32, #tpu.memory_space<hbm>>
      %dma_wait3A_30 = arith.constant 0 : i32
      %dma_wait3A_31 = tpu.memref_slice %arg10[%mul3A_21, %dma_wait3A_30] : memref<10240x128xf32, #tpu.memory_space<vmem_shared>> -> memref<640x128xf32, #tpu.memory_space<vmem_shared>>
      tpu.wait_dma2 semaphore(%run_scoped3A : memref<!tpu.dma_semaphore, #tpu.memory_space<semaphore_mem>>) src(%dma_wait3A_31 : memref<640x128xf32, #tpu.memory_space<vmem_shared>>) dst(%dma_wait3A_29 : memref<640x128xf32, #tpu.memory_space<hbm>>)
      tpu.yield
    }) : () -> ()
    return
  }
}

#map = affine_map<(d0, d1) -> (0, 0)>
#map1 = affine_map<(d0, d1) -> (0, 0, 0)>
module attributes {stable_mosaic.version = 14 : i64} {
  func.func @body(%arg0: i32, %arg1: i32, %arg2: memref<10000x128xf32, #tpu.memory_space<hbm>>, %arg3: memref<1280x128xi32, #tpu.memory_space<hbm>>, %arg4: memref<1280x128xi32, #tpu.memory_space<hbm>>, %arg5: memref<2x10240x128xf32, #tpu.memory_space<hbm>>, %arg6: memref<72x128xi32, #tpu.memory_space<vmem>>, %arg7: memref<72x128xi32, #tpu.memory_space<vmem>>, %arg8: memref<128x128xf32, #tpu.memory_space<vmem>>, %arg9: memref<64x128xf32, #tpu.memory_space<vmem>>, %arg10: memref<10240x128xf32, #tpu.memory_space<vmem_shared>>) attributes {dimension_semantics = [#tpu.dimension_semantics<core_parallel>, #tpu.dimension_semantics<subcore_parallel>], iteration_bounds = array<i64: 2, 16>, scalar_prefetch = 0 : i64, scratch_operands = 5 : i64, tpu.core_type = #tpu.core_type<sc_vector_subcore>, window_params = [{transform_indices = #map}, {transform_indices = #map}, {transform_indices = #map}, {transform_indices = #map1}]} {
    %scan3A = arith.constant 0 : i32
    %scan3A_0 = arith.constant 0 : i32
    %scan3A_1 = arith.constant 512 : i32
    %scan3A_2 = arith.addi %scan3A_0, %scan3A_1 : i32
    %scan3A_3 = arith.constant 1 : i32
    %scan3A_4 = scf.for %scan3A_24 = %scan3A_0 to %scan3A_2 step %scan3A_3 iter_args(%scan3A_25 = %scan3A) -> (i32)  : i32 {
      %jit3A = arith.constant 8 : i32
      %div3A = arith.divsi %scan3A_24, %jit3A : i32
      %sign3A = arith.constant 0 : i32
      %sign3A_26 = arith.cmpi sgt, %scan3A_24, %sign3A : i32
      %sign3A_27 = arith.extui %sign3A_26 : i1 to i32
      %sign3A_28 = arith.constant 0 : i32
      %sign3A_29 = arith.cmpi slt, %scan3A_24, %sign3A_28 : i32
      %sign3A_30 = arith.extui %sign3A_29 : i1 to i32
      %sign3A_31 = arith.subi %sign3A_27, %sign3A_30 : i32
      %sign3A_32 = arith.constant 0 : i32
      %sign3A_33 = arith.cmpi sgt, %jit3A, %sign3A_32 : i32
      %sign3A_34 = arith.extui %sign3A_33 : i1 to i32
      %sign3A_35 = arith.constant 0 : i32
      %sign3A_36 = arith.cmpi slt, %jit3A, %sign3A_35 : i32
      %sign3A_37 = arith.extui %sign3A_36 : i1 to i32
      %sign3A_38 = arith.subi %sign3A_34, %sign3A_37 : i32
      %ne3A = arith.cmpi ne, %sign3A_31, %sign3A_38 : i32
      %rem3A = arith.remsi %scan3A_24, %jit3A : i32
      %ne3A_39 = arith.constant 0 : i32
      %ne3A_40 = arith.cmpi ne, %rem3A, %ne3A_39 : i32
      %and3A = arith.andi %ne3A, %ne3A_40 : i1
      %sub3A = arith.constant 1 : i32
      %sub3A_41 = arith.subi %div3A, %sub3A : i32
      %select_n3A = arith.select %and3A, %sub3A_41, %div3A : i32
      %jit3A_42 = arith.constant 8 : i32
      %eq3A_43 = arith.constant 0 : i32
      %eq3A_44 = arith.cmpi eq, %jit3A_42, %eq3A_43 : i32
      %jit3A_45 = arith.constant 1 : i32
      %select_n3A_46 = arith.select %eq3A_44, %jit3A_45, %jit3A_42 : i32
      %rem3A_47 = arith.remsi %scan3A_24, %select_n3A_46 : i32
      %ne3A_48 = arith.constant 0 : i32
      %ne3A_49 = arith.cmpi ne, %rem3A_47, %ne3A_48 : i32
      %lt3A = arith.constant 0 : i32
      %lt3A_50 = arith.cmpi slt, %rem3A_47, %lt3A : i32
      %lt3A_51 = arith.constant 0 : i32
      %lt3A_52 = arith.cmpi slt, %select_n3A_46, %lt3A_51 : i32
      %ne3A_53 = arith.xori %lt3A_50, %lt3A_52 : i1
      %and3A_54 = arith.andi %ne3A_53, %ne3A_49 : i1
      %add3A = arith.addi %rem3A_47, %select_n3A_46 : i32
      %select_n3A_55 = arith.select %and3A_54, %add3A, %rem3A_47 : i32
      %broadcast_in_dim3A = arith.constant 0.000000e+00 : f32
      %broadcast_in_dim3A_56 = vector.broadcast %broadcast_in_dim3A : f32 to vector<16xf32>
      %mul3A_57 = arith.constant 16 : i32
      %mul3A_58 = arith.muli %select_n3A_55, %mul3A_57 : i32
      %swap3A = arith.index_cast %select_n3A : i32 to index
      %swap3A_59 = arith.index_cast %mul3A_58 : i32 to index
      %swap3A_60 = tpu.vector_load %arg9[%swap3A, %swap3A_59] {strides = array<i32>} : memref<64x128xf32, #tpu.memory_space<vmem>>, vector<1x16xf32>,
      %swap3A_61 = vector.shape_cast %swap3A_60 : vector<1x16xf32> to vector<16xf32>
      %swap3A_62 = vector.shape_cast %broadcast_in_dim3A_56 : vector<16xf32> to vector<1x16xf32>
      tpu.vector_store %arg9[%swap3A, %swap3A_59], %swap3A_62 {strides = array<i32>} : memref<64x128xf32, #tpu.memory_space<vmem>>, vector<1x16xf32>,
      %scan3A_63 = arith.constant 0 : i32
      scf.yield %scan3A_63 : i32
    }
    %scan3A_5 = arith.constant 512 : i32
    %scan3A_6 = arith.constant 0 : i32
    %scan3A_7 = arith.constant 0 : i32
    %scan3A_8 = arith.constant 10 : i32
    %scan3A_9 = arith.addi %scan3A_7, %scan3A_8 : i32
    %scan3A_10 = arith.constant 1 : i32
    %scan3A_11 = scf.for %scan3A_24 = %scan3A_7 to %scan3A_9 step %scan3A_10 iter_args(%scan3A_25 = %scan3A_6) -> (i32)  : i32 {
      %mul3A_26 = arith.constant 640 : i32
      %mul3A_27 = arith.muli %arg1, %mul3A_26 : i32
      %mul3A_28 = arith.constant 64 : i32
      %mul3A_29 = arith.muli %scan3A_24, %mul3A_28 : i32
      %add3A = arith.addi %mul3A_27, %mul3A_29 : i32
      "tpu.region"() ({
        %run_scoped3A = tpu.sem_alloc : memref<!tpu.dma_semaphore, #tpu.memory_space<semaphore_mem>>
        %dma_start3A = arith.constant 0 : i32
        %dma_start3A_31 = tpu.memref_slice %arg10[%add3A, %dma_start3A] : memref<10240x128xf32, #tpu.memory_space<vmem_shared>> -> memref<64x128xf32, #tpu.memory_space<vmem_shared>>
        %dma_start3A_32 = arith.constant 0 : i32
        %dma_start3A_33 = tpu.memref_slice %arg10[%add3A, %dma_start3A_32] : memref<10240x128xf32, #tpu.memory_space<vmem_shared>> -> memref<64x128xf32, #tpu.memory_space<vmem_shared>>
        tpu.enqueue_dma source(%arg9 : memref<64x128xf32, #tpu.memory_space<vmem>>) target(%dma_start3A_33 : memref<64x128xf32, #tpu.memory_space<vmem_shared>>) target_semaphore(%run_scoped3A : memref<!tpu.dma_semaphore, #tpu.memory_space<semaphore_mem>>)
        %dma_wait3A = arith.constant 0 : i32
        %dma_wait3A_34 = tpu.memref_slice %arg10[%add3A, %dma_wait3A] : memref<10240x128xf32, #tpu.memory_space<vmem_shared>> -> memref<64x128xf32, #tpu.memory_space<vmem_shared>>
        %dma_wait3A_35 = arith.constant 0 : i32
        %dma_wait3A_36 = tpu.memref_slice %arg10[%add3A, %dma_wait3A_35] : memref<10240x128xf32, #tpu.memory_space<vmem_shared>> -> memref<64x128xf32, #tpu.memory_space<vmem_shared>>
        tpu.wait_dma2 semaphore(%run_scoped3A : memref<!tpu.dma_semaphore, #tpu.memory_space<semaphore_mem>>) src(%arg9 : memref<64x128xf32, #tpu.memory_space<vmem>>) dst(%dma_wait3A_36 : memref<64x128xf32, #tpu.memory_space<vmem_shared>>)
        tpu.yield
      }) : () -> ()
      %scan3A_30 = arith.constant 0 : i32
      scf.yield %scan3A_30 : i32
    }
    %scan3A_12 = arith.constant 10 : i32
    %barrier3A = arith.constant 0 : index
    tpu.barrier barrier_id(%barrier3A)
    %eq3A = arith.constant 0 : i32
    %eq3A_13 = arith.cmpi eq, %arg0, %eq3A : i32
    %convert_element_type3A = arith.extui %eq3A_13 : i1 to i32
    %cond3A = arith.constant 0 : i32
    %cond3A_14 = arith.cmpi ne, %convert_element_type3A, %cond3A : i32
    scf.if %cond3A_14 {
      %mul3A_24 = arith.constant 72 : i32
      %mul3A_25 = arith.muli %arg1, %mul3A_24 : i32
      "tpu.region"() ({
        %run_scoped3A = tpu.sem_alloc : memref<!tpu.dma_semaphore, #tpu.memory_space<semaphore_mem>>
        %dma_start3A = arith.constant 0 : i32
        %dma_start3A_33 = arith.constant 0 : i32
        %dma_start3A_34 = tpu.memref_slice %arg6[%dma_start3A, %dma_start3A_33] : memref<72x128xi32, #tpu.memory_space<vmem>> -> memref<72x128xi32, #tpu.memory_space<vmem>>
        %dma_start3A_35 = arith.constant 0 : i32
        %dma_start3A_36 = tpu.memref_slice %arg3[%mul3A_25, %dma_start3A_35] : memref<1280x128xi32, #tpu.memory_space<hbm>> -> memref<72x128xi32, #tpu.memory_space<hbm>>
        %dma_start3A_37 = arith.constant 0 : i32
        %dma_start3A_38 = arith.constant 0 : i32
        %dma_start3A_39 = tpu.memref_slice %arg6[%dma_start3A_37, %dma_start3A_38] : memref<72x128xi32, #tpu.memory_space<vmem>> -> memref<72x128xi32, #tpu.memory_space<vmem>>
        %dma_start3A_40 = arith.constant 0 : i32
        %dma_start3A_41 = tpu.memref_slice %arg3[%mul3A_25, %dma_start3A_40] : memref<1280x128xi32, #tpu.memory_space<hbm>> -> memref<72x128xi32, #tpu.memory_space<hbm>>
        tpu.enqueue_dma source(%dma_start3A_41 : memref<72x128xi32, #tpu.memory_space<hbm>>) target(%dma_start3A_39 : memref<72x128xi32, #tpu.memory_space<vmem>>) target_semaphore(%run_scoped3A : memref<!tpu.dma_semaphore, #tpu.memory_space<semaphore_mem>>)
        %dma_wait3A = arith.constant 0 : i32
        %dma_wait3A_42 = arith.constant 0 : i32
        %dma_wait3A_43 = tpu.memref_slice %arg6[%dma_wait3A, %dma_wait3A_42] : memref<72x128xi32, #tpu.memory_space<vmem>> -> memref<72x128xi32, #tpu.memory_space<vmem>>
        %dma_wait3A_44 = arith.constant 0 : i32
        %dma_wait3A_45 = tpu.memref_slice %arg3[%mul3A_25, %dma_wait3A_44] : memref<1280x128xi32, #tpu.memory_space<hbm>> -> memref<72x128xi32, #tpu.memory_space<hbm>>
        %dma_wait3A_46 = arith.constant 0 : i32
        %dma_wait3A_47 = arith.constant 0 : i32
        %dma_wait3A_48 = tpu.memref_slice %arg6[%dma_wait3A_46, %dma_wait3A_47] : memref<72x128xi32, #tpu.memory_space<vmem>> -> memref<72x128xi32, #tpu.memory_space<vmem>>
        %dma_wait3A_49 = arith.constant 0 : i32
        %dma_wait3A_50 = tpu.memref_slice %arg3[%mul3A_25, %dma_wait3A_49] : memref<1280x128xi32, #tpu.memory_space<hbm>> -> memref<72x128xi32, #tpu.memory_space<hbm>>
        tpu.wait_dma2 semaphore(%run_scoped3A : memref<!tpu.dma_semaphore, #tpu.memory_space<semaphore_mem>>) src(%dma_wait3A_50 : memref<72x128xi32, #tpu.memory_space<hbm>>) dst(%dma_wait3A_48 : memref<72x128xi32, #tpu.memory_space<vmem>>)
        tpu.yield
      }) : () -> ()
      "tpu.region"() ({
        %run_scoped3A = tpu.sem_alloc : memref<!tpu.dma_semaphore, #tpu.memory_space<semaphore_mem>>
        %dma_start3A = arith.constant 0 : i32
        %dma_start3A_33 = arith.constant 0 : i32
        %dma_start3A_34 = tpu.memref_slice %arg7[%dma_start3A, %dma_start3A_33] : memref<72x128xi32, #tpu.memory_space<vmem>> -> memref<72x128xi32, #tpu.memory_space<vmem>>
        %dma_start3A_35 = arith.constant 0 : i32
        %dma_start3A_36 = tpu.memref_slice %arg4[%mul3A_25, %dma_start3A_35] : memref<1280x128xi32, #tpu.memory_space<hbm>> -> memref<72x128xi32, #tpu.memory_space<hbm>>
        %dma_start3A_37 = arith.constant 0 : i32
        %dma_start3A_38 = arith.constant 0 : i32
        %dma_start3A_39 = tpu.memref_slice %arg7[%dma_start3A_37, %dma_start3A_38] : memref<72x128xi32, #tpu.memory_space<vmem>> -> memref<72x128xi32, #tpu.memory_space<vmem>>
        %dma_start3A_40 = arith.constant 0 : i32
        %dma_start3A_41 = tpu.memref_slice %arg4[%mul3A_25, %dma_start3A_40] : memref<1280x128xi32, #tpu.memory_space<hbm>> -> memref<72x128xi32, #tpu.memory_space<hbm>>
        tpu.enqueue_dma source(%dma_start3A_41 : memref<72x128xi32, #tpu.memory_space<hbm>>) target(%dma_start3A_39 : memref<72x128xi32, #tpu.memory_space<vmem>>) target_semaphore(%run_scoped3A : memref<!tpu.dma_semaphore, #tpu.memory_space<semaphore_mem>>)
        %dma_wait3A = arith.constant 0 : i32
        %dma_wait3A_42 = arith.constant 0 : i32
        %dma_wait3A_43 = tpu.memref_slice %arg7[%dma_wait3A, %dma_wait3A_42] : memref<72x128xi32, #tpu.memory_space<vmem>> -> memref<72x128xi32, #tpu.memory_space<vmem>>
        %dma_wait3A_44 = arith.constant 0 : i32
        %dma_wait3A_45 = tpu.memref_slice %arg4[%mul3A_25, %dma_wait3A_44] : memref<1280x128xi32, #tpu.memory_space<hbm>> -> memref<72x128xi32, #tpu.memory_space<hbm>>
        %dma_wait3A_46 = arith.constant 0 : i32
        %dma_wait3A_47 = arith.constant 0 : i32
        %dma_wait3A_48 = tpu.memref_slice %arg7[%dma_wait3A_46, %dma_wait3A_47] : memref<72x128xi32, #tpu.memory_space<vmem>> -> memref<72x128xi32, #tpu.memory_space<vmem>>
        %dma_wait3A_49 = arith.constant 0 : i32
        %dma_wait3A_50 = tpu.memref_slice %arg4[%mul3A_25, %dma_wait3A_49] : memref<1280x128xi32, #tpu.memory_space<hbm>> -> memref<72x128xi32, #tpu.memory_space<hbm>>
        tpu.wait_dma2 semaphore(%run_scoped3A : memref<!tpu.dma_semaphore, #tpu.memory_space<semaphore_mem>>) src(%dma_wait3A_50 : memref<72x128xi32, #tpu.memory_space<hbm>>) dst(%dma_wait3A_48 : memref<72x128xi32, #tpu.memory_space<vmem>>)
        tpu.yield
      }) : () -> ()
      %scan3A_26 = arith.constant 0 : i32
      %scan3A_27 = arith.constant 0 : i32
      %scan3A_28 = arith.constant 72 : i32
      %scan3A_29 = arith.addi %scan3A_27, %scan3A_28 : i32
      %scan3A_30 = arith.constant 1 : i32
      %scan3A_31 = scf.for %scan3A_33 = %scan3A_27 to %scan3A_29 step %scan3A_30 iter_args(%scan3A_34 = %scan3A_26) -> (i32)  : i32 {
        "tpu.region"() ({
          %run_scoped3A = tpu.sem_alloc : memref<!tpu.dma_semaphore, #tpu.memory_space<semaphore_mem>>
          %dma_start3A = arith.constant 0 : i32
          %dma_start3A_36 = tpu.memref_slice %arg6[%scan3A_33, %dma_start3A] : memref<72x128xi32, #tpu.memory_space<vmem>> -> memref<1x128xi32, #tpu.memory_space<vmem>>
          %dma_start3A_37 = tpu.memref_squeeze %dma_start3A_36 : memref<1x128xi32, #tpu.memory_space<vmem>> -> memref<128xi32, #tpu.memory_space<vmem>>
          %dma_start3A_38 = arith.constant 0 : i32
          %dma_start3A_39 = arith.constant 0 : i32
          %dma_start3A_40 = tpu.memref_slice %arg2[%dma_start3A_38, %dma_start3A_39] : memref<10000x128xf32, #tpu.memory_space<hbm>> -> memref<10000x128xf32, #tpu.memory_space<hbm>>
          tpu.enqueue_indirect_dma source(%dma_start3A_40 : memref<10000x128xf32, #tpu.memory_space<hbm>>) target(%arg8 : memref<128x128xf32, #tpu.memory_space<vmem>>) offsets(%dma_start3A_37 : memref<128xi32, #tpu.memory_space<vmem>>) semaphore(%run_scoped3A : memref<!tpu.dma_semaphore, #tpu.memory_space<semaphore_mem>>)
          %dma_wait3A = arith.constant 0 : i32
          %dma_wait3A_41 = tpu.memref_slice %arg6[%scan3A_33, %dma_wait3A] : memref<72x128xi32, #tpu.memory_space<vmem>> -> memref<1x128xi32, #tpu.memory_space<vmem>>
          %dma_wait3A_42 = tpu.memref_squeeze %dma_wait3A_41 : memref<1x128xi32, #tpu.memory_space<vmem>> -> memref<128xi32, #tpu.memory_space<vmem>>
          %dma_wait3A_43 = arith.constant 0 : i32
          %dma_wait3A_44 = arith.constant 0 : i32
          %dma_wait3A_45 = tpu.memref_slice %arg2[%dma_wait3A_43, %dma_wait3A_44] : memref<10000x128xf32, #tpu.memory_space<hbm>> -> memref<10000x128xf32, #tpu.memory_space<hbm>>
          tpu.wait_indirect_dma semaphore(%run_scoped3A : memref<!tpu.dma_semaphore, #tpu.memory_space<semaphore_mem>>) src(%dma_wait3A_45 : memref<10000x128xf32, #tpu.memory_space<hbm>>) dst(%arg8 : memref<128x128xf32, #tpu.memory_space<vmem>>)
          tpu.yield
        }) : () -> ()
        "tpu.region"() ({
          %run_scoped3A = tpu.sem_alloc : memref<!tpu.dma_semaphore, #tpu.memory_space<semaphore_mem>>
          %dma_start3A = arith.constant 0 : i32
          %dma_start3A_36 = tpu.memref_slice %arg7[%scan3A_33, %dma_start3A] : memref<72x128xi32, #tpu.memory_space<vmem>> -> memref<1x128xi32, #tpu.memory_space<vmem>>
          %dma_start3A_37 = tpu.memref_squeeze %dma_start3A_36 : memref<1x128xi32, #tpu.memory_space<vmem>> -> memref<128xi32, #tpu.memory_space<vmem>>
          %dma_start3A_38 = arith.constant 0 : i32
          %dma_start3A_39 = arith.constant 0 : i32
          %dma_start3A_40 = tpu.memref_slice %arg10[%dma_start3A_38, %dma_start3A_39] : memref<10240x128xf32, #tpu.memory_space<vmem_shared>> -> memref<10240x128xf32, #tpu.memory_space<vmem_shared>>
          tpu.enqueue_indirect_dma source(%arg8 : memref<128x128xf32, #tpu.memory_space<vmem>>) target(%dma_start3A_40 : memref<10240x128xf32, #tpu.memory_space<vmem_shared>>) offsets(%dma_start3A_37 : memref<128xi32, #tpu.memory_space<vmem>>) semaphore(%run_scoped3A : memref<!tpu.dma_semaphore, #tpu.memory_space<semaphore_mem>>) {add = true}
          %dma_wait3A = arith.constant 0 : i32
          %dma_wait3A_41 = tpu.memref_slice %arg7[%scan3A_33, %dma_wait3A] : memref<72x128xi32, #tpu.memory_space<vmem>> -> memref<1x128xi32, #tpu.memory_space<vmem>>
          %dma_wait3A_42 = tpu.memref_squeeze %dma_wait3A_41 : memref<1x128xi32, #tpu.memory_space<vmem>> -> memref<128xi32, #tpu.memory_space<vmem>>
          %dma_wait3A_43 = arith.constant 0 : i32
          %dma_wait3A_44 = arith.constant 0 : i32
          %dma_wait3A_45 = tpu.memref_slice %arg10[%dma_wait3A_43, %dma_wait3A_44] : memref<10240x128xf32, #tpu.memory_space<vmem_shared>> -> memref<10240x128xf32, #tpu.memory_space<vmem_shared>>
          tpu.wait_indirect_dma semaphore(%run_scoped3A : memref<!tpu.dma_semaphore, #tpu.memory_space<semaphore_mem>>) src(%arg8 : memref<128x128xf32, #tpu.memory_space<vmem>>) dst(%dma_wait3A_45 : memref<10240x128xf32, #tpu.memory_space<vmem_shared>>)
          tpu.yield
        }) : () -> ()
        %scan3A_35 = arith.constant 0 : i32
        scf.yield %scan3A_35 : i32
      }
      %scan3A_32 = arith.constant 72 : i32
    } else {
    }
    %eq3A_15 = arith.constant 1 : i32
    %eq3A_16 = arith.cmpi eq, %arg0, %eq3A_15 : i32
    %convert_element_type3A_17 = arith.extui %eq3A_16 : i1 to i32
    %cond3A_18 = arith.constant 0 : i32
    %cond3A_19 = arith.cmpi ne, %convert_element_type3A_17, %cond3A_18 : i32
    scf.if %cond3A_19 {
      %mul3A_24 = arith.constant 8 : i32
      %mul3A_25 = arith.muli %arg1, %mul3A_24 : i32
      %add3A = arith.constant 1152 : i32
      %add3A_26 = arith.addi %add3A, %mul3A_25 : i32
      "tpu.region"() ({
        %run_scoped3A = tpu.sem_alloc : memref<!tpu.dma_semaphore, #tpu.memory_space<semaphore_mem>>
        %dma_start3A = arith.constant 0 : i32
        %dma_start3A_34 = arith.constant 0 : i32
        %dma_start3A_35 = tpu.memref_slice %arg6[%dma_start3A, %dma_start3A_34] : memref<72x128xi32, #tpu.memory_space<vmem>> -> memref<8x128xi32, #tpu.memory_space<vmem>>
        %dma_start3A_36 = arith.constant 0 : i32
        %dma_start3A_37 = tpu.memref_slice %arg3[%add3A_26, %dma_start3A_36] : memref<1280x128xi32, #tpu.memory_space<hbm>> -> memref<8x128xi32, #tpu.memory_space<hbm>>
        %dma_start3A_38 = arith.constant 0 : i32
        %dma_start3A_39 = arith.constant 0 : i32
        %dma_start3A_40 = tpu.memref_slice %arg6[%dma_start3A_38, %dma_start3A_39] : memref<72x128xi32, #tpu.memory_space<vmem>> -> memref<8x128xi32, #tpu.memory_space<vmem>>
        %dma_start3A_41 = arith.constant 0 : i32
        %dma_start3A_42 = tpu.memref_slice %arg3[%add3A_26, %dma_start3A_41] : memref<1280x128xi32, #tpu.memory_space<hbm>> -> memref<8x128xi32, #tpu.memory_space<hbm>>
        tpu.enqueue_dma source(%dma_start3A_42 : memref<8x128xi32, #tpu.memory_space<hbm>>) target(%dma_start3A_40 : memref<8x128xi32, #tpu.memory_space<vmem>>) target_semaphore(%run_scoped3A : memref<!tpu.dma_semaphore, #tpu.memory_space<semaphore_mem>>)
        %dma_wait3A = arith.constant 0 : i32
        %dma_wait3A_43 = arith.constant 0 : i32
        %dma_wait3A_44 = tpu.memref_slice %arg6[%dma_wait3A, %dma_wait3A_43] : memref<72x128xi32, #tpu.memory_space<vmem>> -> memref<8x128xi32, #tpu.memory_space<vmem>>
        %dma_wait3A_45 = arith.constant 0 : i32
        %dma_wait3A_46 = tpu.memref_slice %arg3[%add3A_26, %dma_wait3A_45] : memref<1280x128xi32, #tpu.memory_space<hbm>> -> memref<8x128xi32, #tpu.memory_space<hbm>>
        %dma_wait3A_47 = arith.constant 0 : i32
        %dma_wait3A_48 = arith.constant 0 : i32
        %dma_wait3A_49 = tpu.memref_slice %arg6[%dma_wait3A_47, %dma_wait3A_48] : memref<72x128xi32, #tpu.memory_space<vmem>> -> memref<8x128xi32, #tpu.memory_space<vmem>>
        %dma_wait3A_50 = arith.constant 0 : i32
        %dma_wait3A_51 = tpu.memref_slice %arg3[%add3A_26, %dma_wait3A_50] : memref<1280x128xi32, #tpu.memory_space<hbm>> -> memref<8x128xi32, #tpu.memory_space<hbm>>
        tpu.wait_dma2 semaphore(%run_scoped3A : memref<!tpu.dma_semaphore, #tpu.memory_space<semaphore_mem>>) src(%dma_wait3A_51 : memref<8x128xi32, #tpu.memory_space<hbm>>) dst(%dma_wait3A_49 : memref<8x128xi32, #tpu.memory_space<vmem>>)
        tpu.yield
      }) : () -> ()
      "tpu.region"() ({
        %run_scoped3A = tpu.sem_alloc : memref<!tpu.dma_semaphore, #tpu.memory_space<semaphore_mem>>
        %dma_start3A = arith.constant 0 : i32
        %dma_start3A_34 = arith.constant 0 : i32
        %dma_start3A_35 = tpu.memref_slice %arg7[%dma_start3A, %dma_start3A_34] : memref<72x128xi32, #tpu.memory_space<vmem>> -> memref<8x128xi32, #tpu.memory_space<vmem>>
        %dma_start3A_36 = arith.constant 0 : i32
        %dma_start3A_37 = tpu.memref_slice %arg4[%add3A_26, %dma_start3A_36] : memref<1280x128xi32, #tpu.memory_space<hbm>> -> memref<8x128xi32, #tpu.memory_space<hbm>>
        %dma_start3A_38 = arith.constant 0 : i32
        %dma_start3A_39 = arith.constant 0 : i32
        %dma_start3A_40 = tpu.memref_slice %arg7[%dma_start3A_38, %dma_start3A_39] : memref<72x128xi32, #tpu.memory_space<vmem>> -> memref<8x128xi32, #tpu.memory_space<vmem>>
        %dma_start3A_41 = arith.constant 0 : i32
        %dma_start3A_42 = tpu.memref_slice %arg4[%add3A_26, %dma_start3A_41] : memref<1280x128xi32, #tpu.memory_space<hbm>> -> memref<8x128xi32, #tpu.memory_space<hbm>>
        tpu.enqueue_dma source(%dma_start3A_42 : memref<8x128xi32, #tpu.memory_space<hbm>>) target(%dma_start3A_40 : memref<8x128xi32, #tpu.memory_space<vmem>>) target_semaphore(%run_scoped3A : memref<!tpu.dma_semaphore, #tpu.memory_space<semaphore_mem>>)
        %dma_wait3A = arith.constant 0 : i32
        %dma_wait3A_43 = arith.constant 0 : i32
        %dma_wait3A_44 = tpu.memref_slice %arg7[%dma_wait3A, %dma_wait3A_43] : memref<72x128xi32, #tpu.memory_space<vmem>> -> memref<8x128xi32, #tpu.memory_space<vmem>>
        %dma_wait3A_45 = arith.constant 0 : i32
        %dma_wait3A_46 = tpu.memref_slice %arg4[%add3A_26, %dma_wait3A_45] : memref<1280x128xi32, #tpu.memory_space<hbm>> -> memref<8x128xi32, #tpu.memory_space<hbm>>
        %dma_wait3A_47 = arith.constant 0 : i32
        %dma_wait3A_48 = arith.constant 0 : i32
        %dma_wait3A_49 = tpu.memref_slice %arg7[%dma_wait3A_47, %dma_wait3A_48] : memref<72x128xi32, #tpu.memory_space<vmem>> -> memref<8x128xi32, #tpu.memory_space<vmem>>
        %dma_wait3A_50 = arith.constant 0 : i32
        %dma_wait3A_51 = tpu.memref_slice %arg4[%add3A_26, %dma_wait3A_50] : memref<1280x128xi32, #tpu.memory_space<hbm>> -> memref<8x128xi32, #tpu.memory_space<hbm>>
        tpu.wait_dma2 semaphore(%run_scoped3A : memref<!tpu.dma_semaphore, #tpu.memory_space<semaphore_mem>>) src(%dma_wait3A_51 : memref<8x128xi32, #tpu.memory_space<hbm>>) dst(%dma_wait3A_49 : memref<8x128xi32, #tpu.memory_space<vmem>>)
        tpu.yield
      }) : () -> ()
      %scan3A_27 = arith.constant 0 : i32
      %scan3A_28 = arith.constant 0 : i32
      %scan3A_29 = arith.constant 8 : i32
      %scan3A_30 = arith.addi %scan3A_28, %scan3A_29 : i32
      %scan3A_31 = arith.constant 1 : i32
      %scan3A_32 = scf.for %scan3A_34 = %scan3A_28 to %scan3A_30 step %scan3A_31 iter_args(%scan3A_35 = %scan3A_27) -> (i32)  : i32 {
        "tpu.region"() ({
          %run_scoped3A = tpu.sem_alloc : memref<!tpu.dma_semaphore, #tpu.memory_space<semaphore_mem>>
          %dma_start3A = arith.constant 0 : i32
          %dma_start3A_37 = tpu.memref_slice %arg6[%scan3A_34, %dma_start3A] : memref<72x128xi32, #tpu.memory_space<vmem>> -> memref<1x128xi32, #tpu.memory_space<vmem>>
          %dma_start3A_38 = tpu.memref_squeeze %dma_start3A_37 : memref<1x128xi32, #tpu.memory_space<vmem>> -> memref<128xi32, #tpu.memory_space<vmem>>
          %dma_start3A_39 = arith.constant 0 : i32
          %dma_start3A_40 = arith.constant 0 : i32
          %dma_start3A_41 = tpu.memref_slice %arg2[%dma_start3A_39, %dma_start3A_40] : memref<10000x128xf32, #tpu.memory_space<hbm>> -> memref<10000x128xf32, #tpu.memory_space<hbm>>
          tpu.enqueue_indirect_dma source(%dma_start3A_41 : memref<10000x128xf32, #tpu.memory_space<hbm>>) target(%arg8 : memref<128x128xf32, #tpu.memory_space<vmem>>) offsets(%dma_start3A_38 : memref<128xi32, #tpu.memory_space<vmem>>) semaphore(%run_scoped3A : memref<!tpu.dma_semaphore, #tpu.memory_space<semaphore_mem>>)
          %dma_wait3A = arith.constant 0 : i32
          %dma_wait3A_42 = tpu.memref_slice %arg6[%scan3A_34, %dma_wait3A] : memref<72x128xi32, #tpu.memory_space<vmem>> -> memref<1x128xi32, #tpu.memory_space<vmem>>
          %dma_wait3A_43 = tpu.memref_squeeze %dma_wait3A_42 : memref<1x128xi32, #tpu.memory_space<vmem>> -> memref<128xi32, #tpu.memory_space<vmem>>
          %dma_wait3A_44 = arith.constant 0 : i32
          %dma_wait3A_45 = arith.constant 0 : i32
          %dma_wait3A_46 = tpu.memref_slice %arg2[%dma_wait3A_44, %dma_wait3A_45] : memref<10000x128xf32, #tpu.memory_space<hbm>> -> memref<10000x128xf32, #tpu.memory_space<hbm>>
          tpu.wait_indirect_dma semaphore(%run_scoped3A : memref<!tpu.dma_semaphore, #tpu.memory_space<semaphore_mem>>) src(%dma_wait3A_46 : memref<10000x128xf32, #tpu.memory_space<hbm>>) dst(%arg8 : memref<128x128xf32, #tpu.memory_space<vmem>>)
          tpu.yield
        }) : () -> ()
        "tpu.region"() ({
          %run_scoped3A = tpu.sem_alloc : memref<!tpu.dma_semaphore, #tpu.memory_space<semaphore_mem>>
          %dma_start3A = arith.constant 0 : i32
          %dma_start3A_37 = tpu.memref_slice %arg7[%scan3A_34, %dma_start3A] : memref<72x128xi32, #tpu.memory_space<vmem>> -> memref<1x128xi32, #tpu.memory_space<vmem>>
          %dma_start3A_38 = tpu.memref_squeeze %dma_start3A_37 : memref<1x128xi32, #tpu.memory_space<vmem>> -> memref<128xi32, #tpu.memory_space<vmem>>
          %dma_start3A_39 = arith.constant 0 : i32
          %dma_start3A_40 = arith.constant 0 : i32
          %dma_start3A_41 = tpu.memref_slice %arg10[%dma_start3A_39, %dma_start3A_40] : memref<10240x128xf32, #tpu.memory_space<vmem_shared>> -> memref<10240x128xf32, #tpu.memory_space<vmem_shared>>
          tpu.enqueue_indirect_dma source(%arg8 : memref<128x128xf32, #tpu.memory_space<vmem>>) target(%dma_start3A_41 : memref<10240x128xf32, #tpu.memory_space<vmem_shared>>) offsets(%dma_start3A_38 : memref<128xi32, #tpu.memory_space<vmem>>) semaphore(%run_scoped3A : memref<!tpu.dma_semaphore, #tpu.memory_space<semaphore_mem>>) {add = true}
          %dma_wait3A = arith.constant 0 : i32
          %dma_wait3A_42 = tpu.memref_slice %arg7[%scan3A_34, %dma_wait3A] : memref<72x128xi32, #tpu.memory_space<vmem>> -> memref<1x128xi32, #tpu.memory_space<vmem>>
          %dma_wait3A_43 = tpu.memref_squeeze %dma_wait3A_42 : memref<1x128xi32, #tpu.memory_space<vmem>> -> memref<128xi32, #tpu.memory_space<vmem>>
          %dma_wait3A_44 = arith.constant 0 : i32
          %dma_wait3A_45 = arith.constant 0 : i32
          %dma_wait3A_46 = tpu.memref_slice %arg10[%dma_wait3A_44, %dma_wait3A_45] : memref<10240x128xf32, #tpu.memory_space<vmem_shared>> -> memref<10240x128xf32, #tpu.memory_space<vmem_shared>>
          tpu.wait_indirect_dma semaphore(%run_scoped3A : memref<!tpu.dma_semaphore, #tpu.memory_space<semaphore_mem>>) src(%arg8 : memref<128x128xf32, #tpu.memory_space<vmem>>) dst(%dma_wait3A_46 : memref<10240x128xf32, #tpu.memory_space<vmem_shared>>)
          tpu.yield
        }) : () -> ()
        %scan3A_36 = arith.constant 0 : i32
        scf.yield %scan3A_36 : i32
      }
      %scan3A_33 = arith.constant 8 : i32
    } else {
    }
    %barrier3A_20 = arith.constant 0 : index
    tpu.barrier barrier_id(%barrier3A_20)
    %mul3A = arith.constant 640 : i32
    %mul3A_21 = arith.muli %arg1, %mul3A : i32
    %mul3A_22 = arith.constant 640 : i32
    %mul3A_23 = arith.muli %arg1, %mul3A_22 : i32
    "tpu.region"() ({
      %run_scoped3A = tpu.sem_alloc : memref<!tpu.dma_semaphore, #tpu.memory_space<semaphore_mem>>
      %dma_start3A = arith.constant 0 : i32
      %dma_start3A_24 = tpu.memref_slice %arg5[%arg0, %mul3A_23, %dma_start3A] : memref<2x10240x128xf32, #tpu.memory_space<hbm>> -> memref<1x640x128xf32, #tpu.memory_space<hbm>>
      %dma_start3A_25 = tpu.memref_squeeze %dma_start3A_24 : memref<1x640x128xf32, #tpu.memory_space<hbm>> -> memref<640x128xf32, #tpu.memory_space<hbm>>
      %dma_start3A_26 = arith.constant 0 : i32
      %dma_start3A_27 = tpu.memref_slice %arg10[%mul3A_21, %dma_start3A_26] : memref<10240x128xf32, #tpu.memory_space<vmem_shared>> -> memref<640x128xf32, #tpu.memory_space<vmem_shared>>
      tpu.enqueue_dma source(%dma_start3A_27 : memref<640x128xf32, #tpu.memory_space<vmem_shared>>) target(%dma_start3A_25 : memref<640x128xf32, #tpu.memory_space<hbm>>) target_semaphore(%run_scoped3A : memref<!tpu.dma_semaphore, #tpu.memory_space<semaphore_mem>>)
      %dma_wait3A = arith.constant 0 : i32
      %dma_wait3A_28 = tpu.memref_slice %arg5[%arg0, %mul3A_23, %dma_wait3A] : memref<2x10240x128xf32, #tpu.memory_space<hbm>> -> memref<1x640x128xf32, #tpu.memory_space<hbm>>
      %dma_wait3A_29 = tpu.memref_squeeze %dma_wait3A_28 : memref<1x640x128xf32, #tpu.memory_space<hbm>> -> memref<640x128xf32, #tpu.memory_space<hbm>>
      %dma_wait3A_30 = arith.constant 0 : i32
      %dma_wait3A_31 = tpu.memref_slice %arg10[%mul3A_21, %dma_wait3A_30] : memref<10240x128xf32, #tpu.memory_space<vmem_shared>> -> memref<640x128xf32, #tpu.memory_space<vmem_shared>>
      tpu.wait_dma2 semaphore(%run_scoped3A : memref<!tpu.dma_semaphore, #tpu.memory_space<semaphore_mem>>) src(%dma_wait3A_31 : memref<640x128xf32, #tpu.memory_space<vmem_shared>>) dst(%dma_wait3A_29 : memref<640x128xf32, #tpu.memory_space<hbm>>)
      tpu.yield
    }) : () -> ()
    return
  }
}

module attributes {stable_mosaic.version = 14 : i64} {
  func.func @_t1_body(%arg0: i32, %arg1: memref<2000x256xf32, #tpu.memory_space<vmem>>, %arg2: memref<256x128xf32, #tpu.memory_space<vmem>>, %arg3: memref<2x2000x1xf32, #tpu.memory_space<vmem>>, %arg4: memref<2000x128xf32, #tpu.memory_space<vmem>>) attributes {dimension_semantics = [#tpu.dimension_semantics<arbitrary>], iteration_bounds = array<i64: 5>, scalar_prefetch = 0 : i64, scratch_operands = 0 : i64, tpu.core_type = #tpu.core_type<tc>, window_params = [{transform_indices = @transform_0, window_bounds = array<i64: 2000, 256>}, {pipeline_mode = #tpu.pipeline_mode<synchronous>, transform_indices = @transform_1, window_bounds = array<i64: 256, 128>}, {transform_indices = @transform_2, window_bounds = array<i64: 2, 2000, 1>}, {transform_indices = @transform_3, window_bounds = array<i64: 2000, 128>}]} {
    %get3A = arith.constant 0 : index
    %get3A_0 = arith.constant 0 : index
    %get3A_1 = arith.constant 0 : index
    %get3A_2 = vector.load %arg3[%get3A, %get3A_0, %get3A_1] : memref<2x2000x1xf32, #tpu.memory_space<vmem>>, vector<1x2000x1xf32>
    %get3A_3 = vector.shape_cast %get3A_2 : vector<1x2000x1xf32> to vector<2000x1xf32>
    %get3A_4 = arith.constant 1 : index
    %get3A_5 = arith.constant 0 : index
    %get3A_6 = arith.constant 0 : index
    %get3A_7 = vector.load %arg3[%get3A_4, %get3A_5, %get3A_6] : memref<2x2000x1xf32, #tpu.memory_space<vmem>>, vector<1x2000x1xf32>
    %get3A_8 = vector.shape_cast %get3A_7 : vector<1x2000x1xf32> to vector<2000x1xf32>
    %add3A = arith.addf %get3A_3, %get3A_8 : vector<2000x1xf32>
    %add3A_9 = arith.constant 1.000000e+00 : f32
    %add3A_10 = vector.broadcast %add3A_9 : f32 to vector<2000x1xf32>
    %add3A_11 = arith.addf %add3A, %add3A_10 : vector<2000x1xf32>
    %rsqrt3A = math.rsqrt %add3A_11 : vector<2000x1xf32>
    %get3A_12 = arith.constant 0 : index
    %get3A_13 = arith.constant 0 : index
    %get3A_14 = vector.load %arg1[%get3A_12, %get3A_13] : memref<2000x256xf32, #tpu.memory_space<vmem>>, vector<2000x256xf32>
    %get3A_15 = arith.constant 0 : index
    %get3A_16 = arith.constant 0 : index
    %get3A_17 = vector.load %arg2[%get3A_15, %get3A_16] : memref<256x128xf32, #tpu.memory_space<vmem>>, vector<256x128xf32>
    %dot_general3A = arith.constant dense<0.000000e+00> : vector<2000x128xf32>
    %dot_general3A_18 = tpu.matmul %get3A_14, %get3A_17, %dot_general3A {dimension_numbers = #tpu.dot_dimension_numbers<[1], [0], [0], [1], [0, 0, 1, 1], [], []>, transpose_lhs_hint = false} : vector<2000x256xf32>, vector<256x128xf32>, vector<2000x128xf32> -> vector<2000x128xf32>
    %mul3A = vector.broadcast %rsqrt3A : vector<2000x1xf32> to vector<2000x128xf32>
    %mul3A_19 = arith.mulf %mul3A, %dot_general3A_18 : vector<2000x128xf32>
    %swap3A = arith.constant 0 : index
    %swap3A_20 = arith.constant 0 : index
    %swap3A_21 = vector.load %arg4[%swap3A, %swap3A_20] : memref<2000x128xf32, #tpu.memory_space<vmem>>, vector<2000x128xf32>
    tpu.vector_store %arg4[%swap3A, %swap3A_20], %mul3A_19 {strides = array<i32>} : memref<2000x128xf32, #tpu.memory_space<vmem>>, vector<2000x128xf32>,
    return
  }
  func.func @transform_0(%arg0: i32) -> (i32, i32) {
    %c0_i32 = arith.constant 0 : i32
    %c0_i32_0 = arith.constant 0 : i32
    return %arg0, %c0_i32 : i32, i32
  }
  func.func @transform_1(%arg0: i32) -> (i32, i32) {
    %c0_i32 = arith.constant 0 : i32
    %c0_i32_0 = arith.constant 0 : i32
    %c0_i32_1 = arith.constant 0 : i32
    return %c0_i32, %c0_i32_0 : i32, i32
  }
  func.func @transform_2(%arg0: i32) -> (i32, i32, i32) {
    %c0_i32 = arith.constant 0 : i32
    %c0_i32_0 = arith.constant 0 : i32
    %c0_i32_1 = arith.constant 0 : i32
    return %c0_i32, %arg0, %c0_i32_0 : i32, i32, i32
  }
  func.func @transform_3(%arg0: i32) -> (i32, i32) {
    %c0_i32 = arith.constant 0 : i32
    %c0_i32_0 = arith.constant 0 : i32
    return %arg0, %c0_i32 : i32, i32
  }
}

module attributes {stable_mosaic.version = 14 : i64} {
  func.func @_t2_body(%arg0: i32, %arg1: memref<2x2000x128xf32, #tpu.memory_space<vmem>>, %arg2: memref<2000x128xf32, #tpu.memory_space<vmem>>, %arg3: memref<1x128xf32, #tpu.memory_space<vmem>>, %arg4: memref<128x128xf32, #tpu.memory_space<vmem>>, %arg5: memref<2x2000x1xf32, #tpu.memory_space<vmem>>, %arg6: memref<2000x128xf32, #tpu.memory_space<vmem>>) attributes {dimension_semantics = [#tpu.dimension_semantics<arbitrary>], iteration_bounds = array<i64: 5>, scalar_prefetch = 0 : i64, scratch_operands = 0 : i64, tpu.core_type = #tpu.core_type<tc>, window_params = [{transform_indices = @transform_0, window_bounds = array<i64: 2, 2000, 128>}, {transform_indices = @transform_1, window_bounds = array<i64: 2000, 128>}, {pipeline_mode = #tpu.pipeline_mode<synchronous>, transform_indices = @transform_2, window_bounds = array<i64: 1, 128>}, {pipeline_mode = #tpu.pipeline_mode<synchronous>, transform_indices = @transform_3, window_bounds = array<i64: 128, 128>}, {transform_indices = @transform_4, window_bounds = array<i64: 2, 2000, 1>}, {transform_indices = @transform_5, window_bounds = array<i64: 2000, 128>}]} {
    %get3A = arith.constant 0 : index
    %get3A_0 = arith.constant 0 : index
    %get3A_1 = arith.constant 0 : index
    %get3A_2 = vector.load %arg5[%get3A, %get3A_0, %get3A_1] : memref<2x2000x1xf32, #tpu.memory_space<vmem>>, vector<1x2000x1xf32>
    %get3A_3 = vector.shape_cast %get3A_2 : vector<1x2000x1xf32> to vector<2000x1xf32>
    %get3A_4 = arith.constant 1 : index
    %get3A_5 = arith.constant 0 : index
    %get3A_6 = arith.constant 0 : index
    %get3A_7 = vector.load %arg5[%get3A_4, %get3A_5, %get3A_6] : memref<2x2000x1xf32, #tpu.memory_space<vmem>>, vector<1x2000x1xf32>
    %get3A_8 = vector.shape_cast %get3A_7 : vector<1x2000x1xf32> to vector<2000x1xf32>
    %add3A = arith.addf %get3A_3, %get3A_8 : vector<2000x1xf32>
    %add3A_9 = arith.constant 1.000000e+00 : f32
    %add3A_10 = vector.broadcast %add3A_9 : f32 to vector<2000x1xf32>
    %add3A_11 = arith.addf %add3A, %add3A_10 : vector<2000x1xf32>
    %rsqrt3A = math.rsqrt %add3A_11 : vector<2000x1xf32>
    %get3A_12 = arith.constant 0 : index
    %get3A_13 = arith.constant 0 : index
    %get3A_14 = arith.constant 0 : index
    %get3A_15 = vector.load %arg1[%get3A_12, %get3A_13, %get3A_14] : memref<2x2000x128xf32, #tpu.memory_space<vmem>>, vector<1x2000x128xf32>
    %get3A_16 = vector.shape_cast %get3A_15 : vector<1x2000x128xf32> to vector<2000x128xf32>
    %get3A_17 = arith.constant 1 : index
    %get3A_18 = arith.constant 0 : index
    %get3A_19 = arith.constant 0 : index
    %get3A_20 = vector.load %arg1[%get3A_17, %get3A_18, %get3A_19] : memref<2x2000x128xf32, #tpu.memory_space<vmem>>, vector<1x2000x128xf32>
    %get3A_21 = vector.shape_cast %get3A_20 : vector<1x2000x128xf32> to vector<2000x128xf32>
    %add3A_22 = arith.addf %get3A_16, %get3A_21 : vector<2000x128xf32>
    %get3A_23 = arith.constant 0 : index
    %get3A_24 = arith.constant 0 : index
    %get3A_25 = vector.load %arg2[%get3A_23, %get3A_24] : memref<2000x128xf32, #tpu.memory_space<vmem>>, vector<2000x128xf32>
    %add3A_26 = arith.addf %add3A_22, %get3A_25 : vector<2000x128xf32>
    %mul3A = vector.broadcast %rsqrt3A : vector<2000x1xf32> to vector<2000x128xf32>
    %mul3A_27 = arith.mulf %mul3A, %add3A_26 : vector<2000x128xf32>
    %get3A_28 = arith.constant 0 : index
    %get3A_29 = arith.constant 0 : index
    %get3A_30 = vector.load %arg3[%get3A_28, %get3A_29] : memref<1x128xf32, #tpu.memory_space<vmem>>, vector<1x128xf32>
    %add3A_31 = vector.broadcast %get3A_30 : vector<1x128xf32> to vector<2000x128xf32>
    %add3A_32 = arith.addf %mul3A_27, %add3A_31 : vector<2000x128xf32>
    %max3A = arith.constant 0.000000e+00 : f32
    %max3A_33 = vector.broadcast %max3A : f32 to vector<2000x128xf32>
    %max3A_34 = arith.maximumf %add3A_32, %max3A_33 : vector<2000x128xf32>
    %get3A_35 = arith.constant 0 : index
    %get3A_36 = arith.constant 0 : index
    %get3A_37 = vector.load %arg4[%get3A_35, %get3A_36] : memref<128x128xf32, #tpu.memory_space<vmem>>, vector<128x128xf32>
    %dot_general3A = arith.constant dense<0.000000e+00> : vector<2000x128xf32>
    %dot_general3A_38 = tpu.matmul %max3A_34, %get3A_37, %dot_general3A {dimension_numbers = #tpu.dot_dimension_numbers<[1], [0], [0], [1], [0, 0, 1, 1], [], []>, transpose_lhs_hint = false} : vector<2000x128xf32>, vector<128x128xf32>, vector<2000x128xf32> -> vector<2000x128xf32>
    %mul3A_39 = vector.broadcast %rsqrt3A : vector<2000x1xf32> to vector<2000x128xf32>
    %mul3A_40 = arith.mulf %mul3A_39, %dot_general3A_38 : vector<2000x128xf32>
    %swap3A = arith.constant 0 : index
    %swap3A_41 = arith.constant 0 : index
    %swap3A_42 = vector.load %arg6[%swap3A, %swap3A_41] : memref<2000x128xf32, #tpu.memory_space<vmem>>, vector<2000x128xf32>
    tpu.vector_store %arg6[%swap3A, %swap3A_41], %mul3A_40 {strides = array<i32>} : memref<2000x128xf32, #tpu.memory_space<vmem>>, vector<2000x128xf32>,
    return
  }
  func.func @transform_0(%arg0: i32) -> (i32, i32, i32) {
    %c0_i32 = arith.constant 0 : i32
    %c0_i32_0 = arith.constant 0 : i32
    %c0_i32_1 = arith.constant 0 : i32
    return %c0_i32, %arg0, %c0_i32_0 : i32, i32, i32
  }
  func.func @transform_1(%arg0: i32) -> (i32, i32) {
    %c0_i32 = arith.constant 0 : i32
    %c0_i32_0 = arith.constant 0 : i32
    return %arg0, %c0_i32 : i32, i32
  }
  func.func @transform_2(%arg0: i32) -> (i32, i32) {
    %c0_i32 = arith.constant 0 : i32
    %c0_i32_0 = arith.constant 0 : i32
    %c0_i32_1 = arith.constant 0 : i32
    return %c0_i32, %c0_i32_0 : i32, i32
  }
  func.func @transform_3(%arg0: i32) -> (i32, i32) {
    %c0_i32 = arith.constant 0 : i32
    %c0_i32_0 = arith.constant 0 : i32
    %c0_i32_1 = arith.constant 0 : i32
    return %c0_i32, %c0_i32_0 : i32, i32
  }
  func.func @transform_4(%arg0: i32) -> (i32, i32, i32) {
    %c0_i32 = arith.constant 0 : i32
    %c0_i32_0 = arith.constant 0 : i32
    %c0_i32_1 = arith.constant 0 : i32
    return %c0_i32, %arg0, %c0_i32_0 : i32, i32, i32
  }
  func.func @transform_5(%arg0: i32) -> (i32, i32) {
    %c0_i32 = arith.constant 0 : i32
    %c0_i32_0 = arith.constant 0 : i32
    return %arg0, %c0_i32 : i32, i32
  }
}

module attributes {stable_mosaic.version = 14 : i64} {
  func.func @_t3_body(%arg0: i32, %arg1: memref<2x2000x128xf32, #tpu.memory_space<vmem>>, %arg2: memref<2000x128xf32, #tpu.memory_space<vmem>>, %arg3: memref<1x128xf32, #tpu.memory_space<vmem>>, %arg4: memref<2x2000x1xf32, #tpu.memory_space<vmem>>, %arg5: memref<2000x128xf32, #tpu.memory_space<vmem>>) attributes {dimension_semantics = [#tpu.dimension_semantics<arbitrary>], iteration_bounds = array<i64: 5>, scalar_prefetch = 0 : i64, scratch_operands = 0 : i64, tpu.core_type = #tpu.core_type<tc>, window_params = [{transform_indices = @transform_0, window_bounds = array<i64: 2, 2000, 128>}, {transform_indices = @transform_1, window_bounds = array<i64: 2000, 128>}, {pipeline_mode = #tpu.pipeline_mode<synchronous>, transform_indices = @transform_2, window_bounds = array<i64: 1, 128>}, {transform_indices = @transform_3, window_bounds = array<i64: 2, 2000, 1>}, {transform_indices = @transform_4, window_bounds = array<i64: 2000, 128>}]} {
    %get3A = arith.constant 0 : index
    %get3A_0 = arith.constant 0 : index
    %get3A_1 = arith.constant 0 : index
    %get3A_2 = vector.load %arg4[%get3A, %get3A_0, %get3A_1] : memref<2x2000x1xf32, #tpu.memory_space<vmem>>, vector<1x2000x1xf32>
    %get3A_3 = vector.shape_cast %get3A_2 : vector<1x2000x1xf32> to vector<2000x1xf32>
    %get3A_4 = arith.constant 1 : index
    %get3A_5 = arith.constant 0 : index
    %get3A_6 = arith.constant 0 : index
    %get3A_7 = vector.load %arg4[%get3A_4, %get3A_5, %get3A_6] : memref<2x2000x1xf32, #tpu.memory_space<vmem>>, vector<1x2000x1xf32>
    %get3A_8 = vector.shape_cast %get3A_7 : vector<1x2000x1xf32> to vector<2000x1xf32>
    %add3A = arith.addf %get3A_3, %get3A_8 : vector<2000x1xf32>
    %add3A_9 = arith.constant 1.000000e+00 : f32
    %add3A_10 = vector.broadcast %add3A_9 : f32 to vector<2000x1xf32>
    %add3A_11 = arith.addf %add3A, %add3A_10 : vector<2000x1xf32>
    %rsqrt3A = math.rsqrt %add3A_11 : vector<2000x1xf32>
    %get3A_12 = arith.constant 0 : index
    %get3A_13 = arith.constant 0 : index
    %get3A_14 = arith.constant 0 : index
    %get3A_15 = vector.load %arg1[%get3A_12, %get3A_13, %get3A_14] : memref<2x2000x128xf32, #tpu.memory_space<vmem>>, vector<1x2000x128xf32>
    %get3A_16 = vector.shape_cast %get3A_15 : vector<1x2000x128xf32> to vector<2000x128xf32>
    %get3A_17 = arith.constant 1 : index
    %get3A_18 = arith.constant 0 : index
    %get3A_19 = arith.constant 0 : index
    %get3A_20 = vector.load %arg1[%get3A_17, %get3A_18, %get3A_19] : memref<2x2000x128xf32, #tpu.memory_space<vmem>>, vector<1x2000x128xf32>
    %get3A_21 = vector.shape_cast %get3A_20 : vector<1x2000x128xf32> to vector<2000x128xf32>
    %add3A_22 = arith.addf %get3A_16, %get3A_21 : vector<2000x128xf32>
    %get3A_23 = arith.constant 0 : index
    %get3A_24 = arith.constant 0 : index
    %get3A_25 = vector.load %arg2[%get3A_23, %get3A_24] : memref<2000x128xf32, #tpu.memory_space<vmem>>, vector<2000x128xf32>
    %add3A_26 = arith.addf %add3A_22, %get3A_25 : vector<2000x128xf32>
    %mul3A = vector.broadcast %rsqrt3A : vector<2000x1xf32> to vector<2000x128xf32>
    %mul3A_27 = arith.mulf %mul3A, %add3A_26 : vector<2000x128xf32>
    %get3A_28 = arith.constant 0 : index
    %get3A_29 = arith.constant 0 : index
    %get3A_30 = vector.load %arg3[%get3A_28, %get3A_29] : memref<1x128xf32, #tpu.memory_space<vmem>>, vector<1x128xf32>
    %add3A_31 = vector.broadcast %get3A_30 : vector<1x128xf32> to vector<2000x128xf32>
    %add3A_32 = arith.addf %mul3A_27, %add3A_31 : vector<2000x128xf32>
    %max3A = arith.constant 0.000000e+00 : f32
    %max3A_33 = vector.broadcast %max3A : f32 to vector<2000x128xf32>
    %max3A_34 = arith.maximumf %add3A_32, %max3A_33 : vector<2000x128xf32>
    %mul3A_35 = vector.broadcast %rsqrt3A : vector<2000x1xf32> to vector<2000x128xf32>
    %mul3A_36 = arith.mulf %mul3A_35, %max3A_34 : vector<2000x128xf32>
    %swap3A = arith.constant 0 : index
    %swap3A_37 = arith.constant 0 : index
    %swap3A_38 = vector.load %arg5[%swap3A, %swap3A_37] : memref<2000x128xf32, #tpu.memory_space<vmem>>, vector<2000x128xf32>
    tpu.vector_store %arg5[%swap3A, %swap3A_37], %mul3A_36 {strides = array<i32>} : memref<2000x128xf32, #tpu.memory_space<vmem>>, vector<2000x128xf32>,
    return
  }
  func.func @transform_0(%arg0: i32) -> (i32, i32, i32) {
    %c0_i32 = arith.constant 0 : i32
    %c0_i32_0 = arith.constant 0 : i32
    %c0_i32_1 = arith.constant 0 : i32
    return %c0_i32, %arg0, %c0_i32_0 : i32, i32, i32
  }
  func.func @transform_1(%arg0: i32) -> (i32, i32) {
    %c0_i32 = arith.constant 0 : i32
    %c0_i32_0 = arith.constant 0 : i32
    return %arg0, %c0_i32 : i32, i32
  }
  func.func @transform_2(%arg0: i32) -> (i32, i32) {
    %c0_i32 = arith.constant 0 : i32
    %c0_i32_0 = arith.constant 0 : i32
    %c0_i32_1 = arith.constant 0 : i32
    return %c0_i32, %c0_i32_0 : i32, i32
  }
  func.func @transform_3(%arg0: i32) -> (i32, i32, i32) {
    %c0_i32 = arith.constant 0 : i32
    %c0_i32_0 = arith.constant 0 : i32
    %c0_i32_1 = arith.constant 0 : i32
    return %c0_i32, %arg0, %c0_i32_0 : i32, i32, i32
  }
  func.func @transform_4(%arg0: i32) -> (i32, i32) {
    %c0_i32 = arith.constant 0 : i32
    %c0_i32_0 = arith.constant 0 : i32
    return %arg0, %c0_i32 : i32, i32
  }
}

module attributes {stable_mosaic.version = 14 : i64} {
  func.func @_t4_body(%arg0: i32, %arg1: memref<2x2000x128xf32, #tpu.memory_space<vmem>>, %arg2: memref<2000x128xf32, #tpu.memory_space<vmem>>, %arg3: memref<128x8xf32, #tpu.memory_space<vmem>>, %arg4: memref<1x8xf32, #tpu.memory_space<vmem>>, %arg5: memref<2x2000x1xf32, #tpu.memory_space<vmem>>, %arg6: memref<2000x8xf32, #tpu.memory_space<vmem>>) attributes {dimension_semantics = [#tpu.dimension_semantics<arbitrary>], iteration_bounds = array<i64: 5>, scalar_prefetch = 0 : i64, scratch_operands = 0 : i64, tpu.core_type = #tpu.core_type<tc>, window_params = [{transform_indices = @transform_0, window_bounds = array<i64: 2, 2000, 128>}, {transform_indices = @transform_1, window_bounds = array<i64: 2000, 128>}, {pipeline_mode = #tpu.pipeline_mode<synchronous>, transform_indices = @transform_2, window_bounds = array<i64: 128, 8>}, {pipeline_mode = #tpu.pipeline_mode<synchronous>, transform_indices = @transform_3, window_bounds = array<i64: 1, 8>}, {transform_indices = @transform_4, window_bounds = array<i64: 2, 2000, 1>}, {transform_indices = @transform_5, window_bounds = array<i64: 2000, 8>}]} {
    %get3A = arith.constant 0 : index
    %get3A_0 = arith.constant 0 : index
    %get3A_1 = arith.constant 0 : index
    %get3A_2 = vector.load %arg5[%get3A, %get3A_0, %get3A_1] : memref<2x2000x1xf32, #tpu.memory_space<vmem>>, vector<1x2000x1xf32>
    %get3A_3 = vector.shape_cast %get3A_2 : vector<1x2000x1xf32> to vector<2000x1xf32>
    %get3A_4 = arith.constant 1 : index
    %get3A_5 = arith.constant 0 : index
    %get3A_6 = arith.constant 0 : index
    %get3A_7 = vector.load %arg5[%get3A_4, %get3A_5, %get3A_6] : memref<2x2000x1xf32, #tpu.memory_space<vmem>>, vector<1x2000x1xf32>
    %get3A_8 = vector.shape_cast %get3A_7 : vector<1x2000x1xf32> to vector<2000x1xf32>
    %add3A = arith.addf %get3A_3, %get3A_8 : vector<2000x1xf32>
    %add3A_9 = arith.constant 1.000000e+00 : f32
    %add3A_10 = vector.broadcast %add3A_9 : f32 to vector<2000x1xf32>
    %add3A_11 = arith.addf %add3A, %add3A_10 : vector<2000x1xf32>
    %rsqrt3A = math.rsqrt %add3A_11 : vector<2000x1xf32>
    %get3A_12 = arith.constant 0 : index
    %get3A_13 = arith.constant 0 : index
    %get3A_14 = arith.constant 0 : index
    %get3A_15 = vector.load %arg1[%get3A_12, %get3A_13, %get3A_14] : memref<2x2000x128xf32, #tpu.memory_space<vmem>>, vector<1x2000x128xf32>
    %get3A_16 = vector.shape_cast %get3A_15 : vector<1x2000x128xf32> to vector<2000x128xf32>
    %get3A_17 = arith.constant 1 : index
    %get3A_18 = arith.constant 0 : index
    %get3A_19 = arith.constant 0 : index
    %get3A_20 = vector.load %arg1[%get3A_17, %get3A_18, %get3A_19] : memref<2x2000x128xf32, #tpu.memory_space<vmem>>, vector<1x2000x128xf32>
    %get3A_21 = vector.shape_cast %get3A_20 : vector<1x2000x128xf32> to vector<2000x128xf32>
    %add3A_22 = arith.addf %get3A_16, %get3A_21 : vector<2000x128xf32>
    %get3A_23 = arith.constant 0 : index
    %get3A_24 = arith.constant 0 : index
    %get3A_25 = vector.load %arg2[%get3A_23, %get3A_24] : memref<2000x128xf32, #tpu.memory_space<vmem>>, vector<2000x128xf32>
    %add3A_26 = arith.addf %add3A_22, %get3A_25 : vector<2000x128xf32>
    %mul3A = vector.broadcast %rsqrt3A : vector<2000x1xf32> to vector<2000x128xf32>
    %mul3A_27 = arith.mulf %mul3A, %add3A_26 : vector<2000x128xf32>
    %get3A_28 = arith.constant 0 : index
    %get3A_29 = arith.constant 0 : index
    %get3A_30 = vector.load %arg3[%get3A_28, %get3A_29] : memref<128x8xf32, #tpu.memory_space<vmem>>, vector<128x8xf32>
    %dot_general3A = arith.constant dense<0.000000e+00> : vector<2000x8xf32>
    %dot_general3A_31 = tpu.matmul %mul3A_27, %get3A_30, %dot_general3A {dimension_numbers = #tpu.dot_dimension_numbers<[1], [0], [0], [1], [0, 0, 1, 1], [], []>, transpose_lhs_hint = false} : vector<2000x128xf32>, vector<128x8xf32>, vector<2000x8xf32> -> vector<2000x8xf32>
    %get3A_32 = arith.constant 0 : index
    %get3A_33 = arith.constant 0 : index
    %get3A_34 = vector.load %arg4[%get3A_32, %get3A_33] : memref<1x8xf32, #tpu.memory_space<vmem>>, vector<1x8xf32>
    %add3A_35 = vector.broadcast %get3A_34 : vector<1x8xf32> to vector<2000x8xf32>
    %add3A_36 = arith.addf %dot_general3A_31, %add3A_35 : vector<2000x8xf32>
    %swap3A = arith.constant 0 : index
    %swap3A_37 = arith.constant 0 : index
    %swap3A_38 = vector.load %arg6[%swap3A, %swap3A_37] : memref<2000x8xf32, #tpu.memory_space<vmem>>, vector<2000x8xf32>
    tpu.vector_store %arg6[%swap3A, %swap3A_37], %add3A_36 {strides = array<i32>} : memref<2000x8xf32, #tpu.memory_space<vmem>>, vector<2000x8xf32>,
    return
  }
  func.func @transform_0(%arg0: i32) -> (i32, i32, i32) {
    %c0_i32 = arith.constant 0 : i32
    %c0_i32_0 = arith.constant 0 : i32
    %c0_i32_1 = arith.constant 0 : i32
    return %c0_i32, %arg0, %c0_i32_0 : i32, i32, i32
  }
  func.func @transform_1(%arg0: i32) -> (i32, i32) {
    %c0_i32 = arith.constant 0 : i32
    %c0_i32_0 = arith.constant 0 : i32
    return %arg0, %c0_i32 : i32, i32
  }
  func.func @transform_2(%arg0: i32) -> (i32, i32) {
    %c0_i32 = arith.constant 0 : i32
    %c0_i32_0 = arith.constant 0 : i32
    %c0_i32_1 = arith.constant 0 : i32
    return %c0_i32, %c0_i32_0 : i32, i32
  }
  func.func @transform_3(%arg0: i32) -> (i32, i32) {
    %c0_i32 = arith.constant 0 : i32
    %c0_i32_0 = arith.constant 0 : i32
    %c0_i32_1 = arith.constant 0 : i32
    return %c0_i32, %c0_i32_0 : i32, i32
  }
  func.func @transform_4(%arg0: i32) -> (i32, i32, i32) {
    %c0_i32 = arith.constant 0 : i32
    %c0_i32_0 = arith.constant 0 : i32
    %c0_i32_1 = arith.constant 0 : i32
    return %c0_i32, %arg0, %c0_i32_0 : i32, i32, i32
  }
  func.func @transform_5(%arg0: i32) -> (i32, i32) {
    %c0_i32 = arith.constant 0 : i32
    %c0_i32_0 = arith.constant 0 : i32
    return %arg0, %c0_i32 : i32, i32
  }
}

</mosaic_0001>

<sc_bundles>
// kernel: kernel.10.cloned.1.call-start
scs
__scs_entry_jumppad:
0x0: {  	(pc) =	sbr.rel $0x88, $3  }
0x1: {  	(tag) =	ssettag $0x0;
	lr =	simm.s32 $0x1  }
0x2: {  	[smem:$0x3F99] =	sst lr;
	_ =	strace $0xD0000000  }
0x3: {  	_ = 	snop  }
0x4: {  	_ = 	snop  }
0x5: {  	_ = 	snop  }
0x6: {  	_ = 	snop  }
0x7: {  	_ = 	snop  }
__scs_overlays_trampoline_lowered:
0x8: {  	[smem:$0x3FA8] =	sst s0  }
0x9: {  	[smem:$0x3FA9] =	sst s1  }
0xa: {  	[smem:$0x3FAA] =	sst s2  }
0xb: {  	[smem:$0x3FAB] =	sst s3  }
0xc: {  	[smem:$0x3FAC] =	sst s4  }
0xd: {  	[smem:$0x3FAD] =	sst s5  }
0xe: {  	[smem:$0x3FAE] =	sst s6  }
0xf: {  	[smem:$0x3FAF] =	sst s7  }
0x10: {  	[smem:$0x3FB0] =	sst s8  }
0x11: {  	[smem:$0x3FB1] =	sst s9;
	s0 =	simm.s32 @!p0 $0x0  }
0x12: {  	s1 =	sld [smem:$0x3F97];
	s0 =	simm.s32 @p0 $0x1  }
0x13: {  	[smem:$0x3FB2] =	sst s0;
	s0 =	simm.s32 @!p1 $0x0  }
0x14: {  	s2 =	sld [smem:$0x3F96];
	s0 =	simm.s32 @p1 $0x1  }
0x15: {  	[smem:$0x3FB3] =	sst s0;
	s0 =	simm.s32 @!p2 $0x0  }
0x16: {  	s3 =	sld [smem:$0x3FDB];
	s0 =	simm.s32 @p2 $0x1  }
0x17: {  	s4 =	simm.s32 $0x1BF5;
	[smem:$0x3FB5] =	sst s0  }
0x18: {  	s0 =	sld [smem:$0x3F98];
	_ =	swait.ge [sflag:s4], $0x0  }
0x19: {  	s7 =	sld [smem:$0x3F99]  }
0x1a: {  	s8 =	sadd.s32 $0xFFFFE003, lr  }
0x1b: {  	s9 =	sadd.s32 $0xFFFFFEF7, lr;
	s5 =	simm.s32 $0xFFFFFFFF;
	p2 =	slt.u32 s8, $0xFFFFF086  }
0x1c: {  	p1 =	slt.u32 s9, $0xF7A;
	s5 =	simm.s32 @!p2 $0x0  }
0x1d: {  	s5 =	simm.s32 @p1 $0x1;
	p0 =	seq.s32 s7, s2  }
0x1e: {  	s7 =	smul.u32 @!p0 $0xF7A, s2;
	p2 =	seq.s32 @!p0 s5, $0x0  }
0x1f: {  	s9 =	smul.u32 $0xF7A, s1;
	s8 =	simm.s32 @!p0 $0x1BF5;
	p2 =	por !p2, p0  }
0x20: {  	[sflag:s8] =	ssyncset.s32 @!p0 $0xFFFFF086;
	s6 =	sadd.s32 @!p0 s3, s7;
	s7 =	simm.s32 @!p0 $0x108  }
0x21: {  	s3 =	sadd.s32 s3, s9;
	s6 =	sadd.s32 @!p0 $0x88, s6;
	s7 =	simm.s32 @p2 $0x1082  }
0x22: {  	[simem:s7], [sflag:s8] =	dma.local @!p0 [hbm:s6], $0xF7A  }
0x23: {  	s9 =	sor.u32 $0xD0000000, s2;
	s6 =	simm.s32 $0x108;
	_ =	swait.ge @!p0 [sflag:s8], $0x0  }
0x24: {  	s3 =	sadd.s32 $0x88, s3;
	s6 =	simm.s32 @!p1 $0x1082;
	[sflag:s4] =	ssyncset.s32 $0xFFFFF086  }
0x25: {  	[simem:s6], [sflag:s4] =	dma.local [hbm:s3], $0xF7A  }
0x26: {  	[smem:$0x3F99] =	sst s1;
	(tag) =	ssettag s2;
	_ =	strace s9  }
0x27: {  	s1 =	sld [smem:$0x3FA9]  }
0x28: {  	s2 =	sld [smem:$0x3FAA]  }
0x29: {  	s4 =	sld [smem:$0x3FAC]  }
0x2a: {  	p0 =	seq.s32 s5, $0x0;
	s5 =	sld [smem:$0x3FAD]  }
0x2b: {  	s6 =	sld [smem:$0x3FAE]  }
0x2c: {  	s7 =	sld [smem:$0x3FAF]  }
0x2d: {  	s3 =	simm.s32 $0x108;
	s8 =	sld [smem:$0x3FB0]  }
0x2e: {  	s3 =	simm.s32 @!p0 $0x1082;
	s9 =	sld [smem:$0x3FB1]  }
0x2f: {  	lr =	sadd.s32 s0, s3;
	s0 =	sld [smem:$0x3FA8]  }
0x30: {  	s3 =	sld [smem:$0x3FAB]  }
0x31: {  	[smem:$0x3FB4] =	sst s10  }
0x32: {  	s10 =	sld [smem:$0x3FB2];
	_ =	sdelay $0x3  }
0x33: {  	p0 =	seq.s32 s10, $0x1;
	s10 =	sld [smem:$0x3FB4];
	_ =	sdelay $0x3  }
0x34: {  	[smem:$0x3FB4] =	sst s10  }
0x35: {  	s10 =	sld [smem:$0x3FB3];
	_ =	sdelay $0x3  }
0x36: {  	p1 =	seq.s32 s10, $0x1;
	s10 =	sld [smem:$0x3FB4];
	_ =	sdelay $0x3  }
0x37: {  	[smem:$0x3FB4] =	sst s10  }
0x38: {  	s10 =	sld [smem:$0x3FB5]  }
0x39: {  	_ = 	snop;
	(pc) =	sbr.ind lr, $3  }
0x3a: {  	_ = 	snop  }
0x3b: {  	_ = 	snop  }
0x3c: {  	p2 =	seq.s32 s10, $0x1;
	s10 =	sld [smem:$0x3FB4]  }
0x3d: {  	_ =	shalt  }
0x3e: {  	_ =	shalt  }
0x3f: {  	_ =	shalt  }
0x40: {  	_ =	shalt  }
0x41: {  	_ =	shalt  }
0x42: {  	_ =	shalt  }
0x43: {  	_ =	shalt  }
0x44: {  	_ =	shalt  }
0x45: {  	_ =	shalt  }
0x46: {  	_ =	shalt  }
0x47: {  	_ =	shalt  }
0x48: {  	_ =	shalt  }
0x49: {  	_ =	shalt  }
0x4a: {  	_ =	shalt  }
0x4b: {  	_ =	shalt  }
0x4c: {  	_ =	shalt  }
0x4d: {  	_ =	shalt  }
0x4e: {  	_ =	shalt  }
0x4f: {  	_ =	shalt  }
0x50: {  	_ =	shalt  }
0x51: {  	_ =	shalt  }
0x52: {  	_ =	shalt  }
0x53: {  	_ =	shalt  }
0x54: {  	_ =	shalt  }
0x55: {  	_ =	shalt  }
0x56: {  	_ =	shalt  }
0x57: {  	_ =	shalt  }
0x58: {  	_ =	shalt  }
0x59: {  	_ =	shalt  }
0x5a: {  	_ =	shalt  }
0x5b: {  	_ =	shalt  }
0x5c: {  	_ =	shalt  }
0x5d: {  	_ =	shalt  }
0x5e: {  	_ =	shalt  }
0x5f: {  	_ =	shalt  }
0x60: {  	_ =	shalt  }
0x61: {  	_ =	shalt  }
0x62: {  	_ =	shalt  }
0x63: {  	_ =	shalt  }
0x64: {  	_ =	shalt  }
0x65: {  	_ =	shalt  }
0x66: {  	_ =	shalt  }
0x67: {  	_ =	shalt  }
0x68: {  	_ =	shalt  }
0x69: {  	_ =	shalt  }
0x6a: {  	_ =	shalt  }
0x6b: {  	_ =	shalt  }
0x6c: {  	_ =	shalt  }
0x6d: {  	_ =	shalt  }
0x6e: {  	_ =	shalt  }
0x6f: {  	_ =	shalt  }
0x70: {  	_ =	shalt  }
0x71: {  	_ =	shalt  }
0x72: {  	_ =	shalt  }
0x73: {  	_ =	shalt  }
0x74: {  	_ =	shalt  }
0x75: {  	_ =	shalt  }
0x76: {  	_ =	shalt  }
0x77: {  	_ =	shalt  }
0x78: {  	_ =	shalt  }
0x79: {  	_ =	shalt  }
0x7a: {  	_ =	shalt  }
0x7b: {  	_ =	shalt  }
0x7c: {  	_ =	shalt  }
0x7d: {  	_ =	shalt  }
0x7e: {  	_ =	shalt  }
0x7f: {  	_ =	shalt  }
0x80: {  	_ =	shalt  }
0x81: {  	_ =	shalt  }
0x82: {  	_ =	shalt  }
0x83: {  	_ =	shalt  }
0x84: {  	_ =	shalt  }
0x85: {  	_ =	shalt  }
0x86: {  	_ =	shalt  }
0x87: {  	_ =	shalt  }
.Lfunc_end0:
.L_simem_size_0:
called_computation_lowered:
.L_overlay_start_0:
0x88: {  	s2 =	sld [smem:$0x3FD9]  }
0x89: {  	s3 =	sld [smem:$0x3FFE];
	_ =	sdelay $0x1  }
0x8a: {  	s1 =	srdreg.scid  }
0x8b: {  	s0 =	sand.u32 $0x1, s1  }
0x8c: {  	s17 =	sshll.u32 s0, $0xA;
	s2 =	sadd.s32 s3, s2  }
0x8d: {  	s2 =	sadd.s32 s2, s17  }
0x8e: {  	[smem:$0x3FC0] =	sst s2  }
0x8f: {  	_ = 	snop  }
0x90: {  	s2 =	sld [smem:$0x3FD0];
	(tm) =	ssettm $0x1  }
0x91: {  	s18 =	sld [smem:$0x3FFB];
	_ =	sdelay $0x3  }
0x92: {  	_ =	strace s18  }
0x93: {  	s3 =	sld [smem:$0x3FFC];
	_ =	sdelay $0x3  }
0x94: {  	_ =	strace s3  }
0x95: {  	s3 =	sld [smem:$0x3FFD];
	_ =	sdelay $0x3  }
0x96: {  	_ =	strace s3  }
0x97: {  	_ =	strace $0x8FFFFFFF  }
0x98: {  	s19 =	sld [smem:$0x3FDB];
	_ =	sdelay $0x1  }
0x99: {  	s4 =	simm.s32 $_scs_section_size  }
0x9a: {  	s5 =	simm.s32 $_size__tile_overlayer_lowered;
	s6 =	simm.s32 $_tile_overlayer_lowered  }
0x9b: {  	s22 =	simm.s32 $0x1BFF;
	s21 =	sshll.u32 s6, $0x1;
	s3 =	sadd.s32 s4, s19  }
0x9c: {  	s7 =	simm.s32 $0x0;
	s20 =	sshll.u32 s5, $0x1;
	s5 =	sadd.s32 s21, s3  }
0x9d: {  	[timem:s7], [sflag:s22] =	dma.local [hbm:s5], s20  }
0x9e: {  	_ =	swait.ge [sflag:s22], s20  }
0x9f: {  	s4 =	ssub.s32 $0x0, s20;
	[sflag:s22] =	ssyncset.done $0x0  }
0xa0: {  	[sflag:s22] =	ssyncadd.s32 s4;
	_ =	sdelay $0x1  }
0xa1: {  	s23 =	simm.s32 $0x1B8B  }
0xa2: {  	_ =	swait.ge [sflag:s23], $0x1  }
0xa3: {  	[sflag:s23] =	ssyncset.done $0x0  }
0xa4: {  	s25 =	simm.s32 $0x1B8E;
	s24 =	sld [smem:$0x3FFE];
	[sflag:s23] =	ssyncadd.s32 $0xFFFFFFFF  }
0xa5: {  	s26 =	simm.s32 $execute0_lowered;
	[smem:$0x3FD2] =	sst s25  }
0xa6: {  	s5 =	sshll.u32 s26, $0x1;
	_ =	strace $0x80000046;
	[dreg:$0x1] =	wrdreg $0xFFFFFFFF  }
0xa7: {  	s28 =	simm.s32 $_size_execute0_lowered;
	s3 =	sadd.s32 s3, s5;
	[dreg:$0x0] =	wrdreg $0x0  }
0xa8: {  	s5 =	sshll.u32 s28, $0x1;
	[dreg:$0x2] =	wrdreg s3  }
0xa9: {  	[dreg:$0x3] =	wrdreg s5  }
0xaa: {  	[dreg:$0x4] =	wrdreg $0xC0  }
0xab: {  	_ =	task [dreg:s7], $0x5FFFF  }
0xac: {  	[dreg:$0x1] =	wrdreg $0xFFFFFFFF  }
0xad: {  	[dreg:$0x0] =	wrdreg $0x60  }
0xae: {  	[dreg:$0x2] =	wrdreg s24  }
0xaf: {  	[dreg:$0x3] =	wrdreg s2  }
0xb0: {  	[dreg:$0x4] =	wrdreg $0x17000  }
0xb1: {  	[dreg:$0x5] =	wrdreg $0x9  }
0xb2: {  	_ =	task.clear_ibuf [dreg:s7], $0x6FFFF;
	_ =	strace $0x90000046  }
0xb3: {  	s29 =	simm.s32 $0x9;
	_ =	strace $0x80000048  }
0xb4: {  	_ =	swait.ge [sflag:s29], $0x1  }
0xb5: {  	[sflag:s29] =	ssyncadd.s32 $0xFFFFFFFF  }
0xb6: {  	_ =	strace $0x90000048  }
0xb7: {  	_ =	sfence  }
0xb8: {  	s30 =	sld [smem:$0x0];
	_ =	sdelay $0x2  }
0xb9: {  	s31 =	sshll.u32 s1, $0xD;
	s1 =	sshrl.u32 s1, $0x2  }
0xba: {  	s3 =	sand.u32 $0x4000, s31;
	s1 =	sadd.s32 s1, s30  }
0xbb: {  	s0 =	sor.u32 s3, s0;
	s1 =	sshll.u32 s1, $0x11  }
0xbc: {  	s0 =	sor.u32 s1, s0  }
0xbd: {  	s0 =	sadd.s32 $0x8F2B, s0  }
0xbe: {  	[sflag:s0] =	ssyncadd.remote.s32 $0x1  }
0xbf: {  	_ =	sfence.sel $0xFFFF  }
0xc0: {  	[dreg:$0x0] =	wrdreg $0xFFFFFFFF;
	(pc) =	sbr.abs _section_cstart, $3  }
0xc1: {  	[dreg:$0x1] =	wrdreg $0xFFFFFFFF  }
0xc2: {  	_ =	task.clear_ibuf [dreg:s7], $0x2FFFF;
	_ =	strace $0x9FFFFFFF  }
0xc3: {  	(tm) =	ssettm $0x7FFFFFFF  }
tec
execute0_lowered:
.L_overlay_start_1:
0x0: {  	(tag) =	ssettag $0x1  }
0x1: {  	s4 =	rddreg [dreg:$0x0]  }
0x2: {  	s6 =	rddreg [dreg:$0x1]  }
0x3: {  	s0 =	srdreg.scid;
	s2 =	rddreg [dreg:$0x2]  }
0x4: {  	s3 =	simm.s32 $0x0;
	s11 =	simm.s32 $0x1400;
	s14 =	simm.s32 $0x20  }
0x5: {  	s15 =	simm.s32 $0x10;
	s5 =	sand.u32 $0x1, s0;
	s0 =	stileid.u32  }
0x6: {  	s16 =	simm.s32 $0x0;
	[smem:$0x7FF] =	sst s3;
	s8 =	smul.u32 $0xA00, s0  }
0x7: {  	s1 =	sshll.u32 s5, $0x4;
	s9 =	ssub.s32 $0x2, s5;
	s10 =	smul.u32 $0x500, s0  }
0x8: {  	s5 =	sshll.u32 s5, $0x7;
	s12 =	sshll.u32 s0, $0x6;
	s7 =	sor.u32 s0, s1  }
0x9: {  	s1 =	rddreg [dreg:$0x3];
	_ =	strace $0x80000047;
	s28 =	sshrl.u32 s9, $0x1  }
0xa: {  	s12 =	sor.u32 $0x1C01, s12;
	s7 =	smul.u32 $0x280, s7;
	s9 =	ssub.s32 s9, s28  }
0xb: {  	s29 =	sshrl.u32 s8, $0x2;
	s30 =	sor.u32 s5, s10;
	s8 =	simm.s32 $0x1480  }
0xc: {  	s10 =	simm.s32 $0x80;
	s31 =	sshrl.u32 s30, $0x3;
	s7 =	sadd.s32 s7, s4  }
0xd: {  	s4 =	sadd.s32 s29, s2;
	s6 =	sadd.s32 s6, s31;
	s5 =	sadd.s32 $0x2A00, s7  }
0xe: {  	v0 =	vimm.f32 $0.0e+00;
	v1 =	vimm.f32 $1.000000000e+00;
	s7 =	smax.u32 s9, $0x1;
	s9 =	simm.s32 $0x1;
	s13 =	sshrl.u32 s4, $0x3  }
.LBB2_1:
0xf: {  	[tilespmem:$0x1480] =	vst v0  }
0x10: {  	[tilespmem:$0x1490] =	vst v0  }
0x11: {  	[tilespmem:$0x14A0] =	vst v0  }
0x12: {  	[tilespmem:$0x14B0] =	vst v0  }
0x13: {  	[tilespmem:$0x14C0] =	vst v0  }
0x14: {  	[tilespmem:$0x14D0] =	vst v0  }
0x15: {  	[tilespmem:$0x14E0] =	vst v0  }
0x16: {  	[tilespmem:$0x14F0] =	vst v0  }
0x17: {  	[tilespmem:$0x1500] =	vst v0  }
0x18: {  	[tilespmem:$0x1510] =	vst v0  }
0x19: {  	[tilespmem:$0x1520] =	vst v0  }
0x1a: {  	[tilespmem:$0x1530] =	vst v0  }
0x1b: {  	[tilespmem:$0x1540] =	vst v0  }
0x1c: {  	[tilespmem:$0x1550] =	vst v0  }
0x1d: {  	[tilespmem:$0x1560] =	vst v0  }
0x1e: {  	[tilespmem:$0x1570] =	vst v0  }
0x1f: {  	[tilespmem:$0x1580] =	vst v0  }
0x20: {  	[tilespmem:$0x1590] =	vst v0  }
0x21: {  	[tilespmem:$0x15A0] =	vst v0  }
0x22: {  	[tilespmem:$0x15B0] =	vst v0  }
0x23: {  	[tilespmem:$0x15C0] =	vst v0  }
0x24: {  	[tilespmem:$0x15D0] =	vst v0  }
0x25: {  	[tilespmem:$0x15E0] =	vst v0  }
0x26: {  	[tilespmem:$0x15F0] =	vst v0  }
0x27: {  	[tilespmem:$0x1600] =	vst v0  }
0x28: {  	[tilespmem:$0x1610] =	vst v0  }
0x29: {  	[tilespmem:$0x1620] =	vst v0  }
0x2a: {  	[tilespmem:$0x1630] =	vst v0  }
0x2b: {  	[tilespmem:$0x1640] =	vst v0  }
0x2c: {  	[tilespmem:$0x1650] =	vst v0  }
0x2d: {  	[tilespmem:$0x1660] =	vst v0  }
0x2e: {  	[tilespmem:$0x1670] =	vst v0  }
0x2f: {  	[tilespmem:$0x1680] =	vst v0  }
0x30: {  	[tilespmem:$0x1690] =	vst v0  }
0x31: {  	[tilespmem:$0x16A0] =	vst v0  }
0x32: {  	[tilespmem:$0x16B0] =	vst v0  }
0x33: {  	[tilespmem:$0x16C0] =	vst v0  }
0x34: {  	[tilespmem:$0x16D0] =	vst v0  }
0x35: {  	[tilespmem:$0x16E0] =	vst v0  }
0x36: {  	[tilespmem:$0x16F0] =	vst v0  }
0x37: {  	[tilespmem:$0x1400] =	vst v1  }
0x38: {  	[tilespmem:$0x1410] =	vst v1  }
0x39: {  	[tilespmem:$0x1420] =	vst v1  }
0x3a: {  	[tilespmem:$0x1430] =	vst v1  }
0x3b: {  	[tilespmem:$0x1440] =	vst v1  }
0x3c: {  	[tilespmem:$0x1450] =	vst v1  }
0x3d: {  	[tilespmem:$0x1460] =	vst v1  }
0x3e: {  	[tilespmem:$0x1470] =	vst v1  }
0x3f: {  	[spmem:s4] =	stream.linear.scatter [tilespmem:s8], [sflag:$0x1], $0x280, $0x38;
	[tilespmem:$0x1980] =	vst v63  }
0x40: {  	_ =	swait.ge [sflag:s9], $0x280  }
0x41: {  	[sflag:s9] =	ssyncset.done $0x0  }
0x42: {  	[sflag:s9] =	ssyncadd.s32 $0xFFFFFD80  }
0x43: {  	[bflag:$0x0] =	sbarrier.arrive $0xFFFF  }
0x44: {  	[tilespmem:s3], [sflag:$0x1] =	stream.linear.gather [hbm4b:s5+s3], $0x1400, $0x38;
	[tilespmem:$0x1980] =	vst v63  }
0x45: {  	_ =	swait.ge [sflag:s9], $0x1400  }
0x46: {  	[sflag:s9] =	ssyncset.done $0x0  }
0x47: {  	s17 =	simm.s32 $0x0;
	[sflag:s9] =	ssyncadd.s32 $0xFFFFEC00  }
0x48: {  	[spmem:s2] =	stream.indirect.scatter.add.f32 [tilespmem:s11], [sflag:$0x1], $0x1, s17, s10, $0xb8;
	[tilespmem:$0x1980] =	vst v63  }
0x49: {  	_ =	swait.ge [sflag:s9], $0x80  }
0x4a: {  	s17 =	simm.s32 $0x200;
	[sflag:s9] =	ssyncset.done $0x0  }
.LBB2_2:
0x4b: {  	s18 =	sshra.s32 s17, $0x2;
	[sflag:s9] =	ssyncadd.s32 $0xFFFFFF80;
	p0 =	sne.s32 s17, $0x4E00  }
0x4c: {  	[spmem:s2] =	stream.indirect.scatter.add.f32 [tilespmem:s11], [sflag:$0x1], $0x1, s18, s10, $0xb8;
	[tilespmem:$0x1980] =	vst v63  }
.Ltmp0:
0x4d: {  	_ = 	snop;
	(pc) =	sbr.rel @p0 .LBB2_2-.Ltmp0, $4  }
0x4e: {  	_ = 	snop  }
0x4f: {  	s17 =	sadd.s32 $0x200, s17  }
0x50: {  	_ =	swait.ge [sflag:s9], $0x80  }
0x51: {  	[sflag:s9] =	ssyncset.done $0x0  }
0x52: {  	s16 =	sadd.s32 $0x1, s16  }
0x53: {  	[sflag:s9] =	ssyncadd.s32 $0xFFFFFF80;
	p0 =	sne.s32 s16, s7  }
.Ltmp1:
0x54: {  	[bflag:$0x0] =	sbarrier.arrive $0xFFFF;
	(pc) =	sbr.rel @p0 .LBB2_1-.Ltmp1, $4  }
0x55: {  	[hbm:s6@s14], [sflag:s12] =	dma.strided [spmem:s13@s15], $0x50, s9, $0x10   }
0x56: {  	_ =	swait.ge [sflag:s9], $0x50  }
0x57: {  	[sflag:s9] =	ssyncset.done $0x0  }
0x58: {  	[sflag:s9] =	ssyncadd.s32 $0xFFFFFFB0  }
0x59: {  	_ =	sfence.sel $0x180000  }
0x5a: {  	[bflag:$0x0] =	sbarrier.arrive $0xFFFF  }
0x5b: {  	p0 =	sne.s32 s0, $0x0;
	_ =	strace $0x90000047  }
0x5c: {  	s0 =	sadd.s32 @!p0 $0x100000, s1;
	[bflag:$0x2] =	sbarrier.arrive $0xFFFF  }
0x5d: {  	[sflag:s0] =	ssyncadd.tile.s32 @!p0 $0x1;
	_ =	shalt  }
.Lfunc_end2:
_tile_overlayer_lowered:
.L_overlay_start_2:
0x5e: {  	(tag) =	ssettag $0x2  }
0x5f: {  	s0 =	rddreg [dreg:$0x0];
	s2 =	stileid.u32  }
0x60: {  	s1 =	rddreg [dreg:$0x1];
	p0 =	sne.s32 s2, $0x0  }
0x61: {  	s3 =	rddreg [dreg:$0x2];
	[bflag:$0x3] =	sbarrier.arrive $0xFFFF;
	s2 =	simm.s32 @!p0 $0x1C01  }
0x62: {  	[timem:s3], [sflag:s2] =	dma.local @!p0 [hbm:s0], s1  }
0x63: {  	s0 =	simm.s32 @!p0 $0x1  }
0x64: {  	_ =	swait.ge @!p0 [sflag:s0], s1  }
0x65: {  	s1 =	ssub.s32 @!p0 $0x0, s1;
	[sflag:s0] =	ssyncset.done @!p0 $0x0  }
0x66: {  	[sflag:s0] =	ssyncadd.s32 @!p0 s1  }
0x67: {  	[bflag:$0x3] =	sbarrier.arrive $0xFFFF  }
0x68: {  	_ =	shalt  }

// kernel: kernel.13.cloned.1.call-start
scs
__scs_entry_jumppad:
0x0: {  	(pc) =	sbr.rel $0x88, $3  }
0x1: {  	(tag) =	ssettag $0x0;
	lr =	simm.s32 $0x1  }
0x2: {  	[smem:$0x3F99] =	sst lr;
	_ =	strace $0xD0000000  }
0x3: {  	_ = 	snop  }
0x4: {  	_ = 	snop  }
0x5: {  	_ = 	snop  }
0x6: {  	_ = 	snop  }
0x7: {  	_ = 	snop  }
__scs_overlays_trampoline_lowered:
0x8: {  	[smem:$0x3FA8] =	sst s0  }
0x9: {  	[smem:$0x3FA9] =	sst s1  }
0xa: {  	[smem:$0x3FAA] =	sst s2  }
0xb: {  	[smem:$0x3FAB] =	sst s3  }
0xc: {  	[smem:$0x3FAC] =	sst s4  }
0xd: {  	[smem:$0x3FAD] =	sst s5  }
0xe: {  	[smem:$0x3FAE] =	sst s6  }
0xf: {  	[smem:$0x3FAF] =	sst s7  }
0x10: {  	[smem:$0x3FB0] =	sst s8  }
0x11: {  	[smem:$0x3FB1] =	sst s9;
	s0 =	simm.s32 @!p0 $0x0  }
0x12: {  	s1 =	sld [smem:$0x3F97];
	s0 =	simm.s32 @p0 $0x1  }
0x13: {  	[smem:$0x3FB2] =	sst s0;
	s0 =	simm.s32 @!p1 $0x0  }
0x14: {  	s2 =	sld [smem:$0x3F96];
	s0 =	simm.s32 @p1 $0x1  }
0x15: {  	[smem:$0x3FB3] =	sst s0;
	s0 =	simm.s32 @!p2 $0x0  }
0x16: {  	s3 =	sld [smem:$0x3FDB];
	s0 =	simm.s32 @p2 $0x1  }
0x17: {  	s4 =	simm.s32 $0x1BF5;
	[smem:$0x3FB5] =	sst s0  }
0x18: {  	s0 =	sld [smem:$0x3F98];
	_ =	swait.ge [sflag:s4], $0x0  }
0x19: {  	s7 =	sld [smem:$0x3F99]  }
0x1a: {  	s8 =	sadd.s32 $0xFFFFE003, lr  }
0x1b: {  	s9 =	sadd.s32 $0xFFFFFEF7, lr;
	s5 =	simm.s32 $0xFFFFFFFF;
	p2 =	slt.u32 s8, $0xFFFFF086  }
0x1c: {  	p1 =	slt.u32 s9, $0xF7A;
	s5 =	simm.s32 @!p2 $0x0  }
0x1d: {  	s5 =	simm.s32 @p1 $0x1;
	p0 =	seq.s32 s7, s2  }
0x1e: {  	s7 =	smul.u32 @!p0 $0xF7A, s2;
	p2 =	seq.s32 @!p0 s5, $0x0  }
0x1f: {  	s9 =	smul.u32 $0xF7A, s1;
	s8 =	simm.s32 @!p0 $0x1BF5;
	p2 =	por !p2, p0  }
0x20: {  	[sflag:s8] =	ssyncset.s32 @!p0 $0xFFFFF086;
	s6 =	sadd.s32 @!p0 s3, s7;
	s7 =	simm.s32 @!p0 $0x108  }
0x21: {  	s3 =	sadd.s32 s3, s9;
	s6 =	sadd.s32 @!p0 $0x88, s6;
	s7 =	simm.s32 @p2 $0x1082  }
0x22: {  	[simem:s7], [sflag:s8] =	dma.local @!p0 [hbm:s6], $0xF7A  }
0x23: {  	s9 =	sor.u32 $0xD0000000, s2;
	s6 =	simm.s32 $0x108;
	_ =	swait.ge @!p0 [sflag:s8], $0x0  }
0x24: {  	s3 =	sadd.s32 $0x88, s3;
	s6 =	simm.s32 @!p1 $0x1082;
	[sflag:s4] =	ssyncset.s32 $0xFFFFF086  }
0x25: {  	[simem:s6], [sflag:s4] =	dma.local [hbm:s3], $0xF7A  }
0x26: {  	[smem:$0x3F99] =	sst s1;
	(tag) =	ssettag s2;
	_ =	strace s9  }
0x27: {  	s1 =	sld [smem:$0x3FA9]  }
0x28: {  	s2 =	sld [smem:$0x3FAA]  }
0x29: {  	s4 =	sld [smem:$0x3FAC]  }
0x2a: {  	p0 =	seq.s32 s5, $0x0;
	s5 =	sld [smem:$0x3FAD]  }
0x2b: {  	s6 =	sld [smem:$0x3FAE]  }
0x2c: {  	s7 =	sld [smem:$0x3FAF]  }
0x2d: {  	s3 =	simm.s32 $0x108;
	s8 =	sld [smem:$0x3FB0]  }
0x2e: {  	s3 =	simm.s32 @!p0 $0x1082;
	s9 =	sld [smem:$0x3FB1]  }
0x2f: {  	lr =	sadd.s32 s0, s3;
	s0 =	sld [smem:$0x3FA8]  }
0x30: {  	s3 =	sld [smem:$0x3FAB]  }
0x31: {  	[smem:$0x3FB4] =	sst s10  }
0x32: {  	s10 =	sld [smem:$0x3FB2];
	_ =	sdelay $0x3  }
0x33: {  	p0 =	seq.s32 s10, $0x1;
	s10 =	sld [smem:$0x3FB4];
	_ =	sdelay $0x3  }
0x34: {  	[smem:$0x3FB4] =	sst s10  }
0x35: {  	s10 =	sld [smem:$0x3FB3];
	_ =	sdelay $0x3  }
0x36: {  	p1 =	seq.s32 s10, $0x1;
	s10 =	sld [smem:$0x3FB4];
	_ =	sdelay $0x3  }
0x37: {  	[smem:$0x3FB4] =	sst s10  }
0x38: {  	s10 =	sld [smem:$0x3FB5]  }
0x39: {  	_ = 	snop;
	(pc) =	sbr.ind lr, $3  }
0x3a: {  	_ = 	snop  }
0x3b: {  	_ = 	snop  }
0x3c: {  	p2 =	seq.s32 s10, $0x1;
	s10 =	sld [smem:$0x3FB4]  }
0x3d: {  	_ =	shalt  }
0x3e: {  	_ =	shalt  }
0x3f: {  	_ =	shalt  }
0x40: {  	_ =	shalt  }
0x41: {  	_ =	shalt  }
0x42: {  	_ =	shalt  }
0x43: {  	_ =	shalt  }
0x44: {  	_ =	shalt  }
0x45: {  	_ =	shalt  }
0x46: {  	_ =	shalt  }
0x47: {  	_ =	shalt  }
0x48: {  	_ =	shalt  }
0x49: {  	_ =	shalt  }
0x4a: {  	_ =	shalt  }
0x4b: {  	_ =	shalt  }
0x4c: {  	_ =	shalt  }
0x4d: {  	_ =	shalt  }
0x4e: {  	_ =	shalt  }
0x4f: {  	_ =	shalt  }
0x50: {  	_ =	shalt  }
0x51: {  	_ =	shalt  }
0x52: {  	_ =	shalt  }
0x53: {  	_ =	shalt  }
0x54: {  	_ =	shalt  }
0x55: {  	_ =	shalt  }
0x56: {  	_ =	shalt  }
0x57: {  	_ =	shalt  }
0x58: {  	_ =	shalt  }
0x59: {  	_ =	shalt  }
0x5a: {  	_ =	shalt  }
0x5b: {  	_ =	shalt  }
0x5c: {  	_ =	shalt  }
0x5d: {  	_ =	shalt  }
0x5e: {  	_ =	shalt  }
0x5f: {  	_ =	shalt  }
0x60: {  	_ =	shalt  }
0x61: {  	_ =	shalt  }
0x62: {  	_ =	shalt  }
0x63: {  	_ =	shalt  }
0x64: {  	_ =	shalt  }
0x65: {  	_ =	shalt  }
0x66: {  	_ =	shalt  }
0x67: {  	_ =	shalt  }
0x68: {  	_ =	shalt  }
0x69: {  	_ =	shalt  }
0x6a: {  	_ =	shalt  }
0x6b: {  	_ =	shalt  }
0x6c: {  	_ =	shalt  }
0x6d: {  	_ =	shalt  }
0x6e: {  	_ =	shalt  }
0x6f: {  	_ =	shalt  }
0x70: {  	_ =	shalt  }
0x71: {  	_ =	shalt  }
0x72: {  	_ =	shalt  }
0x73: {  	_ =	shalt  }
0x74: {  	_ =	shalt  }
0x75: {  	_ =	shalt  }
0x76: {  	_ =	shalt  }
0x77: {  	_ =	shalt  }
0x78: {  	_ =	shalt  }
0x79: {  	_ =	shalt  }
0x7a: {  	_ =	shalt  }
0x7b: {  	_ =	shalt  }
0x7c: {  	_ =	shalt  }
0x7d: {  	_ =	shalt  }
0x7e: {  	_ =	shalt  }
0x7f: {  	_ =	shalt  }
0x80: {  	_ =	shalt  }
0x81: {  	_ =	shalt  }
0x82: {  	_ =	shalt  }
0x83: {  	_ =	shalt  }
0x84: {  	_ =	shalt  }
0x85: {  	_ =	shalt  }
0x86: {  	_ =	shalt  }
0x87: {  	_ =	shalt  }
.Lfunc_end0:
.L_simem_size_0:
called_computation.1_lowered:
.L_overlay_start_0:
0x88: {  	s2 =	sld [smem:$0x3FD9]  }
0x89: {  	s3 =	sld [smem:$0x3FFE];
	_ =	sdelay $0x1  }
0x8a: {  	s1 =	srdreg.scid  }
0x8b: {  	s0 =	sand.u32 $0x1, s1  }
0x8c: {  	s16 =	sshll.u32 s0, $0xA;
	s2 =	sadd.s32 s3, s2  }
0x8d: {  	s2 =	sadd.s32 s2, s16  }
0x8e: {  	[smem:$0x3FC0] =	sst s2  }
0x8f: {  	_ = 	snop  }
0x90: {  	(tm) =	ssettm $0x1  }
0x91: {  	s17 =	sld [smem:$0x3FFB];
	_ =	sdelay $0x3  }
0x92: {  	_ =	strace s17  }
0x93: {  	s2 =	sld [smem:$0x3FFC];
	_ =	sdelay $0x3  }
0x94: {  	_ =	strace s2  }
0x95: {  	s2 =	sld [smem:$0x3FFD];
	_ =	sdelay $0x3  }
0x96: {  	_ =	strace s2  }
0x97: {  	_ =	strace $0x8FFFFFFF  }
0x98: {  	s18 =	sld [smem:$0x3FDB];
	_ =	sdelay $0x1  }
0x99: {  	s19 =	simm.s32 $_scs_section_size  }
0x9a: {  	s4 =	simm.s32 $_size__tile_overlayer_lowered;
	s5 =	simm.s32 $_tile_overlayer_lowered  }
0x9b: {  	s22 =	simm.s32 $0x1BFF;
	s21 =	sshll.u32 s5, $0x1;
	s2 =	sadd.s32 s19, s18  }
0x9c: {  	s6 =	simm.s32 $0x0;
	s20 =	sshll.u32 s4, $0x1;
	s4 =	sadd.s32 s21, s2  }
0x9d: {  	[timem:s6], [sflag:s22] =	dma.local [hbm:s4], s20  }
0x9e: {  	_ =	swait.ge [sflag:s22], s20  }
0x9f: {  	s3 =	ssub.s32 $0x0, s20;
	[sflag:s22] =	ssyncset.done $0x0  }
0xa0: {  	[sflag:s22] =	ssyncadd.s32 s3;
	_ =	sdelay $0x1  }
0xa1: {  	s23 =	simm.s32 $0x1B8B  }
0xa2: {  	_ =	swait.ge [sflag:s23], $0x1  }
0xa3: {  	[sflag:s23] =	ssyncset.done $0x0  }
0xa4: {  	s25 =	simm.s32 $0x1B8E;
	s24 =	sld [smem:$0x3FFE];
	[sflag:s23] =	ssyncadd.s32 $0xFFFFFFFF  }
0xa5: {  	s26 =	simm.s32 $execute0_lowered;
	[smem:$0x3FD2] =	sst s25  }
0xa6: {  	s4 =	sshll.u32 s26, $0x1;
	_ =	strace $0x80000049;
	[dreg:$0x1] =	wrdreg $0xFFFFFFFF  }
0xa7: {  	s28 =	simm.s32 $_size_execute0_lowered;
	s2 =	sadd.s32 s2, s4;
	[dreg:$0x0] =	wrdreg $0x0  }
0xa8: {  	s4 =	sshll.u32 s28, $0x1;
	[dreg:$0x2] =	wrdreg s2  }
0xa9: {  	[dreg:$0x3] =	wrdreg s4  }
0xaa: {  	[dreg:$0x4] =	wrdreg $0xC0  }
0xab: {  	_ =	task [dreg:s6], $0x5FFFF  }
0xac: {  	[dreg:$0x1] =	wrdreg $0xFFFFFFFF  }
0xad: {  	[dreg:$0x0] =	wrdreg $0x60  }
0xae: {  	[dreg:$0x2] =	wrdreg s24  }
0xaf: {  	[dreg:$0x3] =	wrdreg $0xA8000  }
0xb0: {  	[dreg:$0x4] =	wrdreg $0x9  }
0xb1: {  	_ =	task.clear_ibuf [dreg:s6], $0x5FFFF;
	_ =	strace $0x90000049  }
0xb2: {  	s29 =	simm.s32 $0x9;
	_ =	strace $0x8000004B  }
0xb3: {  	_ =	swait.ge [sflag:s29], $0x1  }
0xb4: {  	[sflag:s29] =	ssyncadd.s32 $0xFFFFFFFF  }
0xb5: {  	_ =	strace $0x9000004B  }
0xb6: {  	_ =	sfence  }
0xb7: {  	s30 =	sld [smem:$0x0];
	_ =	sdelay $0x2  }
0xb8: {  	s31 =	sshll.u32 s1, $0xD;
	s1 =	sshrl.u32 s1, $0x2  }
0xb9: {  	s3 =	sand.u32 $0x4000, s31;
	s1 =	sadd.s32 s1, s30  }
0xba: {  	s0 =	sor.u32 s3, s0;
	s1 =	sshll.u32 s1, $0x11  }
0xbb: {  	s0 =	sor.u32 s1, s0  }
0xbc: {  	s0 =	sadd.s32 $0x8F2B, s0  }
0xbd: {  	[sflag:s0] =	ssyncadd.remote.s32 $0x1  }
0xbe: {  	_ =	sfence.sel $0xFFFF  }
0xbf: {  	[dreg:$0x0] =	wrdreg $0xFFFFFFFF;
	(pc) =	sbr.abs _section_cstart, $3  }
0xc0: {  	[dreg:$0x1] =	wrdreg $0xFFFFFFFF  }
0xc1: {  	_ =	task.clear_ibuf [dreg:s6], $0x2FFFF;
	_ =	strace $0x9FFFFFFF  }
0xc2: {  	(tm) =	ssettm $0x7FFFFFFF  }
0xc3: {  	_ =	shalt  }
tec
execute0_lowered:
.L_overlay_start_1:
0x0: {  	(tag) =	ssettag $0x1  }
0x1: {  	s0 =	rddreg [dreg:$0x0]  }
0x2: {  	s1 =	srdreg.scid;
	s2 =	rddreg [dreg:$0x1];
	s3 =	simm.s32 $0x0  }
0x3: {  	s21 =	simm.s32 $0x8800;
	s22 =	simm.s32 $0x1;
	s23 =	simm.s32 $0x2400  }
0x4: {  	s24 =	simm.s32 $0x80;
	s25 =	simm.s32 $0x4800;
	s6 =	sand.u32 $0x1, s1  }
0x5: {  	s28 =	simm.s32 $0x0;
	s1 =	stileid.u32;
	s5 =	smul.u32 $0x140000, s6  }
0x6: {  	[smem:$0x7FF] =	sst s3;
	s4 =	sadd.s32 $0x61A00, s0;
	s7 =	smul.u32 $0x14000, s1  }
0x7: {  	s8 =	sadd.s32 $0xCA00, s0;
	s9 =	sadd.s32 $0x7A00, s0;
	s26 =	smul.u32 $0x50000, s1  }
0x8: {  	_ =	strace $0x8000004A;
	s29 =	ssub.s32 $0x2, s6;
	s11 =	smul.u32 $0x480, s1  }
0x9: {  	s30 =	sshll.u32 s1, $0x7;
	p0 =	seq.s32 s6, $0x1;
	s10 =	sshrl.u32 s29, $0x1  }
0xa: {  	s31 =	sor.u32 $0x4800, s30;
	s5 =	sadd.s32 s7, s5;
	s7 =	sshrl.u32 s26, $0x2  }
0xb: {  	s12 =	ssub.s32 s29, s10;
	s6 =	sadd.s32 s8, s11;
	s5 =	sshrl.u32 s5, $0x3  }
0xc: {  	s8 =	sadd.s32 s8, s31;
	s26 =	simm.s32 $0x2780;
	s0 =	sadd.s32 s5, s0  }
.Ltmp0:
0xd: {  	s5 =	sadd.s32 s7, s2;
	s7 =	sadd.s32 s9, s11;
	(pc) =	sbr.rel .LBB2_1-.Ltmp0, $4  }
0xe: {  	s9 =	sadd.s32 s9, s31;
	s11 =	smax.u32 s12, $0x1;
	s10 =	sadd.s32 $0x88C00, s0  }
0xf: {  	s12 =	sadd.s32 $0x2000, s5;
	s13 =	sadd.s32 $0x4000, s5;
	s14 =	sadd.s32 $0x6000, s5  }
0x10: {  	s15 =	sadd.s32 $0x8000, s5;
	s16 =	sadd.s32 $0xA000, s5;
	s17 =	sadd.s32 $0xC000, s5  }
0x11: {  	v0 =	vimm.f32 $0.0e+00;
	s18 =	sadd.s32 $0xE000, s5;
	s19 =	sadd.s32 $0x10000, s5;
	s20 =	sadd.s32 $0x12000, s5  }
.LBB2_7:
0x12: {  	[tilespmem:s3], [sflag:$0x1] =	stream.linear.gather [hbm4b:s8+s3], $0x400, $0x38;
	[tilespmem:$0x1E800] =	vst v63  }
0x13: {  	_ =	swait.ge [sflag:s22], $0x400  }
0x14: {  	[sflag:s22] =	ssyncset.done $0x0  }
0x15: {  	[sflag:s22] =	ssyncadd.s32 $0xFFFFFC00  }
0x16: {  	[tilespmem:s23], [sflag:$0x1] =	stream.linear.gather [hbm4b:s9+s3], $0x400, $0x38;
	[tilespmem:$0x1E800] =	vst v63  }
0x17: {  	_ =	swait.ge [sflag:s22], $0x400  }
0x18: {  	[sflag:s22] =	ssyncset.done $0x0  }
0x19: {  	[sflag:s22] =	ssyncadd.s32 $0xFFFFFC00  }
0x1a: {  	[tilespmem:s25], [sflag:$0x1] =	stream.indirect.gather [hbm4b:s4+s24], $0x80, s3, s24, $0xb8;
	[tilespmem:$0x1E800] =	vst v63  }
0x1b: {  	_ =	swait.ge [sflag:s22], $0x4000  }
0x1c: {  	[sflag:s22] =	ssyncset.done $0x0  }
0x1d: {  	[sflag:s22] =	ssyncadd.s32 $0xFFFFC000  }
0x1e: {  	[spmem:s2] =	stream.indirect.scatter.add.f32 [tilespmem:s25], [sflag:$0x1], $0x80, s23, s24, $0xb8;
	[tilespmem:$0x1E800] =	vst v63  }
0x1f: {  	_ =	swait.ge [sflag:s22], $0x4000  }
0x20: {  	[sflag:s22] =	ssyncset.done $0x0  }
0x21: {  	[sflag:s22] =	ssyncadd.s32 $0xFFFFC000  }
0x22: {  	[tilespmem:s25], [sflag:$0x1] =	stream.indirect.gather [hbm4b:s4+s24], $0x80, s24, s24, $0xb8;
	[tilespmem:$0x1E800] =	vst v63  }
0x23: {  	_ =	swait.ge [sflag:s22], $0x4000  }
0x24: {  	[sflag:s22] =	ssyncset.done $0x0  }
0x25: {  	s0 =	simm.s32 $0x2480;
	[sflag:s22] =	ssyncadd.s32 $0xFFFFC000  }
0x26: {  	[spmem:s2] =	stream.indirect.scatter.add.f32 [tilespmem:s25], [sflag:$0x1], $0x80, s0, s24, $0xb8;
	[tilespmem:$0x1E800] =	vst v63  }
0x27: {  	_ =	swait.ge [sflag:s22], $0x4000  }
0x28: {  	[sflag:s22] =	ssyncset.done $0x0  }
0x29: {  	s30 =	simm.s32 $0x100;
	[sflag:s22] =	ssyncadd.s32 $0xFFFFC000  }
0x2a: {  	[tilespmem:s25], [sflag:$0x1] =	stream.indirect.gather [hbm4b:s4+s24], $0x80, s30, s24, $0xb8;
	[tilespmem:$0x1E800] =	vst v63  }
0x2b: {  	_ =	swait.ge [sflag:s22], $0x4000  }
0x2c: {  	[sflag:s22] =	ssyncset.done $0x0  }
0x2d: {  	s31 =	simm.s32 $0x2500;
	[sflag:s22] =	ssyncadd.s32 $0xFFFFC000  }
0x2e: {  	[spmem:s2] =	stream.indirect.scatter.add.f32 [tilespmem:s25], [sflag:$0x1], $0x80, s31, s24, $0xb8;
	[tilespmem:$0x1E800] =	vst v63  }
0x2f: {  	_ =	swait.ge [sflag:s22], $0x4000  }
0x30: {  	[sflag:s22] =	ssyncset.done $0x0  }
0x31: {  	s29 =	simm.s32 $0x180;
	[sflag:s22] =	ssyncadd.s32 $0xFFFFC000  }
0x32: {  	[tilespmem:s25], [sflag:$0x1] =	stream.indirect.gather [hbm4b:s4+s24], $0x80, s29, s24, $0xb8;
	[tilespmem:$0x1E800] =	vst v63  }
0x33: {  	_ =	swait.ge [sflag:s22], $0x4000  }
0x34: {  	[sflag:s22] =	ssyncset.done $0x0  }
0x35: {  	s30 =	simm.s32 $0x2580;
	[sflag:s22] =	ssyncadd.s32 $0xFFFFC000  }
0x36: {  	[spmem:s2] =	stream.indirect.scatter.add.f32 [tilespmem:s25], [sflag:$0x1], $0x80, s30, s24, $0xb8;
	[tilespmem:$0x1E800] =	vst v63  }
0x37: {  	_ =	swait.ge [sflag:s22], $0x4000  }
0x38: {  	[sflag:s22] =	ssyncset.done $0x0  }
0x39: {  	s31 =	simm.s32 $0x200;
	[sflag:s22] =	ssyncadd.s32 $0xFFFFC000  }
0x3a: {  	[tilespmem:s25], [sflag:$0x1] =	stream.indirect.gather [hbm4b:s4+s24], $0x80, s31, s24, $0xb8;
	[tilespmem:$0x1E800] =	vst v63  }
0x3b: {  	_ =	swait.ge [sflag:s22], $0x4000  }
0x3c: {  	[sflag:s22] =	ssyncset.done $0x0  }
0x3d: {  	s29 =	simm.s32 $0x2600;
	[sflag:s22] =	ssyncadd.s32 $0xFFFFC000  }
0x3e: {  	[spmem:s2] =	stream.indirect.scatter.add.f32 [tilespmem:s25], [sflag:$0x1], $0x80, s29, s24, $0xb8;
	[tilespmem:$0x1E800] =	vst v63  }
0x3f: {  	_ =	swait.ge [sflag:s22], $0x4000  }
0x40: {  	[sflag:s22] =	ssyncset.done $0x0  }
0x41: {  	s30 =	simm.s32 $0x280;
	[sflag:s22] =	ssyncadd.s32 $0xFFFFC000  }
0x42: {  	[tilespmem:s25], [sflag:$0x1] =	stream.indirect.gather [hbm4b:s4+s24], $0x80, s30, s24, $0xb8;
	[tilespmem:$0x1E800] =	vst v63  }
0x43: {  	_ =	swait.ge [sflag:s22], $0x4000  }
0x44: {  	[sflag:s22] =	ssyncset.done $0x0  }
0x45: {  	s31 =	simm.s32 $0x2680;
	[sflag:s22] =	ssyncadd.s32 $0xFFFFC000  }
0x46: {  	[spmem:s2] =	stream.indirect.scatter.add.f32 [tilespmem:s25], [sflag:$0x1], $0x80, s31, s24, $0xb8;
	[tilespmem:$0x1E800] =	vst v63  }
0x47: {  	_ =	swait.ge [sflag:s22], $0x4000  }
0x48: {  	[sflag:s22] =	ssyncset.done $0x0  }
0x49: {  	s29 =	simm.s32 $0x300;
	[sflag:s22] =	ssyncadd.s32 $0xFFFFC000  }
0x4a: {  	[tilespmem:s25], [sflag:$0x1] =	stream.indirect.gather [hbm4b:s4+s24], $0x80, s29, s24, $0xb8;
	[tilespmem:$0x1E800] =	vst v63  }
0x4b: {  	_ =	swait.ge [sflag:s22], $0x4000  }
0x4c: {  	[sflag:s22] =	ssyncset.done $0x0  }
0x4d: {  	s30 =	simm.s32 $0x2700;
	[sflag:s22] =	ssyncadd.s32 $0xFFFFC000  }
0x4e: {  	[spmem:s2] =	stream.indirect.scatter.add.f32 [tilespmem:s25], [sflag:$0x1], $0x80, s30, s24, $0xb8;
	[tilespmem:$0x1E800] =	vst v63  }
0x4f: {  	_ =	swait.ge [sflag:s22], $0x4000  }
0x50: {  	[sflag:s22] =	ssyncset.done $0x0  }
0x51: {  	s31 =	simm.s32 $0x380;
	[sflag:s22] =	ssyncadd.s32 $0xFFFFC000  }
0x52: {  	[tilespmem:s25], [sflag:$0x1] =	stream.indirect.gather [hbm4b:s4+s24], $0x80, s31, s24, $0xb8;
	[tilespmem:$0x1E800] =	vst v63  }
0x53: {  	_ =	swait.ge [sflag:s22], $0x4000  }
0x54: {  	[sflag:s22] =	ssyncset.done $0x0  }
0x55: {  	[sflag:s22] =	ssyncadd.s32 $0xFFFFC000  }
0x56: {  	[spmem:s2] =	stream.indirect.scatter.add.f32 [tilespmem:s25], [sflag:$0x1], $0x80, s26, s24, $0xb8;
	[tilespmem:$0x1E800] =	vst v63  }
0x57: {  	_ =	swait.ge [sflag:s22], $0x4000  }
0x58: {  	[sflag:s22] =	ssyncset.done $0x0  }
0x59: {  	[sflag:s22] =	ssyncadd.s32 $0xFFFFC000  }
.LBB2_8:
0x5a: {  	s28 =	sadd.s32 $0x1, s28  }
0x5b: {  	s0 =	sshll.u32 s1, $0x6;
	[bflag:$0x0] =	sbarrier.arrive $0xFFFF;
	p1 =	sne.s32 s28, s11  }
.Ltmp1:
0x5c: {  	s29 =	sshrl.u32 s5, $0x3;
	s0 =	sor.u32 $0x1C01, s0;
	(pc) =	sbr.rel @!p1 .LBB2_9-.Ltmp1, $4  }
0x5d: {  	[hbm:s10], [sflag:s0] =	dma.local [spmem:s29], $0x2800  }
0x5e: {  	_ =	swait.ge [sflag:s22], $0x2800  }
0x5f: {  	[sflag:s22] =	ssyncset.done $0x0  }
0x60: {  	[sflag:s22] =	ssyncadd.s32 $0xFFFFD800  }
.LBB2_1:
0x61: {  	s29 =	sand.u32 $0x7E00, s3  }
0x62: {  	s30 =	sand.u32 $0x70, s3;
	s31 =	sshrl.u32 s29, $0x2  }
0x63: {  	s29 =	simm.s32 $0x40;
	s31 =	sor.u32 s30, s31;
	s30 =	simm.s32 $0x0  }
.LBB2_2:
0x64: {  	p1 =	sne.s32 s29, $0x7FC0  }
0x65: {  	[tilespmem:s31+$0x8800] =	vst v0;
	s30 =	sadd.s32 $0x10, s30;
	s31 =	smov.u32 s29;
	s29 =	sadd.s32 $0x40, s29  }
.Ltmp2:
0x66: {  	(pc) =	sbr.rel @p1 .LBB2_2-.Ltmp2, $4  }
0x67: {  	_ = 	snop  }
0x68: {  	s31 =	sand.u32 $0x7E00, s31  }
0x69: {  	s0 =	sand.u32 $0x70, s30;
	s31 =	sshrl.u32 s31, $0x2  }
0x6a: {  	s31 =	sor.u32 s0, s31  }
0x6b: {  	[tilespmem:s31+$0x8800] =	vst v0  }
0x6c: {  	[spmem:s5] =	stream.linear.scatter [tilespmem:s21], [sflag:$0x1], $0x2000, $0x38;
	[tilespmem:$0x1E800] =	vst v63  }
0x6d: {  	_ =	swait.ge [sflag:s22], $0x2000  }
0x6e: {  	[sflag:s22] =	ssyncset.done $0x0  }
0x6f: {  	[sflag:s22] =	ssyncadd.s32 $0xFFFFE000  }
0x70: {  	[spmem:s12] =	stream.linear.scatter [tilespmem:s21], [sflag:$0x1], $0x2000, $0x38;
	[tilespmem:$0x1E800] =	vst v63  }
0x71: {  	_ =	swait.ge [sflag:s22], $0x2000  }
0x72: {  	[sflag:s22] =	ssyncset.done $0x0  }
0x73: {  	[sflag:s22] =	ssyncadd.s32 $0xFFFFE000  }
0x74: {  	[spmem:s13] =	stream.linear.scatter [tilespmem:s21], [sflag:$0x1], $0x2000, $0x38;
	[tilespmem:$0x1E800] =	vst v63  }
0x75: {  	_ =	swait.ge [sflag:s22], $0x2000  }
0x76: {  	[sflag:s22] =	ssyncset.done $0x0  }
0x77: {  	[sflag:s22] =	ssyncadd.s32 $0xFFFFE000  }
0x78: {  	[spmem:s14] =	stream.linear.scatter [tilespmem:s21], [sflag:$0x1], $0x2000, $0x38;
	[tilespmem:$0x1E800] =	vst v63  }
0x79: {  	_ =	swait.ge [sflag:s22], $0x2000  }
0x7a: {  	[sflag:s22] =	ssyncset.done $0x0  }
0x7b: {  	[sflag:s22] =	ssyncadd.s32 $0xFFFFE000  }
0x7c: {  	[spmem:s15] =	stream.linear.scatter [tilespmem:s21], [sflag:$0x1], $0x2000, $0x38;
	[tilespmem:$0x1E800] =	vst v63  }
0x7d: {  	_ =	swait.ge [sflag:s22], $0x2000  }
0x7e: {  	[sflag:s22] =	ssyncset.done $0x0  }
0x7f: {  	[sflag:s22] =	ssyncadd.s32 $0xFFFFE000  }
0x80: {  	[spmem:s16] =	stream.linear.scatter [tilespmem:s21], [sflag:$0x1], $0x2000, $0x38;
	[tilespmem:$0x1E800] =	vst v63  }
0x81: {  	_ =	swait.ge [sflag:s22], $0x2000  }
0x82: {  	[sflag:s22] =	ssyncset.done $0x0  }
0x83: {  	[sflag:s22] =	ssyncadd.s32 $0xFFFFE000  }
0x84: {  	[spmem:s17] =	stream.linear.scatter [tilespmem:s21], [sflag:$0x1], $0x2000, $0x38;
	[tilespmem:$0x1E800] =	vst v63  }
0x85: {  	_ =	swait.ge [sflag:s22], $0x2000  }
0x86: {  	[sflag:s22] =	ssyncset.done $0x0  }
0x87: {  	[sflag:s22] =	ssyncadd.s32 $0xFFFFE000  }
0x88: {  	[spmem:s18] =	stream.linear.scatter [tilespmem:s21], [sflag:$0x1], $0x2000, $0x38;
	[tilespmem:$0x1E800] =	vst v63  }
0x89: {  	_ =	swait.ge [sflag:s22], $0x2000  }
0x8a: {  	[sflag:s22] =	ssyncset.done $0x0  }
0x8b: {  	[sflag:s22] =	ssyncadd.s32 $0xFFFFE000  }
0x8c: {  	[spmem:s19] =	stream.linear.scatter [tilespmem:s21], [sflag:$0x1], $0x2000, $0x38;
	[tilespmem:$0x1E800] =	vst v63  }
0x8d: {  	_ =	swait.ge [sflag:s22], $0x2000  }
0x8e: {  	[sflag:s22] =	ssyncset.done $0x0  }
0x8f: {  	[sflag:s22] =	ssyncadd.s32 $0xFFFFE000  }
0x90: {  	[spmem:s20] =	stream.linear.scatter [tilespmem:s21], [sflag:$0x1], $0x2000, $0x38;
	[tilespmem:$0x1E800] =	vst v63  }
.Ltmp3:
0x91: {  	_ =	swait.ge [sflag:s22], $0x2000;
	(pc) =	sbr.rel @p0 .LBB2_7-.Ltmp3, $3  }
0x92: {  	[sflag:s22] =	ssyncset.done $0x0  }
0x93: {  	[sflag:s22] =	ssyncadd.s32 $0xFFFFE000  }
0x94: {  	[bflag:$0x0] =	sbarrier.arrive $0xFFFF;
	_ =	sdelay $0x1  }
0x95: {  	s0 =	simm.s32 $0x0  }
0x96: {  	[tilespmem:s0], [sflag:$0x1] =	stream.linear.gather [hbm4b:s6+s0], $0x2400, $0x38;
	[tilespmem:$0x1E800] =	vst v63  }
0x97: {  	_ =	swait.ge [sflag:s22], $0x2400  }
0x98: {  	[sflag:s22] =	ssyncset.done $0x0  }
0x99: {  	[sflag:s22] =	ssyncadd.s32 $0xFFFFDC00  }
0x9a: {  	[tilespmem:s23], [sflag:$0x1] =	stream.linear.gather [hbm4b:s7+s0], $0x2400, $0x38;
	[tilespmem:$0x1E800] =	vst v63  }
0x9b: {  	_ =	swait.ge [sflag:s22], $0x2400  }
0x9c: {  	[sflag:s22] =	ssyncset.done $0x0  }
0x9d: {  	s31 =	simm.s32 $0x0;
	[sflag:s22] =	ssyncadd.s32 $0xFFFFDC00  }
0x9e: {  	[tilespmem:s25], [sflag:$0x1] =	stream.indirect.gather [hbm4b:s4+s24], $0x80, s31, s24, $0xb8;
	[tilespmem:$0x1E800] =	vst v63  }
0x9f: {  	_ =	swait.ge [sflag:s22], $0x4000  }
0xa0: {  	[sflag:s22] =	ssyncset.done $0x0  }
0xa1: {  	s31 =	simm.s32 $0x2400;
	[sflag:s22] =	ssyncadd.s32 $0xFFFFC000  }
0xa2: {  	[spmem:s2] =	stream.indirect.scatter.add.f32 [tilespmem:s25], [sflag:$0x1], $0x80, s31, s24, $0xb8;
	[tilespmem:$0x1E800] =	vst v63  }
0xa3: {  	_ =	swait.ge [sflag:s22], $0x4000  }
0xa4: {  	s29 =	simm.s32 $0x200;
	s30 =	simm.s32 $0x400;
	[sflag:s22] =	ssyncset.done $0x0  }
.LBB2_5:
0xa5: {  	s0 =	sshra.s32 s29, $0x2  }
0xa6: {  	[sflag:s22] =	ssyncadd.s32 $0xFFFFC000;
	s29 =	smov.u32 s30;
	s31 =	sadd.s32 $0x200, s30  }
0xa7: {  	[tilespmem:s25], [sflag:$0x1] =	stream.indirect.gather [hbm4b:s4+s24], $0x80, s0, s24, $0xb8;
	[tilespmem:$0x1E800] =	vst v63  }
0xa8: {  	p1 =	seq.s32 s30, $0x8E00;
	_ =	swait.ge [sflag:s22], $0x4000  }
.Ltmp4:
0xa9: {  	[sflag:s22] =	ssyncset.done $0x0;
	(pc) =	sbr.rel @!p1 .LBB2_5-.Ltmp4, $4  }
0xaa: {  	s0 =	sadd.s32 $0x2400, s0;
	[sflag:s22] =	ssyncadd.s32 $0xFFFFC000  }
0xab: {  	[spmem:s2] =	stream.indirect.scatter.add.f32 [tilespmem:s25], [sflag:$0x1], $0x80, s0, s24, $0xb8;
	[tilespmem:$0x1E800] =	vst v63  }
0xac: {  	_ =	swait.ge [sflag:s22], $0x4000  }
0xad: {  	s30 =	smov.u32 s31;
	[sflag:s22] =	ssyncset.done $0x0  }
0xae: {  	s0 =	sshra.s32 s29, $0x2;
	[sflag:s22] =	ssyncadd.s32 $0xFFFFC000  }
0xaf: {  	[tilespmem:s25], [sflag:$0x1] =	stream.indirect.gather [hbm4b:s4+s24], $0x80, s0, s24, $0xb8;
	[tilespmem:$0x1E800] =	vst v63  }
0xb0: {  	_ =	swait.ge [sflag:s22], $0x4000  }
0xb1: {  	[sflag:s22] =	ssyncset.done $0x0  }
.Ltmp5:
0xb2: {  	s0 =	sadd.s32 $0x2400, s0;
	[sflag:s22] =	ssyncadd.s32 $0xFFFFC000;
	(pc) =	sbr.rel .LBB2_8-.Ltmp5, $4  }
0xb3: {  	[spmem:s2] =	stream.indirect.scatter.add.f32 [tilespmem:s25], [sflag:$0x1], $0x80, s0, s24, $0xb8;
	[tilespmem:$0x1E800] =	vst v63  }
0xb4: {  	_ =	swait.ge [sflag:s22], $0x4000  }
0xb5: {  	[sflag:s22] =	ssyncset.done $0x0  }
0xb6: {  	[sflag:s22] =	ssyncadd.s32 $0xFFFFC000  }
.LBB2_9:
0xb7: {  	_ =	sfence.sel $0x180000  }
0xb8: {  	[bflag:$0x0] =	sbarrier.arrive $0xFFFF  }
0xb9: {  	_ =	strace $0x9000004A  }
0xba: {  	[bflag:$0x2] =	sbarrier.arrive $0xFFFF  }
0xbb: {  	p0 =	sne.s32 s1, $0x0;
	s0 =	rddreg [dreg:$0x2]  }
0xbc: {  	s0 =	sadd.s32 @!p0 $0x100000, s0  }
0xbd: {  	[sflag:s0] =	ssyncadd.tile.s32 @!p0 $0x1;
	_ =	shalt  }
.Lfunc_end2:
_tile_overlayer_lowered:
.L_overlay_start_2:
0xbe: {  	(tag) =	ssettag $0x2  }
0xbf: {  	s0 =	rddreg [dreg:$0x0];
	s2 =	stileid.u32  }
0xc0: {  	s1 =	rddreg [dreg:$0x1];
	p0 =	sne.s32 s2, $0x0  }
0xc1: {  	s3 =	rddreg [dreg:$0x2];
	[bflag:$0x3] =	sbarrier.arrive $0xFFFF;
	s2 =	simm.s32 @!p0 $0x1C01  }
0xc2: {  	[timem:s3], [sflag:s2] =	dma.local @!p0 [hbm:s0], s1  }
0xc3: {  	s0 =	simm.s32 @!p0 $0x1  }
0xc4: {  	_ =	swait.ge @!p0 [sflag:s0], s1  }
0xc5: {  	s1 =	ssub.s32 @!p0 $0x0, s1;
	[sflag:s0] =	ssyncset.done @!p0 $0x0  }
0xc6: {  	[sflag:s0] =	ssyncadd.s32 @!p0 s1  }
0xc7: {  	[bflag:$0x3] =	sbarrier.arrive $0xFFFF  }
0xc8: {  	_ =	shalt  }

// kernel: kernel.16.cloned.1.call-start
scs
__scs_entry_jumppad:
0x0: {  	(pc) =	sbr.rel $0x88, $3  }
0x1: {  	(tag) =	ssettag $0x0;
	lr =	simm.s32 $0x1  }
0x2: {  	[smem:$0x3F99] =	sst lr;
	_ =	strace $0xD0000000  }
0x3: {  	_ = 	snop  }
0x4: {  	_ = 	snop  }
0x5: {  	_ = 	snop  }
0x6: {  	_ = 	snop  }
0x7: {  	_ = 	snop  }
__scs_overlays_trampoline_lowered:
0x8: {  	[smem:$0x3FA8] =	sst s0  }
0x9: {  	[smem:$0x3FA9] =	sst s1  }
0xa: {  	[smem:$0x3FAA] =	sst s2  }
0xb: {  	[smem:$0x3FAB] =	sst s3  }
0xc: {  	[smem:$0x3FAC] =	sst s4  }
0xd: {  	[smem:$0x3FAD] =	sst s5  }
0xe: {  	[smem:$0x3FAE] =	sst s6  }
0xf: {  	[smem:$0x3FAF] =	sst s7  }
0x10: {  	[smem:$0x3FB0] =	sst s8  }
0x11: {  	[smem:$0x3FB1] =	sst s9;
	s0 =	simm.s32 @!p0 $0x0  }
0x12: {  	s1 =	sld [smem:$0x3F97];
	s0 =	simm.s32 @p0 $0x1  }
0x13: {  	[smem:$0x3FB2] =	sst s0;
	s0 =	simm.s32 @!p1 $0x0  }
0x14: {  	s2 =	sld [smem:$0x3F96];
	s0 =	simm.s32 @p1 $0x1  }
0x15: {  	[smem:$0x3FB3] =	sst s0;
	s0 =	simm.s32 @!p2 $0x0  }
0x16: {  	s3 =	sld [smem:$0x3FDB];
	s0 =	simm.s32 @p2 $0x1  }
0x17: {  	s4 =	simm.s32 $0x1BF5;
	[smem:$0x3FB5] =	sst s0  }
0x18: {  	s0 =	sld [smem:$0x3F98];
	_ =	swait.ge [sflag:s4], $0x0  }
0x19: {  	s7 =	sld [smem:$0x3F99]  }
0x1a: {  	s8 =	sadd.s32 $0xFFFFE003, lr  }
0x1b: {  	s9 =	sadd.s32 $0xFFFFFEF7, lr;
	s5 =	simm.s32 $0xFFFFFFFF;
	p2 =	slt.u32 s8, $0xFFFFF086  }
0x1c: {  	p1 =	slt.u32 s9, $0xF7A;
	s5 =	simm.s32 @!p2 $0x0  }
0x1d: {  	s5 =	simm.s32 @p1 $0x1;
	p0 =	seq.s32 s7, s2  }
0x1e: {  	s7 =	smul.u32 @!p0 $0xF7A, s2;
	p2 =	seq.s32 @!p0 s5, $0x0  }
0x1f: {  	s9 =	smul.u32 $0xF7A, s1;
	s8 =	simm.s32 @!p0 $0x1BF5;
	p2 =	por !p2, p0  }
0x20: {  	[sflag:s8] =	ssyncset.s32 @!p0 $0xFFFFF086;
	s6 =	sadd.s32 @!p0 s3, s7;
	s7 =	simm.s32 @!p0 $0x108  }
0x21: {  	s3 =	sadd.s32 s3, s9;
	s6 =	sadd.s32 @!p0 $0x88, s6;
	s7 =	simm.s32 @p2 $0x1082  }
0x22: {  	[simem:s7], [sflag:s8] =	dma.local @!p0 [hbm:s6], $0xF7A  }
0x23: {  	s9 =	sor.u32 $0xD0000000, s2;
	s6 =	simm.s32 $0x108;
	_ =	swait.ge @!p0 [sflag:s8], $0x0  }
0x24: {  	s3 =	sadd.s32 $0x88, s3;
	s6 =	simm.s32 @!p1 $0x1082;
	[sflag:s4] =	ssyncset.s32 $0xFFFFF086  }
0x25: {  	[simem:s6], [sflag:s4] =	dma.local [hbm:s3], $0xF7A  }
0x26: {  	[smem:$0x3F99] =	sst s1;
	(tag) =	ssettag s2;
	_ =	strace s9  }
0x27: {  	s1 =	sld [smem:$0x3FA9]  }
0x28: {  	s2 =	sld [smem:$0x3FAA]  }
0x29: {  	s4 =	sld [smem:$0x3FAC]  }
0x2a: {  	p0 =	seq.s32 s5, $0x0;
	s5 =	sld [smem:$0x3FAD]  }
0x2b: {  	s6 =	sld [smem:$0x3FAE]  }
0x2c: {  	s7 =	sld [smem:$0x3FAF]  }
0x2d: {  	s3 =	simm.s32 $0x108;
	s8 =	sld [smem:$0x3FB0]  }
0x2e: {  	s3 =	simm.s32 @!p0 $0x1082;
	s9 =	sld [smem:$0x3FB1]  }
0x2f: {  	lr =	sadd.s32 s0, s3;
	s0 =	sld [smem:$0x3FA8]  }
0x30: {  	s3 =	sld [smem:$0x3FAB]  }
0x31: {  	[smem:$0x3FB4] =	sst s10  }
0x32: {  	s10 =	sld [smem:$0x3FB2];
	_ =	sdelay $0x3  }
0x33: {  	p0 =	seq.s32 s10, $0x1;
	s10 =	sld [smem:$0x3FB4];
	_ =	sdelay $0x3  }
0x34: {  	[smem:$0x3FB4] =	sst s10  }
0x35: {  	s10 =	sld [smem:$0x3FB3];
	_ =	sdelay $0x3  }
0x36: {  	p1 =	seq.s32 s10, $0x1;
	s10 =	sld [smem:$0x3FB4];
	_ =	sdelay $0x3  }
0x37: {  	[smem:$0x3FB4] =	sst s10  }
0x38: {  	s10 =	sld [smem:$0x3FB5]  }
0x39: {  	_ = 	snop;
	(pc) =	sbr.ind lr, $3  }
0x3a: {  	_ = 	snop  }
0x3b: {  	_ = 	snop  }
0x3c: {  	p2 =	seq.s32 s10, $0x1;
	s10 =	sld [smem:$0x3FB4]  }
0x3d: {  	_ =	shalt  }
0x3e: {  	_ =	shalt  }
0x3f: {  	_ =	shalt  }
0x40: {  	_ =	shalt  }
0x41: {  	_ =	shalt  }
0x42: {  	_ =	shalt  }
0x43: {  	_ =	shalt  }
0x44: {  	_ =	shalt  }
0x45: {  	_ =	shalt  }
0x46: {  	_ =	shalt  }
0x47: {  	_ =	shalt  }
0x48: {  	_ =	shalt  }
0x49: {  	_ =	shalt  }
0x4a: {  	_ =	shalt  }
0x4b: {  	_ =	shalt  }
0x4c: {  	_ =	shalt  }
0x4d: {  	_ =	shalt  }
0x4e: {  	_ =	shalt  }
0x4f: {  	_ =	shalt  }
0x50: {  	_ =	shalt  }
0x51: {  	_ =	shalt  }
0x52: {  	_ =	shalt  }
0x53: {  	_ =	shalt  }
0x54: {  	_ =	shalt  }
0x55: {  	_ =	shalt  }
0x56: {  	_ =	shalt  }
0x57: {  	_ =	shalt  }
0x58: {  	_ =	shalt  }
0x59: {  	_ =	shalt  }
0x5a: {  	_ =	shalt  }
0x5b: {  	_ =	shalt  }
0x5c: {  	_ =	shalt  }
0x5d: {  	_ =	shalt  }
0x5e: {  	_ =	shalt  }
0x5f: {  	_ =	shalt  }
0x60: {  	_ =	shalt  }
0x61: {  	_ =	shalt  }
0x62: {  	_ =	shalt  }
0x63: {  	_ =	shalt  }
0x64: {  	_ =	shalt  }
0x65: {  	_ =	shalt  }
0x66: {  	_ =	shalt  }
0x67: {  	_ =	shalt  }
0x68: {  	_ =	shalt  }
0x69: {  	_ =	shalt  }
0x6a: {  	_ =	shalt  }
0x6b: {  	_ =	shalt  }
0x6c: {  	_ =	shalt  }
0x6d: {  	_ =	shalt  }
0x6e: {  	_ =	shalt  }
0x6f: {  	_ =	shalt  }
0x70: {  	_ =	shalt  }
0x71: {  	_ =	shalt  }
0x72: {  	_ =	shalt  }
0x73: {  	_ =	shalt  }
0x74: {  	_ =	shalt  }
0x75: {  	_ =	shalt  }
0x76: {  	_ =	shalt  }
0x77: {  	_ =	shalt  }
0x78: {  	_ =	shalt  }
0x79: {  	_ =	shalt  }
0x7a: {  	_ =	shalt  }
0x7b: {  	_ =	shalt  }
0x7c: {  	_ =	shalt  }
0x7d: {  	_ =	shalt  }
0x7e: {  	_ =	shalt  }
0x7f: {  	_ =	shalt  }
0x80: {  	_ =	shalt  }
0x81: {  	_ =	shalt  }
0x82: {  	_ =	shalt  }
0x83: {  	_ =	shalt  }
0x84: {  	_ =	shalt  }
0x85: {  	_ =	shalt  }
0x86: {  	_ =	shalt  }
0x87: {  	_ =	shalt  }
.Lfunc_end0:
.L_simem_size_0:
called_computation.2_lowered:
.L_overlay_start_0:
0x88: {  	s2 =	sld [smem:$0x3FD9]  }
0x89: {  	s3 =	sld [smem:$0x3FFE];
	_ =	sdelay $0x1  }
0x8a: {  	s1 =	srdreg.scid  }
0x8b: {  	s0 =	sand.u32 $0x1, s1  }
0x8c: {  	s16 =	sshll.u32 s0, $0xA;
	s2 =	sadd.s32 s3, s2  }
0x8d: {  	s2 =	sadd.s32 s2, s16  }
0x8e: {  	[smem:$0x3FC0] =	sst s2  }
0x8f: {  	_ = 	snop  }
0x90: {  	(tm) =	ssettm $0x1  }
0x91: {  	s17 =	sld [smem:$0x3FFB];
	_ =	sdelay $0x3  }
0x92: {  	_ =	strace s17  }
0x93: {  	s2 =	sld [smem:$0x3FFC];
	_ =	sdelay $0x3  }
0x94: {  	_ =	strace s2  }
0x95: {  	s2 =	sld [smem:$0x3FFD];
	_ =	sdelay $0x3  }
0x96: {  	_ =	strace s2  }
0x97: {  	_ =	strace $0x8FFFFFFF  }
0x98: {  	s18 =	sld [smem:$0x3FDB];
	_ =	sdelay $0x1  }
0x99: {  	s19 =	simm.s32 $_scs_section_size  }
0x9a: {  	s4 =	simm.s32 $_size__tile_overlayer_lowered;
	s5 =	simm.s32 $_tile_overlayer_lowered  }
0x9b: {  	s22 =	simm.s32 $0x1BFF;
	s21 =	sshll.u32 s5, $0x1;
	s2 =	sadd.s32 s19, s18  }
0x9c: {  	s6 =	simm.s32 $0x0;
	s20 =	sshll.u32 s4, $0x1;
	s4 =	sadd.s32 s21, s2  }
0x9d: {  	[timem:s6], [sflag:s22] =	dma.local [hbm:s4], s20  }
0x9e: {  	_ =	swait.ge [sflag:s22], s20  }
0x9f: {  	s3 =	ssub.s32 $0x0, s20;
	[sflag:s22] =	ssyncset.done $0x0  }
0xa0: {  	[sflag:s22] =	ssyncadd.s32 s3;
	_ =	sdelay $0x1  }
0xa1: {  	s23 =	simm.s32 $0x1B8B  }
0xa2: {  	_ =	swait.ge [sflag:s23], $0x1  }
0xa3: {  	[sflag:s23] =	ssyncset.done $0x0  }
0xa4: {  	s25 =	simm.s32 $0x1B8E;
	s24 =	sld [smem:$0x3FFE];
	[sflag:s23] =	ssyncadd.s32 $0xFFFFFFFF  }
0xa5: {  	s26 =	simm.s32 $execute0_lowered;
	[smem:$0x3FD2] =	sst s25  }
0xa6: {  	s4 =	sshll.u32 s26, $0x1;
	_ =	strace $0x8000004C;
	[dreg:$0x1] =	wrdreg $0xFFFFFFFF  }
0xa7: {  	s28 =	simm.s32 $_size_execute0_lowered;
	s2 =	sadd.s32 s2, s4;
	[dreg:$0x0] =	wrdreg $0x0  }
0xa8: {  	s4 =	sshll.u32 s28, $0x1;
	[dreg:$0x2] =	wrdreg s2  }
0xa9: {  	[dreg:$0x3] =	wrdreg s4  }
0xaa: {  	[dreg:$0x4] =	wrdreg $0xC0  }
0xab: {  	_ =	task [dreg:s6], $0x5FFFF  }
0xac: {  	[dreg:$0x1] =	wrdreg $0xFFFFFFFF  }
0xad: {  	[dreg:$0x0] =	wrdreg $0x60  }
0xae: {  	[dreg:$0x2] =	wrdreg s24  }
0xaf: {  	[dreg:$0x3] =	wrdreg $0xA8000  }
0xb0: {  	[dreg:$0x4] =	wrdreg $0x9  }
0xb1: {  	_ =	task.clear_ibuf [dreg:s6], $0x5FFFF;
	_ =	strace $0x9000004C  }
0xb2: {  	s29 =	simm.s32 $0x9;
	_ =	strace $0x8000004E  }
0xb3: {  	_ =	swait.ge [sflag:s29], $0x1  }
0xb4: {  	[sflag:s29] =	ssyncadd.s32 $0xFFFFFFFF  }
0xb5: {  	_ =	strace $0x9000004E  }
0xb6: {  	_ =	sfence  }
0xb7: {  	s30 =	sld [smem:$0x0];
	_ =	sdelay $0x2  }
0xb8: {  	s31 =	sshll.u32 s1, $0xD;
	s1 =	sshrl.u32 s1, $0x2  }
0xb9: {  	s3 =	sand.u32 $0x4000, s31;
	s1 =	sadd.s32 s1, s30  }
0xba: {  	s0 =	sor.u32 s3, s0;
	s1 =	sshll.u32 s1, $0x11  }
0xbb: {  	s0 =	sor.u32 s1, s0  }
0xbc: {  	s0 =	sadd.s32 $0x8F2B, s0  }
0xbd: {  	[sflag:s0] =	ssyncadd.remote.s32 $0x1  }
0xbe: {  	_ =	sfence.sel $0xFFFF  }
0xbf: {  	[dreg:$0x0] =	wrdreg $0xFFFFFFFF;
	(pc) =	sbr.abs _section_cstart, $3  }
0xc0: {  	[dreg:$0x1] =	wrdreg $0xFFFFFFFF  }
0xc1: {  	_ =	task.clear_ibuf [dreg:s6], $0x2FFFF;
	_ =	strace $0x9FFFFFFF  }
0xc2: {  	(tm) =	ssettm $0x7FFFFFFF  }
0xc3: {  	_ =	shalt  }
tec
execute0_lowered:
.L_overlay_start_1:
0x0: {  	(tag) =	ssettag $0x1  }
0x1: {  	s0 =	rddreg [dreg:$0x0]  }
0x2: {  	s1 =	srdreg.scid;
	s2 =	rddreg [dreg:$0x1];
	s3 =	simm.s32 $0x0  }
0x3: {  	s21 =	simm.s32 $0x8800;
	s22 =	simm.s32 $0x1;
	s23 =	simm.s32 $0x2400  }
0x4: {  	s24 =	simm.s32 $0x80;
	s25 =	simm.s32 $0x4800;
	s6 =	sand.u32 $0x1, s1  }
0x5: {  	s28 =	simm.s32 $0x0;
	s1 =	stileid.u32;
	s5 =	smul.u32 $0x140000, s6  }
0x6: {  	[smem:$0x7FF] =	sst s3;
	s4 =	sadd.s32 $0x61A00, s0;
	s7 =	smul.u32 $0x14000, s1  }
0x7: {  	s8 =	sadd.s32 $0xCA00, s0;
	s9 =	sadd.s32 $0x7A00, s0;
	s26 =	smul.u32 $0x50000, s1  }
0x8: {  	_ =	strace $0x8000004D;
	s29 =	ssub.s32 $0x2, s6;
	s11 =	smul.u32 $0x480, s1  }
0x9: {  	s30 =	sshll.u32 s1, $0x7;
	p0 =	seq.s32 s6, $0x1;
	s10 =	sshrl.u32 s29, $0x1  }
0xa: {  	s31 =	sor.u32 $0x4800, s30;
	s5 =	sadd.s32 s7, s5;
	s7 =	sshrl.u32 s26, $0x2  }
0xb: {  	s12 =	ssub.s32 s29, s10;
	s6 =	sadd.s32 s8, s11;
	s5 =	sshrl.u32 s5, $0x3  }
0xc: {  	s8 =	sadd.s32 s8, s31;
	s26 =	simm.s32 $0x2780;
	s0 =	sadd.s32 s5, s0  }
.Ltmp0:
0xd: {  	s5 =	sadd.s32 s7, s2;
	s7 =	sadd.s32 s9, s11;
	(pc) =	sbr.rel .LBB2_1-.Ltmp0, $4  }
0xe: {  	s9 =	sadd.s32 s9, s31;
	s11 =	smax.u32 s12, $0x1;
	s10 =	sadd.s32 $0x88C00, s0  }
0xf: {  	s12 =	sadd.s32 $0x2000, s5;
	s13 =	sadd.s32 $0x4000, s5;
	s14 =	sadd.s32 $0x6000, s5  }
0x10: {  	s15 =	sadd.s32 $0x8000, s5;
	s16 =	sadd.s32 $0xA000, s5;
	s17 =	sadd.s32 $0xC000, s5  }
0x11: {  	v0 =	vimm.f32 $0.0e+00;
	s18 =	sadd.s32 $0xE000, s5;
	s19 =	sadd.s32 $0x10000, s5;
	s20 =	sadd.s32 $0x12000, s5  }
.LBB2_7:
0x12: {  	[tilespmem:s3], [sflag:$0x1] =	stream.linear.gather [hbm4b:s8+s3], $0x400, $0x38;
	[tilespmem:$0x1E800] =	vst v63  }
0x13: {  	_ =	swait.ge [sflag:s22], $0x400  }
0x14: {  	[sflag:s22] =	ssyncset.done $0x0  }
0x15: {  	[sflag:s22] =	ssyncadd.s32 $0xFFFFFC00  }
0x16: {  	[tilespmem:s23], [sflag:$0x1] =	stream.linear.gather [hbm4b:s9+s3], $0x400, $0x38;
	[tilespmem:$0x1E800] =	vst v63  }
0x17: {  	_ =	swait.ge [sflag:s22], $0x400  }
0x18: {  	[sflag:s22] =	ssyncset.done $0x0  }
0x19: {  	[sflag:s22] =	ssyncadd.s32 $0xFFFFFC00  }
0x1a: {  	[tilespmem:s25], [sflag:$0x1] =	stream.indirect.gather [hbm4b:s4+s24], $0x80, s3, s24, $0xb8;
	[tilespmem:$0x1E800] =	vst v63  }
0x1b: {  	_ =	swait.ge [sflag:s22], $0x4000  }
0x1c: {  	[sflag:s22] =	ssyncset.done $0x0  }
0x1d: {  	[sflag:s22] =	ssyncadd.s32 $0xFFFFC000  }
0x1e: {  	[spmem:s2] =	stream.indirect.scatter.add.f32 [tilespmem:s25], [sflag:$0x1], $0x80, s23, s24, $0xb8;
	[tilespmem:$0x1E800] =	vst v63  }
0x1f: {  	_ =	swait.ge [sflag:s22], $0x4000  }
0x20: {  	[sflag:s22] =	ssyncset.done $0x0  }
0x21: {  	[sflag:s22] =	ssyncadd.s32 $0xFFFFC000  }
0x22: {  	[tilespmem:s25], [sflag:$0x1] =	stream.indirect.gather [hbm4b:s4+s24], $0x80, s24, s24, $0xb8;
	[tilespmem:$0x1E800] =	vst v63  }
0x23: {  	_ =	swait.ge [sflag:s22], $0x4000  }
0x24: {  	[sflag:s22] =	ssyncset.done $0x0  }
0x25: {  	s0 =	simm.s32 $0x2480;
	[sflag:s22] =	ssyncadd.s32 $0xFFFFC000  }
0x26: {  	[spmem:s2] =	stream.indirect.scatter.add.f32 [tilespmem:s25], [sflag:$0x1], $0x80, s0, s24, $0xb8;
	[tilespmem:$0x1E800] =	vst v63  }
0x27: {  	_ =	swait.ge [sflag:s22], $0x4000  }
0x28: {  	[sflag:s22] =	ssyncset.done $0x0  }
0x29: {  	s30 =	simm.s32 $0x100;
	[sflag:s22] =	ssyncadd.s32 $0xFFFFC000  }
0x2a: {  	[tilespmem:s25], [sflag:$0x1] =	stream.indirect.gather [hbm4b:s4+s24], $0x80, s30, s24, $0xb8;
	[tilespmem:$0x1E800] =	vst v63  }
0x2b: {  	_ =	swait.ge [sflag:s22], $0x4000  }
0x2c: {  	[sflag:s22] =	ssyncset.done $0x0  }
0x2d: {  	s31 =	simm.s32 $0x2500;
	[sflag:s22] =	ssyncadd.s32 $0xFFFFC000  }
0x2e: {  	[spmem:s2] =	stream.indirect.scatter.add.f32 [tilespmem:s25], [sflag:$0x1], $0x80, s31, s24, $0xb8;
	[tilespmem:$0x1E800] =	vst v63  }
0x2f: {  	_ =	swait.ge [sflag:s22], $0x4000  }
0x30: {  	[sflag:s22] =	ssyncset.done $0x0  }
0x31: {  	s29 =	simm.s32 $0x180;
	[sflag:s22] =	ssyncadd.s32 $0xFFFFC000  }
0x32: {  	[tilespmem:s25], [sflag:$0x1] =	stream.indirect.gather [hbm4b:s4+s24], $0x80, s29, s24, $0xb8;
	[tilespmem:$0x1E800] =	vst v63  }
0x33: {  	_ =	swait.ge [sflag:s22], $0x4000  }
0x34: {  	[sflag:s22] =	ssyncset.done $0x0  }
0x35: {  	s30 =	simm.s32 $0x2580;
	[sflag:s22] =	ssyncadd.s32 $0xFFFFC000  }
0x36: {  	[spmem:s2] =	stream.indirect.scatter.add.f32 [tilespmem:s25], [sflag:$0x1], $0x80, s30, s24, $0xb8;
	[tilespmem:$0x1E800] =	vst v63  }
0x37: {  	_ =	swait.ge [sflag:s22], $0x4000  }
0x38: {  	[sflag:s22] =	ssyncset.done $0x0  }
0x39: {  	s31 =	simm.s32 $0x200;
	[sflag:s22] =	ssyncadd.s32 $0xFFFFC000  }
0x3a: {  	[tilespmem:s25], [sflag:$0x1] =	stream.indirect.gather [hbm4b:s4+s24], $0x80, s31, s24, $0xb8;
	[tilespmem:$0x1E800] =	vst v63  }
0x3b: {  	_ =	swait.ge [sflag:s22], $0x4000  }
0x3c: {  	[sflag:s22] =	ssyncset.done $0x0  }
0x3d: {  	s29 =	simm.s32 $0x2600;
	[sflag:s22] =	ssyncadd.s32 $0xFFFFC000  }
0x3e: {  	[spmem:s2] =	stream.indirect.scatter.add.f32 [tilespmem:s25], [sflag:$0x1], $0x80, s29, s24, $0xb8;
	[tilespmem:$0x1E800] =	vst v63  }
0x3f: {  	_ =	swait.ge [sflag:s22], $0x4000  }
0x40: {  	[sflag:s22] =	ssyncset.done $0x0  }
0x41: {  	s30 =	simm.s32 $0x280;
	[sflag:s22] =	ssyncadd.s32 $0xFFFFC000  }
0x42: {  	[tilespmem:s25], [sflag:$0x1] =	stream.indirect.gather [hbm4b:s4+s24], $0x80, s30, s24, $0xb8;
	[tilespmem:$0x1E800] =	vst v63  }
0x43: {  	_ =	swait.ge [sflag:s22], $0x4000  }
0x44: {  	[sflag:s22] =	ssyncset.done $0x0  }
0x45: {  	s31 =	simm.s32 $0x2680;
	[sflag:s22] =	ssyncadd.s32 $0xFFFFC000  }
0x46: {  	[spmem:s2] =	stream.indirect.scatter.add.f32 [tilespmem:s25], [sflag:$0x1], $0x80, s31, s24, $0xb8;
	[tilespmem:$0x1E800] =	vst v63  }
0x47: {  	_ =	swait.ge [sflag:s22], $0x4000  }
0x48: {  	[sflag:s22] =	ssyncset.done $0x0  }
0x49: {  	s29 =	simm.s32 $0x300;
	[sflag:s22] =	ssyncadd.s32 $0xFFFFC000  }
0x4a: {  	[tilespmem:s25], [sflag:$0x1] =	stream.indirect.gather [hbm4b:s4+s24], $0x80, s29, s24, $0xb8;
	[tilespmem:$0x1E800] =	vst v63  }
0x4b: {  	_ =	swait.ge [sflag:s22], $0x4000  }
0x4c: {  	[sflag:s22] =	ssyncset.done $0x0  }
0x4d: {  	s30 =	simm.s32 $0x2700;
	[sflag:s22] =	ssyncadd.s32 $0xFFFFC000  }
0x4e: {  	[spmem:s2] =	stream.indirect.scatter.add.f32 [tilespmem:s25], [sflag:$0x1], $0x80, s30, s24, $0xb8;
	[tilespmem:$0x1E800] =	vst v63  }
0x4f: {  	_ =	swait.ge [sflag:s22], $0x4000  }
0x50: {  	[sflag:s22] =	ssyncset.done $0x0  }
0x51: {  	s31 =	simm.s32 $0x380;
	[sflag:s22] =	ssyncadd.s32 $0xFFFFC000  }
0x52: {  	[tilespmem:s25], [sflag:$0x1] =	stream.indirect.gather [hbm4b:s4+s24], $0x80, s31, s24, $0xb8;
	[tilespmem:$0x1E800] =	vst v63  }
0x53: {  	_ =	swait.ge [sflag:s22], $0x4000  }
0x54: {  	[sflag:s22] =	ssyncset.done $0x0  }
0x55: {  	[sflag:s22] =	ssyncadd.s32 $0xFFFFC000  }
0x56: {  	[spmem:s2] =	stream.indirect.scatter.add.f32 [tilespmem:s25], [sflag:$0x1], $0x80, s26, s24, $0xb8;
	[tilespmem:$0x1E800] =	vst v63  }
0x57: {  	_ =	swait.ge [sflag:s22], $0x4000  }
0x58: {  	[sflag:s22] =	ssyncset.done $0x0  }
0x59: {  	[sflag:s22] =	ssyncadd.s32 $0xFFFFC000  }
.LBB2_8:
0x5a: {  	s28 =	sadd.s32 $0x1, s28  }
0x5b: {  	s0 =	sshll.u32 s1, $0x6;
	[bflag:$0x0] =	sbarrier.arrive $0xFFFF;
	p1 =	sne.s32 s28, s11  }
.Ltmp1:
0x5c: {  	s29 =	sshrl.u32 s5, $0x3;
	s0 =	sor.u32 $0x1C01, s0;
	(pc) =	sbr.rel @!p1 .LBB2_9-.Ltmp1, $4  }
0x5d: {  	[hbm:s10], [sflag:s0] =	dma.local [spmem:s29], $0x2800  }
0x5e: {  	_ =	swait.ge [sflag:s22], $0x2800  }
0x5f: {  	[sflag:s22] =	ssyncset.done $0x0  }
0x60: {  	[sflag:s22] =	ssyncadd.s32 $0xFFFFD800  }
.LBB2_1:
0x61: {  	s29 =	sand.u32 $0x7E00, s3  }
0x62: {  	s30 =	sand.u32 $0x70, s3;
	s31 =	sshrl.u32 s29, $0x2  }
0x63: {  	s29 =	simm.s32 $0x40;
	s31 =	sor.u32 s30, s31;
	s30 =	simm.s32 $0x0  }
.LBB2_2:
0x64: {  	p1 =	sne.s32 s29, $0x7FC0  }
0x65: {  	[tilespmem:s31+$0x8800] =	vst v0;
	s30 =	sadd.s32 $0x10, s30;
	s31 =	smov.u32 s29;
	s29 =	sadd.s32 $0x40, s29  }
.Ltmp2:
0x66: {  	(pc) =	sbr.rel @p1 .LBB2_2-.Ltmp2, $4  }
0x67: {  	_ = 	snop  }
0x68: {  	s31 =	sand.u32 $0x7E00, s31  }
0x69: {  	s0 =	sand.u32 $0x70, s30;
	s31 =	sshrl.u32 s31, $0x2  }
0x6a: {  	s31 =	sor.u32 s0, s31  }
0x6b: {  	[tilespmem:s31+$0x8800] =	vst v0  }
0x6c: {  	[spmem:s5] =	stream.linear.scatter [tilespmem:s21], [sflag:$0x1], $0x2000, $0x38;
	[tilespmem:$0x1E800] =	vst v63  }
0x6d: {  	_ =	swait.ge [sflag:s22], $0x2000  }
0x6e: {  	[sflag:s22] =	ssyncset.done $0x0  }
0x6f: {  	[sflag:s22] =	ssyncadd.s32 $0xFFFFE000  }
0x70: {  	[spmem:s12] =	stream.linear.scatter [tilespmem:s21], [sflag:$0x1], $0x2000, $0x38;
	[tilespmem:$0x1E800] =	vst v63  }
0x71: {  	_ =	swait.ge [sflag:s22], $0x2000  }
0x72: {  	[sflag:s22] =	ssyncset.done $0x0  }
0x73: {  	[sflag:s22] =	ssyncadd.s32 $0xFFFFE000  }
0x74: {  	[spmem:s13] =	stream.linear.scatter [tilespmem:s21], [sflag:$0x1], $0x2000, $0x38;
	[tilespmem:$0x1E800] =	vst v63  }
0x75: {  	_ =	swait.ge [sflag:s22], $0x2000  }
0x76: {  	[sflag:s22] =	ssyncset.done $0x0  }
0x77: {  	[sflag:s22] =	ssyncadd.s32 $0xFFFFE000  }
0x78: {  	[spmem:s14] =	stream.linear.scatter [tilespmem:s21], [sflag:$0x1], $0x2000, $0x38;
	[tilespmem:$0x1E800] =	vst v63  }
0x79: {  	_ =	swait.ge [sflag:s22], $0x2000  }
0x7a: {  	[sflag:s22] =	ssyncset.done $0x0  }
0x7b: {  	[sflag:s22] =	ssyncadd.s32 $0xFFFFE000  }
0x7c: {  	[spmem:s15] =	stream.linear.scatter [tilespmem:s21], [sflag:$0x1], $0x2000, $0x38;
	[tilespmem:$0x1E800] =	vst v63  }
0x7d: {  	_ =	swait.ge [sflag:s22], $0x2000  }
0x7e: {  	[sflag:s22] =	ssyncset.done $0x0  }
0x7f: {  	[sflag:s22] =	ssyncadd.s32 $0xFFFFE000  }
0x80: {  	[spmem:s16] =	stream.linear.scatter [tilespmem:s21], [sflag:$0x1], $0x2000, $0x38;
	[tilespmem:$0x1E800] =	vst v63  }
0x81: {  	_ =	swait.ge [sflag:s22], $0x2000  }
0x82: {  	[sflag:s22] =	ssyncset.done $0x0  }
0x83: {  	[sflag:s22] =	ssyncadd.s32 $0xFFFFE000  }
0x84: {  	[spmem:s17] =	stream.linear.scatter [tilespmem:s21], [sflag:$0x1], $0x2000, $0x38;
	[tilespmem:$0x1E800] =	vst v63  }
0x85: {  	_ =	swait.ge [sflag:s22], $0x2000  }
0x86: {  	[sflag:s22] =	ssyncset.done $0x0  }
0x87: {  	[sflag:s22] =	ssyncadd.s32 $0xFFFFE000  }
0x88: {  	[spmem:s18] =	stream.linear.scatter [tilespmem:s21], [sflag:$0x1], $0x2000, $0x38;
	[tilespmem:$0x1E800] =	vst v63  }
0x89: {  	_ =	swait.ge [sflag:s22], $0x2000  }
0x8a: {  	[sflag:s22] =	ssyncset.done $0x0  }
0x8b: {  	[sflag:s22] =	ssyncadd.s32 $0xFFFFE000  }
0x8c: {  	[spmem:s19] =	stream.linear.scatter [tilespmem:s21], [sflag:$0x1], $0x2000, $0x38;
	[tilespmem:$0x1E800] =	vst v63  }
0x8d: {  	_ =	swait.ge [sflag:s22], $0x2000  }
0x8e: {  	[sflag:s22] =	ssyncset.done $0x0  }
0x8f: {  	[sflag:s22] =	ssyncadd.s32 $0xFFFFE000  }
0x90: {  	[spmem:s20] =	stream.linear.scatter [tilespmem:s21], [sflag:$0x1], $0x2000, $0x38;
	[tilespmem:$0x1E800] =	vst v63  }
.Ltmp3:
0x91: {  	_ =	swait.ge [sflag:s22], $0x2000;
	(pc) =	sbr.rel @p0 .LBB2_7-.Ltmp3, $3  }
0x92: {  	[sflag:s22] =	ssyncset.done $0x0  }
0x93: {  	[sflag:s22] =	ssyncadd.s32 $0xFFFFE000  }
0x94: {  	[bflag:$0x0] =	sbarrier.arrive $0xFFFF;
	_ =	sdelay $0x1  }
0x95: {  	s0 =	simm.s32 $0x0  }
0x96: {  	[tilespmem:s0], [sflag:$0x1] =	stream.linear.gather [hbm4b:s6+s0], $0x2400, $0x38;
	[tilespmem:$0x1E800] =	vst v63  }
0x97: {  	_ =	swait.ge [sflag:s22], $0x2400  }
0x98: {  	[sflag:s22] =	ssyncset.done $0x0  }
0x99: {  	[sflag:s22] =	ssyncadd.s32 $0xFFFFDC00  }
0x9a: {  	[tilespmem:s23], [sflag:$0x1] =	stream.linear.gather [hbm4b:s7+s0], $0x2400, $0x38;
	[tilespmem:$0x1E800] =	vst v63  }
0x9b: {  	_ =	swait.ge [sflag:s22], $0x2400  }
0x9c: {  	[sflag:s22] =	ssyncset.done $0x0  }
0x9d: {  	s31 =	simm.s32 $0x0;
	[sflag:s22] =	ssyncadd.s32 $0xFFFFDC00  }
0x9e: {  	[tilespmem:s25], [sflag:$0x1] =	stream.indirect.gather [hbm4b:s4+s24], $0x80, s31, s24, $0xb8;
	[tilespmem:$0x1E800] =	vst v63  }
0x9f: {  	_ =	swait.ge [sflag:s22], $0x4000  }
0xa0: {  	[sflag:s22] =	ssyncset.done $0x0  }
0xa1: {  	s31 =	simm.s32 $0x2400;
	[sflag:s22] =	ssyncadd.s32 $0xFFFFC000  }
0xa2: {  	[spmem:s2] =	stream.indirect.scatter.add.f32 [tilespmem:s25], [sflag:$0x1], $0x80, s31, s24, $0xb8;
	[tilespmem:$0x1E800] =	vst v63  }
0xa3: {  	_ =	swait.ge [sflag:s22], $0x4000  }
0xa4: {  	s29 =	simm.s32 $0x200;
	s30 =	simm.s32 $0x400;
	[sflag:s22] =	ssyncset.done $0x0  }
.LBB2_5:
0xa5: {  	s0 =	sshra.s32 s29, $0x2  }
0xa6: {  	[sflag:s22] =	ssyncadd.s32 $0xFFFFC000;
	s29 =	smov.u32 s30;
	s31 =	sadd.s32 $0x200, s30  }
0xa7: {  	[tilespmem:s25], [sflag:$0x1] =	stream.indirect.gather [hbm4b:s4+s24], $0x80, s0, s24, $0xb8;
	[tilespmem:$0x1E800] =	vst v63  }
0xa8: {  	p1 =	seq.s32 s30, $0x8E00;
	_ =	swait.ge [sflag:s22], $0x4000  }
.Ltmp4:
0xa9: {  	[sflag:s22] =	ssyncset.done $0x0;
	(pc) =	sbr.rel @!p1 .LBB2_5-.Ltmp4, $4  }
0xaa: {  	s0 =	sadd.s32 $0x2400, s0;
	[sflag:s22] =	ssyncadd.s32 $0xFFFFC000  }
0xab: {  	[spmem:s2] =	stream.indirect.scatter.add.f32 [tilespmem:s25], [sflag:$0x1], $0x80, s0, s24, $0xb8;
	[tilespmem:$0x1E800] =	vst v63  }
0xac: {  	_ =	swait.ge [sflag:s22], $0x4000  }
0xad: {  	s30 =	smov.u32 s31;
	[sflag:s22] =	ssyncset.done $0x0  }
0xae: {  	s0 =	sshra.s32 s29, $0x2;
	[sflag:s22] =	ssyncadd.s32 $0xFFFFC000  }
0xaf: {  	[tilespmem:s25], [sflag:$0x1] =	stream.indirect.gather [hbm4b:s4+s24], $0x80, s0, s24, $0xb8;
	[tilespmem:$0x1E800] =	vst v63  }
0xb0: {  	_ =	swait.ge [sflag:s22], $0x4000  }
0xb1: {  	[sflag:s22] =	ssyncset.done $0x0  }
.Ltmp5:
0xb2: {  	s0 =	sadd.s32 $0x2400, s0;
	[sflag:s22] =	ssyncadd.s32 $0xFFFFC000;
	(pc) =	sbr.rel .LBB2_8-.Ltmp5, $4  }
0xb3: {  	[spmem:s2] =	stream.indirect.scatter.add.f32 [tilespmem:s25], [sflag:$0x1], $0x80, s0, s24, $0xb8;
	[tilespmem:$0x1E800] =	vst v63  }
0xb4: {  	_ =	swait.ge [sflag:s22], $0x4000  }
0xb5: {  	[sflag:s22] =	ssyncset.done $0x0  }
0xb6: {  	[sflag:s22] =	ssyncadd.s32 $0xFFFFC000  }
.LBB2_9:
0xb7: {  	_ =	sfence.sel $0x180000  }
0xb8: {  	[bflag:$0x0] =	sbarrier.arrive $0xFFFF  }
0xb9: {  	_ =	strace $0x9000004D  }
0xba: {  	[bflag:$0x2] =	sbarrier.arrive $0xFFFF  }
0xbb: {  	p0 =	sne.s32 s1, $0x0;
	s0 =	rddreg [dreg:$0x2]  }
0xbc: {  	s0 =	sadd.s32 @!p0 $0x100000, s0  }
0xbd: {  	[sflag:s0] =	ssyncadd.tile.s32 @!p0 $0x1;
	_ =	shalt  }
.Lfunc_end2:
_tile_overlayer_lowered:
.L_overlay_start_2:
0xbe: {  	(tag) =	ssettag $0x2  }
0xbf: {  	s0 =	rddreg [dreg:$0x0];
	s2 =	stileid.u32  }
0xc0: {  	s1 =	rddreg [dreg:$0x1];
	p0 =	sne.s32 s2, $0x0  }
0xc1: {  	s3 =	rddreg [dreg:$0x2];
	[bflag:$0x3] =	sbarrier.arrive $0xFFFF;
	s2 =	simm.s32 @!p0 $0x1C01  }
0xc2: {  	[timem:s3], [sflag:s2] =	dma.local @!p0 [hbm:s0], s1  }
0xc3: {  	s0 =	simm.s32 @!p0 $0x1  }
0xc4: {  	_ =	swait.ge @!p0 [sflag:s0], s1  }
0xc5: {  	s1 =	ssub.s32 @!p0 $0x0, s1;
	[sflag:s0] =	ssyncset.done @!p0 $0x0  }
0xc6: {  	[sflag:s0] =	ssyncadd.s32 @!p0 s1  }
0xc7: {  	[bflag:$0x3] =	sbarrier.arrive $0xFFFF  }
0xc8: {  	_ =	shalt  }

// kernel: kernel.19.cloned.1.call-start
scs
__scs_entry_jumppad:
0x0: {  	(pc) =	sbr.rel $0x88, $3  }
0x1: {  	(tag) =	ssettag $0x0;
	lr =	simm.s32 $0x1  }
0x2: {  	[smem:$0x3F99] =	sst lr;
	_ =	strace $0xD0000000  }
0x3: {  	_ = 	snop  }
0x4: {  	_ = 	snop  }
0x5: {  	_ = 	snop  }
0x6: {  	_ = 	snop  }
0x7: {  	_ = 	snop  }
__scs_overlays_trampoline_lowered:
0x8: {  	[smem:$0x3FA8] =	sst s0  }
0x9: {  	[smem:$0x3FA9] =	sst s1  }
0xa: {  	[smem:$0x3FAA] =	sst s2  }
0xb: {  	[smem:$0x3FAB] =	sst s3  }
0xc: {  	[smem:$0x3FAC] =	sst s4  }
0xd: {  	[smem:$0x3FAD] =	sst s5  }
0xe: {  	[smem:$0x3FAE] =	sst s6  }
0xf: {  	[smem:$0x3FAF] =	sst s7  }
0x10: {  	[smem:$0x3FB0] =	sst s8  }
0x11: {  	[smem:$0x3FB1] =	sst s9;
	s0 =	simm.s32 @!p0 $0x0  }
0x12: {  	s1 =	sld [smem:$0x3F97];
	s0 =	simm.s32 @p0 $0x1  }
0x13: {  	[smem:$0x3FB2] =	sst s0;
	s0 =	simm.s32 @!p1 $0x0  }
0x14: {  	s2 =	sld [smem:$0x3F96];
	s0 =	simm.s32 @p1 $0x1  }
0x15: {  	[smem:$0x3FB3] =	sst s0;
	s0 =	simm.s32 @!p2 $0x0  }
0x16: {  	s3 =	sld [smem:$0x3FDB];
	s0 =	simm.s32 @p2 $0x1  }
0x17: {  	s4 =	simm.s32 $0x1BF5;
	[smem:$0x3FB5] =	sst s0  }
0x18: {  	s0 =	sld [smem:$0x3F98];
	_ =	swait.ge [sflag:s4], $0x0  }
0x19: {  	s7 =	sld [smem:$0x3F99]  }
0x1a: {  	s8 =	sadd.s32 $0xFFFFE003, lr  }
0x1b: {  	s9 =	sadd.s32 $0xFFFFFEF7, lr;
	s5 =	simm.s32 $0xFFFFFFFF;
	p2 =	slt.u32 s8, $0xFFFFF086  }
0x1c: {  	p1 =	slt.u32 s9, $0xF7A;
	s5 =	simm.s32 @!p2 $0x0  }
0x1d: {  	s5 =	simm.s32 @p1 $0x1;
	p0 =	seq.s32 s7, s2  }
0x1e: {  	s7 =	smul.u32 @!p0 $0xF7A, s2;
	p2 =	seq.s32 @!p0 s5, $0x0  }
0x1f: {  	s9 =	smul.u32 $0xF7A, s1;
	s8 =	simm.s32 @!p0 $0x1BF5;
	p2 =	por !p2, p0  }
0x20: {  	[sflag:s8] =	ssyncset.s32 @!p0 $0xFFFFF086;
	s6 =	sadd.s32 @!p0 s3, s7;
	s7 =	simm.s32 @!p0 $0x108  }
0x21: {  	s3 =	sadd.s32 s3, s9;
	s6 =	sadd.s32 @!p0 $0x88, s6;
	s7 =	simm.s32 @p2 $0x1082  }
0x22: {  	[simem:s7], [sflag:s8] =	dma.local @!p0 [hbm:s6], $0xF7A  }
0x23: {  	s9 =	sor.u32 $0xD0000000, s2;
	s6 =	simm.s32 $0x108;
	_ =	swait.ge @!p0 [sflag:s8], $0x0  }
0x24: {  	s3 =	sadd.s32 $0x88, s3;
	s6 =	simm.s32 @!p1 $0x1082;
	[sflag:s4] =	ssyncset.s32 $0xFFFFF086  }
0x25: {  	[simem:s6], [sflag:s4] =	dma.local [hbm:s3], $0xF7A  }
0x26: {  	[smem:$0x3F99] =	sst s1;
	(tag) =	ssettag s2;
	_ =	strace s9  }
0x27: {  	s1 =	sld [smem:$0x3FA9]  }
0x28: {  	s2 =	sld [smem:$0x3FAA]  }
0x29: {  	s4 =	sld [smem:$0x3FAC]  }
0x2a: {  	p0 =	seq.s32 s5, $0x0;
	s5 =	sld [smem:$0x3FAD]  }
0x2b: {  	s6 =	sld [smem:$0x3FAE]  }
0x2c: {  	s7 =	sld [smem:$0x3FAF]  }
0x2d: {  	s3 =	simm.s32 $0x108;
	s8 =	sld [smem:$0x3FB0]  }
0x2e: {  	s3 =	simm.s32 @!p0 $0x1082;
	s9 =	sld [smem:$0x3FB1]  }
0x2f: {  	lr =	sadd.s32 s0, s3;
	s0 =	sld [smem:$0x3FA8]  }
0x30: {  	s3 =	sld [smem:$0x3FAB]  }
0x31: {  	[smem:$0x3FB4] =	sst s10  }
0x32: {  	s10 =	sld [smem:$0x3FB2];
	_ =	sdelay $0x3  }
0x33: {  	p0 =	seq.s32 s10, $0x1;
	s10 =	sld [smem:$0x3FB4];
	_ =	sdelay $0x3  }
0x34: {  	[smem:$0x3FB4] =	sst s10  }
0x35: {  	s10 =	sld [smem:$0x3FB3];
	_ =	sdelay $0x3  }
0x36: {  	p1 =	seq.s32 s10, $0x1;
	s10 =	sld [smem:$0x3FB4];
	_ =	sdelay $0x3  }
0x37: {  	[smem:$0x3FB4] =	sst s10  }
0x38: {  	s10 =	sld [smem:$0x3FB5]  }
0x39: {  	_ = 	snop;
	(pc) =	sbr.ind lr, $3  }
0x3a: {  	_ = 	snop  }
0x3b: {  	_ = 	snop  }
0x3c: {  	p2 =	seq.s32 s10, $0x1;
	s10 =	sld [smem:$0x3FB4]  }
0x3d: {  	_ =	shalt  }
0x3e: {  	_ =	shalt  }
0x3f: {  	_ =	shalt  }
0x40: {  	_ =	shalt  }
0x41: {  	_ =	shalt  }
0x42: {  	_ =	shalt  }
0x43: {  	_ =	shalt  }
0x44: {  	_ =	shalt  }
0x45: {  	_ =	shalt  }
0x46: {  	_ =	shalt  }
0x47: {  	_ =	shalt  }
0x48: {  	_ =	shalt  }
0x49: {  	_ =	shalt  }
0x4a: {  	_ =	shalt  }
0x4b: {  	_ =	shalt  }
0x4c: {  	_ =	shalt  }
0x4d: {  	_ =	shalt  }
0x4e: {  	_ =	shalt  }
0x4f: {  	_ =	shalt  }
0x50: {  	_ =	shalt  }
0x51: {  	_ =	shalt  }
0x52: {  	_ =	shalt  }
0x53: {  	_ =	shalt  }
0x54: {  	_ =	shalt  }
0x55: {  	_ =	shalt  }
0x56: {  	_ =	shalt  }
0x57: {  	_ =	shalt  }
0x58: {  	_ =	shalt  }
0x59: {  	_ =	shalt  }
0x5a: {  	_ =	shalt  }
0x5b: {  	_ =	shalt  }
0x5c: {  	_ =	shalt  }
0x5d: {  	_ =	shalt  }
0x5e: {  	_ =	shalt  }
0x5f: {  	_ =	shalt  }
0x60: {  	_ =	shalt  }
0x61: {  	_ =	shalt  }
0x62: {  	_ =	shalt  }
0x63: {  	_ =	shalt  }
0x64: {  	_ =	shalt  }
0x65: {  	_ =	shalt  }
0x66: {  	_ =	shalt  }
0x67: {  	_ =	shalt  }
0x68: {  	_ =	shalt  }
0x69: {  	_ =	shalt  }
0x6a: {  	_ =	shalt  }
0x6b: {  	_ =	shalt  }
0x6c: {  	_ =	shalt  }
0x6d: {  	_ =	shalt  }
0x6e: {  	_ =	shalt  }
0x6f: {  	_ =	shalt  }
0x70: {  	_ =	shalt  }
0x71: {  	_ =	shalt  }
0x72: {  	_ =	shalt  }
0x73: {  	_ =	shalt  }
0x74: {  	_ =	shalt  }
0x75: {  	_ =	shalt  }
0x76: {  	_ =	shalt  }
0x77: {  	_ =	shalt  }
0x78: {  	_ =	shalt  }
0x79: {  	_ =	shalt  }
0x7a: {  	_ =	shalt  }
0x7b: {  	_ =	shalt  }
0x7c: {  	_ =	shalt  }
0x7d: {  	_ =	shalt  }
0x7e: {  	_ =	shalt  }
0x7f: {  	_ =	shalt  }
0x80: {  	_ =	shalt  }
0x81: {  	_ =	shalt  }
0x82: {  	_ =	shalt  }
0x83: {  	_ =	shalt  }
0x84: {  	_ =	shalt  }
0x85: {  	_ =	shalt  }
0x86: {  	_ =	shalt  }
0x87: {  	_ =	shalt  }
.Lfunc_end0:
.L_simem_size_0:
called_computation.3_lowered:
.L_overlay_start_0:
0x88: {  	s2 =	sld [smem:$0x3FD9]  }
0x89: {  	s3 =	sld [smem:$0x3FFE];
	_ =	sdelay $0x1  }
0x8a: {  	s1 =	srdreg.scid  }
0x8b: {  	s0 =	sand.u32 $0x1, s1  }
0x8c: {  	s16 =	sshll.u32 s0, $0xA;
	s2 =	sadd.s32 s3, s2  }
0x8d: {  	s2 =	sadd.s32 s2, s16  }
0x8e: {  	[smem:$0x3FC0] =	sst s2  }
0x8f: {  	_ = 	snop  }
0x90: {  	(tm) =	ssettm $0x1  }
0x91: {  	s17 =	sld [smem:$0x3FFB];
	_ =	sdelay $0x3  }
0x92: {  	_ =	strace s17  }
0x93: {  	s2 =	sld [smem:$0x3FFC];
	_ =	sdelay $0x3  }
0x94: {  	_ =	strace s2  }
0x95: {  	s2 =	sld [smem:$0x3FFD];
	_ =	sdelay $0x3  }
0x96: {  	_ =	strace s2  }
0x97: {  	_ =	strace $0x8FFFFFFF  }
0x98: {  	s18 =	sld [smem:$0x3FDB];
	_ =	sdelay $0x1  }
0x99: {  	s19 =	simm.s32 $_scs_section_size  }
0x9a: {  	s4 =	simm.s32 $_size__tile_overlayer_lowered;
	s5 =	simm.s32 $_tile_overlayer_lowered  }
0x9b: {  	s22 =	simm.s32 $0x1BFF;
	s21 =	sshll.u32 s5, $0x1;
	s2 =	sadd.s32 s19, s18  }
0x9c: {  	s6 =	simm.s32 $0x0;
	s20 =	sshll.u32 s4, $0x1;
	s4 =	sadd.s32 s21, s2  }
0x9d: {  	[timem:s6], [sflag:s22] =	dma.local [hbm:s4], s20  }
0x9e: {  	_ =	swait.ge [sflag:s22], s20  }
0x9f: {  	s3 =	ssub.s32 $0x0, s20;
	[sflag:s22] =	ssyncset.done $0x0  }
0xa0: {  	[sflag:s22] =	ssyncadd.s32 s3;
	_ =	sdelay $0x1  }
0xa1: {  	s23 =	simm.s32 $0x1B8B  }
0xa2: {  	_ =	swait.ge [sflag:s23], $0x1  }
0xa3: {  	[sflag:s23] =	ssyncset.done $0x0  }
0xa4: {  	s25 =	simm.s32 $0x1B8E;
	s24 =	sld [smem:$0x3FFE];
	[sflag:s23] =	ssyncadd.s32 $0xFFFFFFFF  }
0xa5: {  	s26 =	simm.s32 $execute0_lowered;
	[smem:$0x3FD2] =	sst s25  }
0xa6: {  	s4 =	sshll.u32 s26, $0x1;
	_ =	strace $0x8000004F;
	[dreg:$0x1] =	wrdreg $0xFFFFFFFF  }
0xa7: {  	s28 =	simm.s32 $_size_execute0_lowered;
	s2 =	sadd.s32 s2, s4;
	[dreg:$0x0] =	wrdreg $0x0  }
0xa8: {  	s4 =	sshll.u32 s28, $0x1;
	[dreg:$0x2] =	wrdreg s2  }
0xa9: {  	[dreg:$0x3] =	wrdreg s4  }
0xaa: {  	[dreg:$0x4] =	wrdreg $0xC0  }
0xab: {  	_ =	task [dreg:s6], $0x5FFFF  }
0xac: {  	[dreg:$0x1] =	wrdreg $0xFFFFFFFF  }
0xad: {  	[dreg:$0x0] =	wrdreg $0x60  }
0xae: {  	[dreg:$0x2] =	wrdreg s24  }
0xaf: {  	[dreg:$0x3] =	wrdreg $0xA8000  }
0xb0: {  	[dreg:$0x4] =	wrdreg $0x9  }
0xb1: {  	_ =	task.clear_ibuf [dreg:s6], $0x5FFFF;
	_ =	strace $0x9000004F  }
0xb2: {  	s29 =	simm.s32 $0x9;
	_ =	strace $0x80000051  }
0xb3: {  	_ =	swait.ge [sflag:s29], $0x1  }
0xb4: {  	[sflag:s29] =	ssyncadd.s32 $0xFFFFFFFF  }
0xb5: {  	_ =	strace $0x90000051  }
0xb6: {  	_ =	sfence  }
0xb7: {  	s30 =	sld [smem:$0x0];
	_ =	sdelay $0x2  }
0xb8: {  	s31 =	sshll.u32 s1, $0xD;
	s1 =	sshrl.u32 s1, $0x2  }
0xb9: {  	s3 =	sand.u32 $0x4000, s31;
	s1 =	sadd.s32 s1, s30  }
0xba: {  	s0 =	sor.u32 s3, s0;
	s1 =	sshll.u32 s1, $0x11  }
0xbb: {  	s0 =	sor.u32 s1, s0  }
0xbc: {  	s0 =	sadd.s32 $0x8F2B, s0  }
0xbd: {  	[sflag:s0] =	ssyncadd.remote.s32 $0x1  }
0xbe: {  	_ =	sfence.sel $0xFFFF  }
0xbf: {  	[dreg:$0x0] =	wrdreg $0xFFFFFFFF;
	(pc) =	sbr.abs _section_cstart, $3  }
0xc0: {  	[dreg:$0x1] =	wrdreg $0xFFFFFFFF  }
0xc1: {  	_ =	task.clear_ibuf [dreg:s6], $0x2FFFF;
	_ =	strace $0x9FFFFFFF  }
0xc2: {  	(tm) =	ssettm $0x7FFFFFFF  }
0xc3: {  	_ =	shalt  }
tec
execute0_lowered:
.L_overlay_start_1:
0x0: {  	(tag) =	ssettag $0x1  }
0x1: {  	s0 =	rddreg [dreg:$0x0]  }
0x2: {  	s1 =	srdreg.scid;
	s2 =	rddreg [dreg:$0x1];
	s3 =	simm.s32 $0x0  }
0x3: {  	s21 =	simm.s32 $0x8800;
	s22 =	simm.s32 $0x1;
	s23 =	simm.s32 $0x2400  }
0x4: {  	s24 =	simm.s32 $0x80;
	s25 =	simm.s32 $0x4800;
	s6 =	sand.u32 $0x1, s1  }
0x5: {  	s28 =	simm.s32 $0x0;
	s1 =	stileid.u32;
	s5 =	smul.u32 $0x140000, s6  }
0x6: {  	[smem:$0x7FF] =	sst s3;
	s4 =	sadd.s32 $0x61A00, s0;
	s7 =	smul.u32 $0x14000, s1  }
0x7: {  	s8 =	sadd.s32 $0xCA00, s0;
	s9 =	sadd.s32 $0x7A00, s0;
	s26 =	smul.u32 $0x50000, s1  }
0x8: {  	_ =	strace $0x80000050;
	s29 =	ssub.s32 $0x2, s6;
	s11 =	smul.u32 $0x480, s1  }
0x9: {  	s30 =	sshll.u32 s1, $0x7;
	p0 =	seq.s32 s6, $0x1;
	s10 =	sshrl.u32 s29, $0x1  }
0xa: {  	s31 =	sor.u32 $0x4800, s30;
	s5 =	sadd.s32 s7, s5;
	s7 =	sshrl.u32 s26, $0x2  }
0xb: {  	s12 =	ssub.s32 s29, s10;
	s6 =	sadd.s32 s8, s11;
	s5 =	sshrl.u32 s5, $0x3  }
0xc: {  	s8 =	sadd.s32 s8, s31;
	s26 =	simm.s32 $0x2780;
	s0 =	sadd.s32 s5, s0  }
.Ltmp0:
0xd: {  	s5 =	sadd.s32 s7, s2;
	s7 =	sadd.s32 s9, s11;
	(pc) =	sbr.rel .LBB2_1-.Ltmp0, $4  }
0xe: {  	s9 =	sadd.s32 s9, s31;
	s11 =	smax.u32 s12, $0x1;
	s10 =	sadd.s32 $0x88C00, s0  }
0xf: {  	s12 =	sadd.s32 $0x2000, s5;
	s13 =	sadd.s32 $0x4000, s5;
	s14 =	sadd.s32 $0x6000, s5  }
0x10: {  	s15 =	sadd.s32 $0x8000, s5;
	s16 =	sadd.s32 $0xA000, s5;
	s17 =	sadd.s32 $0xC000, s5  }
0x11: {  	v0 =	vimm.f32 $0.0e+00;
	s18 =	sadd.s32 $0xE000, s5;
	s19 =	sadd.s32 $0x10000, s5;
	s20 =	sadd.s32 $0x12000, s5  }
.LBB2_7:
0x12: {  	[tilespmem:s3], [sflag:$0x1] =	stream.linear.gather [hbm4b:s8+s3], $0x400, $0x38;
	[tilespmem:$0x1E800] =	vst v63  }
0x13: {  	_ =	swait.ge [sflag:s22], $0x400  }
0x14: {  	[sflag:s22] =	ssyncset.done $0x0  }
0x15: {  	[sflag:s22] =	ssyncadd.s32 $0xFFFFFC00  }
0x16: {  	[tilespmem:s23], [sflag:$0x1] =	stream.linear.gather [hbm4b:s9+s3], $0x400, $0x38;
	[tilespmem:$0x1E800] =	vst v63  }
0x17: {  	_ =	swait.ge [sflag:s22], $0x400  }
0x18: {  	[sflag:s22] =	ssyncset.done $0x0  }
0x19: {  	[sflag:s22] =	ssyncadd.s32 $0xFFFFFC00  }
0x1a: {  	[tilespmem:s25], [sflag:$0x1] =	stream.indirect.gather [hbm4b:s4+s24], $0x80, s3, s24, $0xb8;
	[tilespmem:$0x1E800] =	vst v63  }
0x1b: {  	_ =	swait.ge [sflag:s22], $0x4000  }
0x1c: {  	[sflag:s22] =	ssyncset.done $0x0  }
0x1d: {  	[sflag:s22] =	ssyncadd.s32 $0xFFFFC000  }
0x1e: {  	[spmem:s2] =	stream.indirect.scatter.add.f32 [tilespmem:s25], [sflag:$0x1], $0x80, s23, s24, $0xb8;
	[tilespmem:$0x1E800] =	vst v63  }
0x1f: {  	_ =	swait.ge [sflag:s22], $0x4000  }
0x20: {  	[sflag:s22] =	ssyncset.done $0x0  }
0x21: {  	[sflag:s22] =	ssyncadd.s32 $0xFFFFC000  }
0x22: {  	[tilespmem:s25], [sflag:$0x1] =	stream.indirect.gather [hbm4b:s4+s24], $0x80, s24, s24, $0xb8;
	[tilespmem:$0x1E800] =	vst v63  }
0x23: {  	_ =	swait.ge [sflag:s22], $0x4000  }
0x24: {  	[sflag:s22] =	ssyncset.done $0x0  }
0x25: {  	s0 =	simm.s32 $0x2480;
	[sflag:s22] =	ssyncadd.s32 $0xFFFFC000  }
0x26: {  	[spmem:s2] =	stream.indirect.scatter.add.f32 [tilespmem:s25], [sflag:$0x1], $0x80, s0, s24, $0xb8;
	[tilespmem:$0x1E800] =	vst v63  }
0x27: {  	_ =	swait.ge [sflag:s22], $0x4000  }
0x28: {  	[sflag:s22] =	ssyncset.done $0x0  }
0x29: {  	s30 =	simm.s32 $0x100;
	[sflag:s22] =	ssyncadd.s32 $0xFFFFC000  }
0x2a: {  	[tilespmem:s25], [sflag:$0x1] =	stream.indirect.gather [hbm4b:s4+s24], $0x80, s30, s24, $0xb8;
	[tilespmem:$0x1E800] =	vst v63  }
0x2b: {  	_ =	swait.ge [sflag:s22], $0x4000  }
0x2c: {  	[sflag:s22] =	ssyncset.done $0x0  }
0x2d: {  	s31 =	simm.s32 $0x2500;
	[sflag:s22] =	ssyncadd.s32 $0xFFFFC000  }
0x2e: {  	[spmem:s2] =	stream.indirect.scatter.add.f32 [tilespmem:s25], [sflag:$0x1], $0x80, s31, s24, $0xb8;
	[tilespmem:$0x1E800] =	vst v63  }
0x2f: {  	_ =	swait.ge [sflag:s22], $0x4000  }
0x30: {  	[sflag:s22] =	ssyncset.done $0x0  }
0x31: {  	s29 =	simm.s32 $0x180;
	[sflag:s22] =	ssyncadd.s32 $0xFFFFC000  }
0x32: {  	[tilespmem:s25], [sflag:$0x1] =	stream.indirect.gather [hbm4b:s4+s24], $0x80, s29, s24, $0xb8;
	[tilespmem:$0x1E800] =	vst v63  }
0x33: {  	_ =	swait.ge [sflag:s22], $0x4000  }
0x34: {  	[sflag:s22] =	ssyncset.done $0x0  }
0x35: {  	s30 =	simm.s32 $0x2580;
	[sflag:s22] =	ssyncadd.s32 $0xFFFFC000  }
0x36: {  	[spmem:s2] =	stream.indirect.scatter.add.f32 [tilespmem:s25], [sflag:$0x1], $0x80, s30, s24, $0xb8;
	[tilespmem:$0x1E800] =	vst v63  }
0x37: {  	_ =	swait.ge [sflag:s22], $0x4000  }
0x38: {  	[sflag:s22] =	ssyncset.done $0x0  }
0x39: {  	s31 =	simm.s32 $0x200;
	[sflag:s22] =	ssyncadd.s32 $0xFFFFC000  }
0x3a: {  	[tilespmem:s25], [sflag:$0x1] =	stream.indirect.gather [hbm4b:s4+s24], $0x80, s31, s24, $0xb8;
	[tilespmem:$0x1E800] =	vst v63  }
0x3b: {  	_ =	swait.ge [sflag:s22], $0x4000  }
0x3c: {  	[sflag:s22] =	ssyncset.done $0x0  }
0x3d: {  	s29 =	simm.s32 $0x2600;
	[sflag:s22] =	ssyncadd.s32 $0xFFFFC000  }
0x3e: {  	[spmem:s2] =	stream.indirect.scatter.add.f32 [tilespmem:s25], [sflag:$0x1], $0x80, s29, s24, $0xb8;
	[tilespmem:$0x1E800] =	vst v63  }
0x3f: {  	_ =	swait.ge [sflag:s22], $0x4000  }
0x40: {  	[sflag:s22] =	ssyncset.done $0x0  }
0x41: {  	s30 =	simm.s32 $0x280;
	[sflag:s22] =	ssyncadd.s32 $0xFFFFC000  }
0x42: {  	[tilespmem:s25], [sflag:$0x1] =	stream.indirect.gather [hbm4b:s4+s24], $0x80, s30, s24, $0xb8;
	[tilespmem:$0x1E800] =	vst v63  }
0x43: {  	_ =	swait.ge [sflag:s22], $0x4000  }
0x44: {  	[sflag:s22] =	ssyncset.done $0x0  }
0x45: {  	s31 =	simm.s32 $0x2680;
	[sflag:s22] =	ssyncadd.s32 $0xFFFFC000  }
0x46: {  	[spmem:s2] =	stream.indirect.scatter.add.f32 [tilespmem:s25], [sflag:$0x1], $0x80, s31, s24, $0xb8;
	[tilespmem:$0x1E800] =	vst v63  }
0x47: {  	_ =	swait.ge [sflag:s22], $0x4000  }
0x48: {  	[sflag:s22] =	ssyncset.done $0x0  }
0x49: {  	s29 =	simm.s32 $0x300;
	[sflag:s22] =	ssyncadd.s32 $0xFFFFC000  }
0x4a: {  	[tilespmem:s25], [sflag:$0x1] =	stream.indirect.gather [hbm4b:s4+s24], $0x80, s29, s24, $0xb8;
	[tilespmem:$0x1E800] =	vst v63  }
0x4b: {  	_ =	swait.ge [sflag:s22], $0x4000  }
0x4c: {  	[sflag:s22] =	ssyncset.done $0x0  }
0x4d: {  	s30 =	simm.s32 $0x2700;
	[sflag:s22] =	ssyncadd.s32 $0xFFFFC000  }
0x4e: {  	[spmem:s2] =	stream.indirect.scatter.add.f32 [tilespmem:s25], [sflag:$0x1], $0x80, s30, s24, $0xb8;
	[tilespmem:$0x1E800] =	vst v63  }
0x4f: {  	_ =	swait.ge [sflag:s22], $0x4000  }
0x50: {  	[sflag:s22] =	ssyncset.done $0x0  }
0x51: {  	s31 =	simm.s32 $0x380;
	[sflag:s22] =	ssyncadd.s32 $0xFFFFC000  }
0x52: {  	[tilespmem:s25], [sflag:$0x1] =	stream.indirect.gather [hbm4b:s4+s24], $0x80, s31, s24, $0xb8;
	[tilespmem:$0x1E800] =	vst v63  }
0x53: {  	_ =	swait.ge [sflag:s22], $0x4000  }
0x54: {  	[sflag:s22] =	ssyncset.done $0x0  }
0x55: {  	[sflag:s22] =	ssyncadd.s32 $0xFFFFC000  }
0x56: {  	[spmem:s2] =	stream.indirect.scatter.add.f32 [tilespmem:s25], [sflag:$0x1], $0x80, s26, s24, $0xb8;
	[tilespmem:$0x1E800] =	vst v63  }
0x57: {  	_ =	swait.ge [sflag:s22], $0x4000  }
0x58: {  	[sflag:s22] =	ssyncset.done $0x0  }
0x59: {  	[sflag:s22] =	ssyncadd.s32 $0xFFFFC000  }
.LBB2_8:
0x5a: {  	s28 =	sadd.s32 $0x1, s28  }
0x5b: {  	s0 =	sshll.u32 s1, $0x6;
	[bflag:$0x0] =	sbarrier.arrive $0xFFFF;
	p1 =	sne.s32 s28, s11  }
.Ltmp1:
0x5c: {  	s29 =	sshrl.u32 s5, $0x3;
	s0 =	sor.u32 $0x1C01, s0;
	(pc) =	sbr.rel @!p1 .LBB2_9-.Ltmp1, $4  }
0x5d: {  	[hbm:s10], [sflag:s0] =	dma.local [spmem:s29], $0x2800  }
0x5e: {  	_ =	swait.ge [sflag:s22], $0x2800  }
0x5f: {  	[sflag:s22] =	ssyncset.done $0x0  }
0x60: {  	[sflag:s22] =	ssyncadd.s32 $0xFFFFD800  }
.LBB2_1:
0x61: {  	s29 =	sand.u32 $0x7E00, s3  }
0x62: {  	s30 =	sand.u32 $0x70, s3;
	s31 =	sshrl.u32 s29, $0x2  }
0x63: {  	s29 =	simm.s32 $0x40;
	s31 =	sor.u32 s30, s31;
	s30 =	simm.s32 $0x0  }
.LBB2_2:
0x64: {  	p1 =	sne.s32 s29, $0x7FC0  }
0x65: {  	[tilespmem:s31+$0x8800] =	vst v0;
	s30 =	sadd.s32 $0x10, s30;
	s31 =	smov.u32 s29;
	s29 =	sadd.s32 $0x40, s29  }
.Ltmp2:
0x66: {  	(pc) =	sbr.rel @p1 .LBB2_2-.Ltmp2, $4  }
0x67: {  	_ = 	snop  }
0x68: {  	s31 =	sand.u32 $0x7E00, s31  }
0x69: {  	s0 =	sand.u32 $0x70, s30;
	s31 =	sshrl.u32 s31, $0x2  }
0x6a: {  	s31 =	sor.u32 s0, s31  }
0x6b: {  	[tilespmem:s31+$0x8800] =	vst v0  }
0x6c: {  	[spmem:s5] =	stream.linear.scatter [tilespmem:s21], [sflag:$0x1], $0x2000, $0x38;
	[tilespmem:$0x1E800] =	vst v63  }
0x6d: {  	_ =	swait.ge [sflag:s22], $0x2000  }
0x6e: {  	[sflag:s22] =	ssyncset.done $0x0  }
0x6f: {  	[sflag:s22] =	ssyncadd.s32 $0xFFFFE000  }
0x70: {  	[spmem:s12] =	stream.linear.scatter [tilespmem:s21], [sflag:$0x1], $0x2000, $0x38;
	[tilespmem:$0x1E800] =	vst v63  }
0x71: {  	_ =	swait.ge [sflag:s22], $0x2000  }
0x72: {  	[sflag:s22] =	ssyncset.done $0x0  }
0x73: {  	[sflag:s22] =	ssyncadd.s32 $0xFFFFE000  }
0x74: {  	[spmem:s13] =	stream.linear.scatter [tilespmem:s21], [sflag:$0x1], $0x2000, $0x38;
	[tilespmem:$0x1E800] =	vst v63  }
0x75: {  	_ =	swait.ge [sflag:s22], $0x2000  }
0x76: {  	[sflag:s22] =	ssyncset.done $0x0  }
0x77: {  	[sflag:s22] =	ssyncadd.s32 $0xFFFFE000  }
0x78: {  	[spmem:s14] =	stream.linear.scatter [tilespmem:s21], [sflag:$0x1], $0x2000, $0x38;
	[tilespmem:$0x1E800] =	vst v63  }
0x79: {  	_ =	swait.ge [sflag:s22], $0x2000  }
0x7a: {  	[sflag:s22] =	ssyncset.done $0x0  }
0x7b: {  	[sflag:s22] =	ssyncadd.s32 $0xFFFFE000  }
0x7c: {  	[spmem:s15] =	stream.linear.scatter [tilespmem:s21], [sflag:$0x1], $0x2000, $0x38;
	[tilespmem:$0x1E800] =	vst v63  }
0x7d: {  	_ =	swait.ge [sflag:s22], $0x2000  }
0x7e: {  	[sflag:s22] =	ssyncset.done $0x0  }
0x7f: {  	[sflag:s22] =	ssyncadd.s32 $0xFFFFE000  }
0x80: {  	[spmem:s16] =	stream.linear.scatter [tilespmem:s21], [sflag:$0x1], $0x2000, $0x38;
	[tilespmem:$0x1E800] =	vst v63  }
0x81: {  	_ =	swait.ge [sflag:s22], $0x2000  }
0x82: {  	[sflag:s22] =	ssyncset.done $0x0  }
0x83: {  	[sflag:s22] =	ssyncadd.s32 $0xFFFFE000  }
0x84: {  	[spmem:s17] =	stream.linear.scatter [tilespmem:s21], [sflag:$0x1], $0x2000, $0x38;
	[tilespmem:$0x1E800] =	vst v63  }
0x85: {  	_ =	swait.ge [sflag:s22], $0x2000  }
0x86: {  	[sflag:s22] =	ssyncset.done $0x0  }
0x87: {  	[sflag:s22] =	ssyncadd.s32 $0xFFFFE000  }
0x88: {  	[spmem:s18] =	stream.linear.scatter [tilespmem:s21], [sflag:$0x1], $0x2000, $0x38;
	[tilespmem:$0x1E800] =	vst v63  }
0x89: {  	_ =	swait.ge [sflag:s22], $0x2000  }
0x8a: {  	[sflag:s22] =	ssyncset.done $0x0  }
0x8b: {  	[sflag:s22] =	ssyncadd.s32 $0xFFFFE000  }
0x8c: {  	[spmem:s19] =	stream.linear.scatter [tilespmem:s21], [sflag:$0x1], $0x2000, $0x38;
	[tilespmem:$0x1E800] =	vst v63  }
0x8d: {  	_ =	swait.ge [sflag:s22], $0x2000  }
0x8e: {  	[sflag:s22] =	ssyncset.done $0x0  }
0x8f: {  	[sflag:s22] =	ssyncadd.s32 $0xFFFFE000  }
0x90: {  	[spmem:s20] =	stream.linear.scatter [tilespmem:s21], [sflag:$0x1], $0x2000, $0x38;
	[tilespmem:$0x1E800] =	vst v63  }
.Ltmp3:
0x91: {  	_ =	swait.ge [sflag:s22], $0x2000;
	(pc) =	sbr.rel @p0 .LBB2_7-.Ltmp3, $3  }
0x92: {  	[sflag:s22] =	ssyncset.done $0x0  }
0x93: {  	[sflag:s22] =	ssyncadd.s32 $0xFFFFE000  }
0x94: {  	[bflag:$0x0] =	sbarrier.arrive $0xFFFF;
	_ =	sdelay $0x1  }
0x95: {  	s0 =	simm.s32 $0x0  }
0x96: {  	[tilespmem:s0], [sflag:$0x1] =	stream.linear.gather [hbm4b:s6+s0], $0x2400, $0x38;
	[tilespmem:$0x1E800] =	vst v63  }
0x97: {  	_ =	swait.ge [sflag:s22], $0x2400  }
0x98: {  	[sflag:s22] =	ssyncset.done $0x0  }
0x99: {  	[sflag:s22] =	ssyncadd.s32 $0xFFFFDC00  }
0x9a: {  	[tilespmem:s23], [sflag:$0x1] =	stream.linear.gather [hbm4b:s7+s0], $0x2400, $0x38;
	[tilespmem:$0x1E800] =	vst v63  }
0x9b: {  	_ =	swait.ge [sflag:s22], $0x2400  }
0x9c: {  	[sflag:s22] =	ssyncset.done $0x0  }
0x9d: {  	s31 =	simm.s32 $0x0;
	[sflag:s22] =	ssyncadd.s32 $0xFFFFDC00  }
0x9e: {  	[tilespmem:s25], [sflag:$0x1] =	stream.indirect.gather [hbm4b:s4+s24], $0x80, s31, s24, $0xb8;
	[tilespmem:$0x1E800] =	vst v63  }
0x9f: {  	_ =	swait.ge [sflag:s22], $0x4000  }
0xa0: {  	[sflag:s22] =	ssyncset.done $0x0  }
0xa1: {  	s31 =	simm.s32 $0x2400;
	[sflag:s22] =	ssyncadd.s32 $0xFFFFC000  }
0xa2: {  	[spmem:s2] =	stream.indirect.scatter.add.f32 [tilespmem:s25], [sflag:$0x1], $0x80, s31, s24, $0xb8;
	[tilespmem:$0x1E800] =	vst v63  }
0xa3: {  	_ =	swait.ge [sflag:s22], $0x4000  }
0xa4: {  	s29 =	simm.s32 $0x200;
	s30 =	simm.s32 $0x400;
	[sflag:s22] =	ssyncset.done $0x0  }
.LBB2_5:
0xa5: {  	s0 =	sshra.s32 s29, $0x2  }
0xa6: {  	[sflag:s22] =	ssyncadd.s32 $0xFFFFC000;
	s29 =	smov.u32 s30;
	s31 =	sadd.s32 $0x200, s30  }
0xa7: {  	[tilespmem:s25], [sflag:$0x1] =	stream.indirect.gather [hbm4b:s4+s24], $0x80, s0, s24, $0xb8;
	[tilespmem:$0x1E800] =	vst v63  }
0xa8: {  	p1 =	seq.s32 s30, $0x8E00;
	_ =	swait.ge [sflag:s22], $0x4000  }
.Ltmp4:
0xa9: {  	[sflag:s22] =	ssyncset.done $0x0;
	(pc) =	sbr.rel @!p1 .LBB2_5-.Ltmp4, $4  }
0xaa: {  	s0 =	sadd.s32 $0x2400, s0;
	[sflag:s22] =	ssyncadd.s32 $0xFFFFC000  }
0xab: {  	[spmem:s2] =	stream.indirect.scatter.add.f32 [tilespmem:s25], [sflag:$0x1], $0x80, s0, s24, $0xb8;
	[tilespmem:$0x1E800] =	vst v63  }
0xac: {  	_ =	swait.ge [sflag:s22], $0x4000  }
0xad: {  	s30 =	smov.u32 s31;
	[sflag:s22] =	ssyncset.done $0x0  }
0xae: {  	s0 =	sshra.s32 s29, $0x2;
	[sflag:s22] =	ssyncadd.s32 $0xFFFFC000  }
0xaf: {  	[tilespmem:s25], [sflag:$0x1] =	stream.indirect.gather [hbm4b:s4+s24], $0x80, s0, s24, $0xb8;
	[tilespmem:$0x1E800] =	vst v63  }
0xb0: {  	_ =	swait.ge [sflag:s22], $0x4000  }
0xb1: {  	[sflag:s22] =	ssyncset.done $0x0  }
.Ltmp5:
0xb2: {  	s0 =	sadd.s32 $0x2400, s0;
	[sflag:s22] =	ssyncadd.s32 $0xFFFFC000;
	(pc) =	sbr.rel .LBB2_8-.Ltmp5, $4  }
0xb3: {  	[spmem:s2] =	stream.indirect.scatter.add.f32 [tilespmem:s25], [sflag:$0x1], $0x80, s0, s24, $0xb8;
	[tilespmem:$0x1E800] =	vst v63  }
0xb4: {  	_ =	swait.ge [sflag:s22], $0x4000  }
0xb5: {  	[sflag:s22] =	ssyncset.done $0x0  }
0xb6: {  	[sflag:s22] =	ssyncadd.s32 $0xFFFFC000  }
.LBB2_9:
0xb7: {  	_ =	sfence.sel $0x180000  }
0xb8: {  	[bflag:$0x0] =	sbarrier.arrive $0xFFFF  }
0xb9: {  	_ =	strace $0x90000050  }
0xba: {  	[bflag:$0x2] =	sbarrier.arrive $0xFFFF  }
0xbb: {  	p0 =	sne.s32 s1, $0x0;
	s0 =	rddreg [dreg:$0x2]  }
0xbc: {  	s0 =	sadd.s32 @!p0 $0x100000, s0  }
0xbd: {  	[sflag:s0] =	ssyncadd.tile.s32 @!p0 $0x1;
	_ =	shalt  }
.Lfunc_end2:
_tile_overlayer_lowered:
.L_overlay_start_2:
0xbe: {  	(tag) =	ssettag $0x2  }
0xbf: {  	s0 =	rddreg [dreg:$0x0];
	s2 =	stileid.u32  }
0xc0: {  	s1 =	rddreg [dreg:$0x1];
	p0 =	sne.s32 s2, $0x0  }
0xc1: {  	s3 =	rddreg [dreg:$0x2];
	[bflag:$0x3] =	sbarrier.arrive $0xFFFF;
	s2 =	simm.s32 @!p0 $0x1C01  }
0xc2: {  	[timem:s3], [sflag:s2] =	dma.local @!p0 [hbm:s0], s1  }
0xc3: {  	s0 =	simm.s32 @!p0 $0x1  }
0xc4: {  	_ =	swait.ge @!p0 [sflag:s0], s1  }
0xc5: {  	s1 =	ssub.s32 @!p0 $0x0, s1;
	[sflag:s0] =	ssyncset.done @!p0 $0x0  }
0xc6: {  	[sflag:s0] =	ssyncadd.s32 @!p0 s1  }
0xc7: {  	[bflag:$0x3] =	sbarrier.arrive $0xFFFF  }
0xc8: {  	_ =	shalt  }

</sc_bundles>
